<compile_context>
chip_gen: v7x
topology: tpu7x:2x2x1
jax: 0.10.2.dev20260603
libtpu: 0.0.44.dev20260713+nightly
codegen_flags: <defaults>
</compile_context>

<pallas_src>
import functools

import jax
import jax.numpy as jnp
from jax import lax
from jax.experimental import pallas as pl
from jax.experimental.pallas import tpu as pltpu
from jax.experimental.pallas import tpu_sc as plsc

N = 16384
B = 16
LANES = 16
NB = 8
NP = NB // 2
NUM_TILES = 32
BATCH_GROUPS = B // NB
NUM_RANGES = NUM_TILES // BATCH_GROUPS
CHUNK = 4096
UNROLL = 4


@functools.partial(jax.jit, static_argnames=("per_range", "nnz"))
def _sc_partials(zz, rc, vals, rc_tail, vals_tail, per_range, nnz):
    nc2 = per_range // (2 * CHUNK)
    last_base = (NUM_RANGES - 1) * per_range
    last_len = nnz - last_base
    last_full = last_len // CHUNK
    last_nc2 = last_full // 2
    last_odd = last_full % 2
    gpc = CHUNK // LANES
    mesh = plsc.VectorSubcoreMesh(
        core_axis_name="c", subcore_axis_name="s", num_cores=2, num_subcores=16
    )

    @functools.partial(
        pl.kernel,
        out_type=jax.ShapeDtypeStruct((NUM_TILES, NB, LANES), jnp.float32),
        mesh=mesh,
        compiler_params=pltpu.CompilerParams(needs_layout_passes=False),
        scratch_types=[
            pltpu.VMEM((N,), jnp.int32),
            pltpu.VMEM((N,), jnp.int32),
            pltpu.VMEM((N,), jnp.int32),
            pltpu.VMEM((N,), jnp.int32),
            pltpu.VMEM((CHUNK,), jnp.int32),
            pltpu.VMEM((CHUNK,), jnp.int32),
            pltpu.VMEM((CHUNK,), jnp.float32),
            pltpu.VMEM((CHUNK,), jnp.float32),
            pltpu.VMEM((NB, LANES), jnp.float32),
            pltpu.SemaphoreType.DMA,
            pltpu.SemaphoreType.DMA,
            pltpu.SemaphoreType.DMA,
            pltpu.SemaphoreType.DMA,
        ],
    )
    def body(zz_hbm, rc_hbm, vals_hbm, rct_hbm, vt_hbm, out_hbm,
             zz0, zz1, zz2, zz3, rc0, rc1, v0, v1, accv,
             sa_rc, sa_v, sb_rc, sb_v):
        c = lax.axis_index("c")
        s = lax.axis_index("s")
        wid = c * 16 + s
        g = wid // NUM_RANGES
        rid = wid % NUM_RANGES
        is_last = rid == NUM_RANGES - 1
        zzrefs = [zz0, zz1, zz2, zz3]
        for p in range(NP):
            pltpu.sync_copy(zz_hbm.at[g * NP + p], zzrefs[p])
        base = rid * per_range

        def start(cidx, rcb, vb, sem_rc, sem_v):
            off = base + cidx * CHUNK
            pltpu.async_copy(rc_hbm.at[pl.ds(off, CHUNK)], rcb, sem_rc)
            pltpu.async_copy(vals_hbm.at[pl.ds(off, CHUNK)], vb, sem_v)

        def wait(cidx, rcb, vb, sem_rc, sem_v):
            off = base + cidx * CHUNK
            pltpu.make_async_copy(rc_hbm.at[pl.ds(off, CHUNK)], rcb, sem_rc).wait()
            pltpu.make_async_copy(vals_hbm.at[pl.ds(off, CHUNK)], vb, sem_v).wait()

        def process(rcb, vb, accs):
            def grp(jj, accs):
                accs = list(accs)
                for u in range(UNROLL):
                    goff = (jj * UNROLL + u) * LANES
                    rcv = rcb[pl.ds(goff, LANES)]
                    v = vb[pl.ds(goff, LANES)]
                    ir = lax.shift_right_logical(rcv, 14)
                    ic = lax.bitwise_and(rcv, 16383)
                    for p in range(NP):
                        zr = plsc.load_gather(zzrefs[p], [ir])
                        zc = plsc.load_gather(zzrefs[p], [ic])
                        prod = (plsc.bitcast(zr, jnp.bfloat16)
                                * plsc.bitcast(zc, jnp.bfloat16))
                        pa, pb = plsc.unpack(prod,
                                             format=plsc.PackFormat.INTERLEAVED)
                        accs[2 * p] = accs[2 * p] + v * pa
                        accs[2 * p + 1] = accs[2 * p + 1] + v * pb
                return tuple(accs)

            return lax.fori_loop(0, gpc // UNROLL, grp, accs)

        my_nc2 = jnp.where(is_last, last_nc2, nc2)
        start(0, rc0, v0, sa_rc, sa_v)

        def body2(k2, accs):
            c0 = 2 * k2
            start(c0 + 1, rc1, v1, sb_rc, sb_v)
            wait(c0, rc0, v0, sa_rc, sa_v)
            accs = process(rc0, v0, accs)

            @pl.when(k2 + 1 < my_nc2)
            def _():
                start(c0 + 2, rc0, v0, sa_rc, sa_v)

            wait(c0 + 1, rc1, v1, sb_rc, sb_v)
            accs = process(rc1, v1, accs)
            return accs

        zero = jnp.zeros((LANES,), jnp.float32)
        accs = lax.fori_loop(0, my_nc2, body2, (zero,) * NB)

        def tail_work(accs_l):
            if last_odd:
                offc = base + (last_full - 1) * CHUNK
                pltpu.sync_copy(rc_hbm.at[pl.ds(offc, CHUNK)], rc0)
                pltpu.sync_copy(vals_hbm.at[pl.ds(offc, CHUNK)], v0)
                accs_l = process(rc0, v0, accs_l)
            pltpu.sync_copy(rct_hbm, rc1)
            pltpu.sync_copy(vt_hbm, v1)
            return process(rc1, v1, accs_l)

        accs = lax.cond(is_last, tail_work, lambda a: tuple(a), accs)

        for b in range(NB):
            accv[b, :] = accs[b]
        pltpu.sync_copy(accv, out_hbm.at[wid])

    return body(zz, rc, vals, rc_tail, vals_tail)


def kernel(z, rows, cols, vals):
    nnz = rows.shape[0]
    per_range = -(-(nnz // NUM_RANGES) // (2 * CHUNK)) * (2 * CHUNK)
    assert (NUM_RANGES - 1) * per_range <= nnz
    rc = rows.astype(jnp.int32) * N + cols.astype(jnp.int32)
    last_base = (NUM_RANGES - 1) * per_range
    cut = last_base + ((nnz - last_base) // CHUNK) * CHUNK
    tail_n = nnz - cut
    rc_tail = jnp.zeros((CHUNK,), jnp.int32).at[:tail_n].set(rc[cut:])
    vals_tail = jnp.zeros((CHUNK,), jnp.float32).at[:tail_n].set(vals[cut:])
    zb = jax.lax.bitcast_convert_type(z.astype(jnp.bfloat16), jnp.uint16)
    lo = zb[0::2].astype(jnp.uint32)
    hi = zb[1::2].astype(jnp.uint32)
    zz = jax.lax.bitcast_convert_type(lo | (hi << 16), jnp.int32)
    partials = _sc_partials(zz, rc, vals, rc_tail, vals_tail, per_range, nnz)
    per_tile = partials.sum(axis=2)
    totals = per_tile.reshape(BATCH_GROUPS, NUM_RANGES, NB).sum(axis=1)
    return jnp.mean(jnp.sqrt(totals.reshape(B)))

# --- scband reference (transcript-rebuilt; emitter-appended) ---
"""Pipeline reference for scband-femloss-4226247819613 (READ-ONLY COPY).

The authoritative reference and input builder live on the scoring server;
editing this copy changes nothing except your own understanding.
"""

import jax, jax.numpy as jnp
import numpy as np

N = 16384
NNZ = 2684354  # int(16384*16384*0.01)
B = 16
DIAG_VAL = 200.0  # ensures symmetric part of M is diagonally dominant -> z^T M z >= 0


def setup_inputs(seed: int = 0) -> dict:
    key = jax.random.key(seed)
    k1, k2, k3, k4 = jax.random.split(key, 4)
    rows = jax.random.randint(k1, (NNZ,), 0, N)
    cols = jax.random.randint(k2, (NNZ,), 0, N)
    vals = jax.random.uniform(k3, (NNZ,), dtype=jnp.float32)
    # append a strong diagonal so the quadratic form z^T M z is positive (sqrt stays real)
    diag_idx = jnp.arange(N, dtype=rows.dtype)
    rows = jnp.concatenate([rows, diag_idx])
    cols = jnp.concatenate([cols, diag_idx])
    vals = jnp.concatenate([vals, DIAG_VAL * jnp.ones((N,), dtype=jnp.float32)])
    z = jax.random.normal(k4, (B, N), dtype=jnp.float32)
    return {"z": z, "rows": rows, "cols": cols, "vals": vals}


def reference(z, rows, cols, vals):
    # torch: Mz = torch.mm(self.M, z.T)  with M sparse COO (N,N)
    zT = z.T  # (N, B)
    gathered = jnp.take(zT, cols, axis=0) * vals[:, None]       # gather z rows per nnz
    Mz = jax.ops.segment_sum(gathered, rows, num_segments=N)    # scatter-add into output rows -> (N, B)
    # err = sqrt(sum(z.T * Mz, dim=0)); return mean(err)
    err = jnp.sqrt(jnp.sum(zT * Mz, axis=0))                    # (B,)
    return jnp.mean(err)

if __name__ == "__main__":
    import jax
    _d = setup_inputs()
    print(jax.jit(kernel)(*tuple(_d.values())))

</pallas_src>

<mosaic_0001>
#map = affine_map<(d0, d1) -> (0, 0)>
#map1 = affine_map<(d0, d1) -> (0)>
#map2 = affine_map<(d0, d1) -> (0, 0, 0)>
module attributes {stable_mosaic.version = 14 : i64} {
  func.func @body(%arg0: i32, %arg1: i32, %arg2: memref<8x16384xi32, #tpu.memory_space<hbm>>, %arg3: memref<2700738xi32, #tpu.memory_space<hbm>>, %arg4: memref<2700738xf32, #tpu.memory_space<hbm>>, %arg5: memref<4096xi32, #tpu.memory_space<hbm>>, %arg6: memref<4096xf32, #tpu.memory_space<hbm>>, %arg7: memref<32x8x16xf32, #tpu.memory_space<hbm>>, %arg8: memref<16384xi32, #tpu.memory_space<vmem>>, %arg9: memref<16384xi32, #tpu.memory_space<vmem>>, %arg10: memref<16384xi32, #tpu.memory_space<vmem>>, %arg11: memref<16384xi32, #tpu.memory_space<vmem>>, %arg12: memref<4096xi32, #tpu.memory_space<vmem>>, %arg13: memref<4096xi32, #tpu.memory_space<vmem>>, %arg14: memref<4096xf32, #tpu.memory_space<vmem>>, %arg15: memref<4096xf32, #tpu.memory_space<vmem>>, %arg16: memref<8x16xf32, #tpu.memory_space<vmem>>, %arg17: memref<!tpu.dma_semaphore, #tpu.memory_space<semaphore_mem>>, %arg18: memref<!tpu.dma_semaphore, #tpu.memory_space<semaphore_mem>>, %arg19: memref<!tpu.dma_semaphore, #tpu.memory_space<semaphore_mem>>, %arg20: memref<!tpu.dma_semaphore, #tpu.memory_space<semaphore_mem>>) attributes {dimension_semantics = [#tpu.dimension_semantics<core_parallel>, #tpu.dimension_semantics<subcore_parallel>], iteration_bounds = array<i64: 2, 16>, scalar_prefetch = 0 : i64, scratch_operands = 13 : i64, tpu.core_type = #tpu.core_type<sc_vector_subcore>, window_params = [{transform_indices = #map}, {transform_indices = #map1}, {transform_indices = #map1}, {transform_indices = #map1}, {transform_indices = #map1}, {transform_indices = #map2}]} {
    %mul3A = arith.constant 16 : i32
    %mul3A_0 = arith.muli %arg0, %mul3A : i32
    %add3A = arith.addi %mul3A_0, %arg1 : i32
    %jit3A = arith.constant 16 : i32
    %div3A = arith.divsi %add3A, %jit3A : i32
    %sign3A = arith.constant 0 : i32
    %sign3A_1 = arith.cmpi sgt, %add3A, %sign3A : i32
    %sign3A_2 = arith.extui %sign3A_1 : i1 to i32
    %sign3A_3 = arith.constant 0 : i32
    %sign3A_4 = arith.cmpi slt, %add3A, %sign3A_3 : i32
    %sign3A_5 = arith.extui %sign3A_4 : i1 to i32
    %sign3A_6 = arith.subi %sign3A_2, %sign3A_5 : i32
    %sign3A_7 = arith.constant 0 : i32
    %sign3A_8 = arith.cmpi sgt, %jit3A, %sign3A_7 : i32
    %sign3A_9 = arith.extui %sign3A_8 : i1 to i32
    %sign3A_10 = arith.constant 0 : i32
    %sign3A_11 = arith.cmpi slt, %jit3A, %sign3A_10 : i32
    %sign3A_12 = arith.extui %sign3A_11 : i1 to i32
    %sign3A_13 = arith.subi %sign3A_9, %sign3A_12 : i32
    %ne3A = arith.cmpi ne, %sign3A_6, %sign3A_13 : i32
    %rem3A = arith.remsi %add3A, %jit3A : i32
    %ne3A_14 = arith.constant 0 : i32
    %ne3A_15 = arith.cmpi ne, %rem3A, %ne3A_14 : i32
    %and3A = arith.andi %ne3A, %ne3A_15 : i1
    %sub3A = arith.constant 1 : i32
    %sub3A_16 = arith.subi %div3A, %sub3A : i32
    %select_n3A = arith.select %and3A, %sub3A_16, %div3A : i32
    %jit3A_17 = arith.constant 16 : i32
    %eq3A = arith.constant 0 : i32
    %eq3A_18 = arith.cmpi eq, %jit3A_17, %eq3A : i32
    %jit3A_19 = arith.constant 1 : i32
    %select_n3A_20 = arith.select %eq3A_18, %jit3A_19, %jit3A_17 : i32
    %rem3A_21 = arith.remsi %add3A, %select_n3A_20 : i32
    %ne3A_22 = arith.constant 0 : i32
    %ne3A_23 = arith.cmpi ne, %rem3A_21, %ne3A_22 : i32
    %lt3A = arith.constant 0 : i32
    %lt3A_24 = arith.cmpi slt, %rem3A_21, %lt3A : i32
    %lt3A_25 = arith.constant 0 : i32
    %lt3A_26 = arith.cmpi slt, %select_n3A_20, %lt3A_25 : i32
    %ne3A_27 = arith.xori %lt3A_24, %lt3A_26 : i1
    %and3A_28 = arith.andi %ne3A_27, %ne3A_23 : i1
    %add3A_29 = arith.addi %rem3A_21, %select_n3A_20 : i32
    %select_n3A_30 = arith.select %and3A_28, %add3A_29, %rem3A_21 : i32
    %eq3A_31 = arith.constant 15 : i32
    %eq3A_32 = arith.cmpi eq, %select_n3A_30, %eq3A_31 : i32
    %mul3A_33 = arith.constant 4 : i32
    %mul3A_34 = arith.muli %select_n3A, %mul3A_33 : i32
    %add3A_35 = arith.constant 0 : i32
    %add3A_36 = arith.addi %mul3A_34, %add3A_35 : i32
    "tpu.region"() ({
      %run_scoped3A = tpu.sem_alloc : memref<!tpu.dma_semaphore, #tpu.memory_space<semaphore_mem>>
      %dma_start3A_103 = arith.constant 0 : i32
      %dma_start3A_104 = tpu.memref_slice %arg2[%add3A_36, %dma_start3A_103] : memref<8x16384xi32, #tpu.memory_space<hbm>> -> memref<1x16384xi32, #tpu.memory_space<hbm>>
      %dma_start3A_105 = tpu.memref_squeeze %dma_start3A_104 : memref<1x16384xi32, #tpu.memory_space<hbm>> -> memref<16384xi32, #tpu.memory_space<hbm>>
      %dma_start3A_106 = arith.constant 0 : i32
      %dma_start3A_107 = tpu.memref_slice %arg2[%add3A_36, %dma_start3A_106] : memref<8x16384xi32, #tpu.memory_space<hbm>> -> memref<1x16384xi32, #tpu.memory_space<hbm>>
      %dma_start3A_108 = tpu.memref_squeeze %dma_start3A_107 : memref<1x16384xi32, #tpu.memory_space<hbm>> -> memref<16384xi32, #tpu.memory_space<hbm>>
      tpu.enqueue_dma source(%dma_start3A_108 : memref<16384xi32, #tpu.memory_space<hbm>>) target(%arg8 : memref<16384xi32, #tpu.memory_space<vmem>>) target_semaphore(%run_scoped3A : memref<!tpu.dma_semaphore, #tpu.memory_space<semaphore_mem>>)
      %dma_wait3A = arith.constant 0 : i32
      %dma_wait3A_109 = tpu.memref_slice %arg2[%add3A_36, %dma_wait3A] : memref<8x16384xi32, #tpu.memory_space<hbm>> -> memref<1x16384xi32, #tpu.memory_space<hbm>>
      %dma_wait3A_110 = tpu.memref_squeeze %dma_wait3A_109 : memref<1x16384xi32, #tpu.memory_space<hbm>> -> memref<16384xi32, #tpu.memory_space<hbm>>
      %dma_wait3A_111 = arith.constant 0 : i32
      %dma_wait3A_112 = tpu.memref_slice %arg2[%add3A_36, %dma_wait3A_111] : memref<8x16384xi32, #tpu.memory_space<hbm>> -> memref<1x16384xi32, #tpu.memory_space<hbm>>
      %dma_wait3A_113 = tpu.memref_squeeze %dma_wait3A_112 : memref<1x16384xi32, #tpu.memory_space<hbm>> -> memref<16384xi32, #tpu.memory_space<hbm>>
      tpu.wait_dma2 semaphore(%run_scoped3A : memref<!tpu.dma_semaphore, #tpu.memory_space<semaphore_mem>>) src(%dma_wait3A_113 : memref<16384xi32, #tpu.memory_space<hbm>>) dst(%arg8 : memref<16384xi32, #tpu.memory_space<vmem>>)
      tpu.yield
    }) : () -> ()
    %mul3A_37 = arith.constant 4 : i32
    %mul3A_38 = arith.muli %select_n3A, %mul3A_37 : i32
    %add3A_39 = arith.constant 1 : i32
    %add3A_40 = arith.addi %mul3A_38, %add3A_39 : i32
    "tpu.region"() ({
      %run_scoped3A = tpu.sem_alloc : memref<!tpu.dma_semaphore, #tpu.memory_space<semaphore_mem>>
      %dma_start3A_103 = arith.constant 0 : i32
      %dma_start3A_104 = tpu.memref_slice %arg2[%add3A_40, %dma_start3A_103] : memref<8x16384xi32, #tpu.memory_space<hbm>> -> memref<1x16384xi32, #tpu.memory_space<hbm>>
      %dma_start3A_105 = tpu.memref_squeeze %dma_start3A_104 : memref<1x16384xi32, #tpu.memory_space<hbm>> -> memref<16384xi32, #tpu.memory_space<hbm>>
      %dma_start3A_106 = arith.constant 0 : i32
      %dma_start3A_107 = tpu.memref_slice %arg2[%add3A_40, %dma_start3A_106] : memref<8x16384xi32, #tpu.memory_space<hbm>> -> memref<1x16384xi32, #tpu.memory_space<hbm>>
      %dma_start3A_108 = tpu.memref_squeeze %dma_start3A_107 : memref<1x16384xi32, #tpu.memory_space<hbm>> -> memref<16384xi32, #tpu.memory_space<hbm>>
      tpu.enqueue_dma source(%dma_start3A_108 : memref<16384xi32, #tpu.memory_space<hbm>>) target(%arg9 : memref<16384xi32, #tpu.memory_space<vmem>>) target_semaphore(%run_scoped3A : memref<!tpu.dma_semaphore, #tpu.memory_space<semaphore_mem>>)
      %dma_wait3A = arith.constant 0 : i32
      %dma_wait3A_109 = tpu.memref_slice %arg2[%add3A_40, %dma_wait3A] : memref<8x16384xi32, #tpu.memory_space<hbm>> -> memref<1x16384xi32, #tpu.memory_space<hbm>>
      %dma_wait3A_110 = tpu.memref_squeeze %dma_wait3A_109 : memref<1x16384xi32, #tpu.memory_space<hbm>> -> memref<16384xi32, #tpu.memory_space<hbm>>
      %dma_wait3A_111 = arith.constant 0 : i32
      %dma_wait3A_112 = tpu.memref_slice %arg2[%add3A_40, %dma_wait3A_111] : memref<8x16384xi32, #tpu.memory_space<hbm>> -> memref<1x16384xi32, #tpu.memory_space<hbm>>
      %dma_wait3A_113 = tpu.memref_squeeze %dma_wait3A_112 : memref<1x16384xi32, #tpu.memory_space<hbm>> -> memref<16384xi32, #tpu.memory_space<hbm>>
      tpu.wait_dma2 semaphore(%run_scoped3A : memref<!tpu.dma_semaphore, #tpu.memory_space<semaphore_mem>>) src(%dma_wait3A_113 : memref<16384xi32, #tpu.memory_space<hbm>>) dst(%arg9 : memref<16384xi32, #tpu.memory_space<vmem>>)
      tpu.yield
    }) : () -> ()
    %mul3A_41 = arith.constant 4 : i32
    %mul3A_42 = arith.muli %select_n3A, %mul3A_41 : i32
    %add3A_43 = arith.constant 2 : i32
    %add3A_44 = arith.addi %mul3A_42, %add3A_43 : i32
    "tpu.region"() ({
      %run_scoped3A = tpu.sem_alloc : memref<!tpu.dma_semaphore, #tpu.memory_space<semaphore_mem>>
      %dma_start3A_103 = arith.constant 0 : i32
      %dma_start3A_104 = tpu.memref_slice %arg2[%add3A_44, %dma_start3A_103] : memref<8x16384xi32, #tpu.memory_space<hbm>> -> memref<1x16384xi32, #tpu.memory_space<hbm>>
      %dma_start3A_105 = tpu.memref_squeeze %dma_start3A_104 : memref<1x16384xi32, #tpu.memory_space<hbm>> -> memref<16384xi32, #tpu.memory_space<hbm>>
      %dma_start3A_106 = arith.constant 0 : i32
      %dma_start3A_107 = tpu.memref_slice %arg2[%add3A_44, %dma_start3A_106] : memref<8x16384xi32, #tpu.memory_space<hbm>> -> memref<1x16384xi32, #tpu.memory_space<hbm>>
      %dma_start3A_108 = tpu.memref_squeeze %dma_start3A_107 : memref<1x16384xi32, #tpu.memory_space<hbm>> -> memref<16384xi32, #tpu.memory_space<hbm>>
      tpu.enqueue_dma source(%dma_start3A_108 : memref<16384xi32, #tpu.memory_space<hbm>>) target(%arg10 : memref<16384xi32, #tpu.memory_space<vmem>>) target_semaphore(%run_scoped3A : memref<!tpu.dma_semaphore, #tpu.memory_space<semaphore_mem>>)
      %dma_wait3A = arith.constant 0 : i32
      %dma_wait3A_109 = tpu.memref_slice %arg2[%add3A_44, %dma_wait3A] : memref<8x16384xi32, #tpu.memory_space<hbm>> -> memref<1x16384xi32, #tpu.memory_space<hbm>>
      %dma_wait3A_110 = tpu.memref_squeeze %dma_wait3A_109 : memref<1x16384xi32, #tpu.memory_space<hbm>> -> memref<16384xi32, #tpu.memory_space<hbm>>
      %dma_wait3A_111 = arith.constant 0 : i32
      %dma_wait3A_112 = tpu.memref_slice %arg2[%add3A_44, %dma_wait3A_111] : memref<8x16384xi32, #tpu.memory_space<hbm>> -> memref<1x16384xi32, #tpu.memory_space<hbm>>
      %dma_wait3A_113 = tpu.memref_squeeze %dma_wait3A_112 : memref<1x16384xi32, #tpu.memory_space<hbm>> -> memref<16384xi32, #tpu.memory_space<hbm>>
      tpu.wait_dma2 semaphore(%run_scoped3A : memref<!tpu.dma_semaphore, #tpu.memory_space<semaphore_mem>>) src(%dma_wait3A_113 : memref<16384xi32, #tpu.memory_space<hbm>>) dst(%arg10 : memref<16384xi32, #tpu.memory_space<vmem>>)
      tpu.yield
    }) : () -> ()
    %mul3A_45 = arith.constant 4 : i32
    %mul3A_46 = arith.muli %select_n3A, %mul3A_45 : i32
    %add3A_47 = arith.constant 3 : i32
    %add3A_48 = arith.addi %mul3A_46, %add3A_47 : i32
    "tpu.region"() ({
      %run_scoped3A = tpu.sem_alloc : memref<!tpu.dma_semaphore, #tpu.memory_space<semaphore_mem>>
      %dma_start3A_103 = arith.constant 0 : i32
      %dma_start3A_104 = tpu.memref_slice %arg2[%add3A_48, %dma_start3A_103] : memref<8x16384xi32, #tpu.memory_space<hbm>> -> memref<1x16384xi32, #tpu.memory_space<hbm>>
      %dma_start3A_105 = tpu.memref_squeeze %dma_start3A_104 : memref<1x16384xi32, #tpu.memory_space<hbm>> -> memref<16384xi32, #tpu.memory_space<hbm>>
      %dma_start3A_106 = arith.constant 0 : i32
      %dma_start3A_107 = tpu.memref_slice %arg2[%add3A_48, %dma_start3A_106] : memref<8x16384xi32, #tpu.memory_space<hbm>> -> memref<1x16384xi32, #tpu.memory_space<hbm>>
      %dma_start3A_108 = tpu.memref_squeeze %dma_start3A_107 : memref<1x16384xi32, #tpu.memory_space<hbm>> -> memref<16384xi32, #tpu.memory_space<hbm>>
      tpu.enqueue_dma source(%dma_start3A_108 : memref<16384xi32, #tpu.memory_space<hbm>>) target(%arg11 : memref<16384xi32, #tpu.memory_space<vmem>>) target_semaphore(%run_scoped3A : memref<!tpu.dma_semaphore, #tpu.memory_space<semaphore_mem>>)
      %dma_wait3A = arith.constant 0 : i32
      %dma_wait3A_109 = tpu.memref_slice %arg2[%add3A_48, %dma_wait3A] : memref<8x16384xi32, #tpu.memory_space<hbm>> -> memref<1x16384xi32, #tpu.memory_space<hbm>>
      %dma_wait3A_110 = tpu.memref_squeeze %dma_wait3A_109 : memref<1x16384xi32, #tpu.memory_space<hbm>> -> memref<16384xi32, #tpu.memory_space<hbm>>
      %dma_wait3A_111 = arith.constant 0 : i32
      %dma_wait3A_112 = tpu.memref_slice %arg2[%add3A_48, %dma_wait3A_111] : memref<8x16384xi32, #tpu.memory_space<hbm>> -> memref<1x16384xi32, #tpu.memory_space<hbm>>
      %dma_wait3A_113 = tpu.memref_squeeze %dma_wait3A_112 : memref<1x16384xi32, #tpu.memory_space<hbm>> -> memref<16384xi32, #tpu.memory_space<hbm>>
      tpu.wait_dma2 semaphore(%run_scoped3A : memref<!tpu.dma_semaphore, #tpu.memory_space<semaphore_mem>>) src(%dma_wait3A_113 : memref<16384xi32, #tpu.memory_space<hbm>>) dst(%arg11 : memref<16384xi32, #tpu.memory_space<vmem>>)
      tpu.yield
    }) : () -> ()
    %mul3A_49 = arith.constant 172032 : i32
    %mul3A_50 = arith.muli %select_n3A_30, %mul3A_49 : i32
    %jit3A_51 = arith.constant 14 : i32
    %jit3A_52 = arith.constant 21 : i32
    %select_n3A_53 = arith.select %eq3A_32, %jit3A_51, %jit3A_52 : i32
    %add3A_54 = arith.constant 0 : i32
    %add3A_55 = arith.addi %mul3A_50, %add3A_54 : i32
    %dma_start3A = tpu.memref_slice %arg3[%add3A_55] : memref<2700738xi32, #tpu.memory_space<hbm>> -> memref<4096xi32, #tpu.memory_space<hbm>>
    %dma_start3A_56 = tpu.memref_slice %arg3[%add3A_55] : memref<2700738xi32, #tpu.memory_space<hbm>> -> memref<4096xi32, #tpu.memory_space<hbm>>
    tpu.enqueue_dma source(%dma_start3A_56 : memref<4096xi32, #tpu.memory_space<hbm>>) target(%arg12 : memref<4096xi32, #tpu.memory_space<vmem>>) target_semaphore(%arg17 : memref<!tpu.dma_semaphore, #tpu.memory_space<semaphore_mem>>)
    %dma_start3A_57 = tpu.memref_slice %arg4[%add3A_55] : memref<2700738xf32, #tpu.memory_space<hbm>> -> memref<4096xf32, #tpu.memory_space<hbm>>
    %dma_start3A_58 = tpu.memref_slice %arg4[%add3A_55] : memref<2700738xf32, #tpu.memory_space<hbm>> -> memref<4096xf32, #tpu.memory_space<hbm>>
    tpu.enqueue_dma source(%dma_start3A_58 : memref<4096xf32, #tpu.memory_space<hbm>>) target(%arg14 : memref<4096xf32, #tpu.memory_space<vmem>>) target_semaphore(%arg18 : memref<!tpu.dma_semaphore, #tpu.memory_space<semaphore_mem>>)
    %broadcast_in_dim3A = arith.constant 0.000000e+00 : f32
    %broadcast_in_dim3A_59 = vector.broadcast %broadcast_in_dim3A : f32 to vector<16xf32>
    %while3A = arith.constant 0 : i32
    %while3A_60 = arith.subi %select_n3A_53, %while3A : i32
    %while3A_61 = arith.addi %while3A, %while3A_60 : i32
    %while3A_62 = arith.constant 1 : i32
    %while3A_63 = arith.divsi %while3A_60, %while3A_62 : i32
    %while3A_64 = arith.muli %while3A_63, %while3A_62 : i32
    %while3A_65 = arith.addi %while3A, %while3A_64 : i32
    %while3A_66 = arith.constant 1 : i32
    %while3A_67:8 = scf.for %while3A_103 = %while3A to %while3A_65 step %while3A_66 iter_args(%while3A_104 = %broadcast_in_dim3A_59, %while3A_105 = %broadcast_in_dim3A_59, %while3A_106 = %broadcast_in_dim3A_59, %while3A_107 = %broadcast_in_dim3A_59, %while3A_108 = %broadcast_in_dim3A_59, %while3A_109 = %broadcast_in_dim3A_59, %while3A_110 = %broadcast_in_dim3A_59, %while3A_111 = %broadcast_in_dim3A_59) -> (vector<16xf32>, vector<16xf32>, vector<16xf32>, vector<16xf32>, vector<16xf32>, vector<16xf32>, vector<16xf32>, vector<16xf32>)  : i32 {
      %mul3A_112 = arith.constant 2 : i32
      %mul3A_113 = arith.muli %mul3A_112, %while3A_103 : i32
      %add3A_114 = arith.constant 1 : i32
      %add3A_115 = arith.addi %mul3A_113, %add3A_114 : i32
      %mul3A_116 = arith.constant 4096 : i32
      %mul3A_117 = arith.muli %add3A_115, %mul3A_116 : i32
      %add3A_118 = arith.addi %mul3A_50, %mul3A_117 : i32
      %dma_start3A_119 = tpu.memref_slice %arg3[%add3A_118] : memref<2700738xi32, #tpu.memory_space<hbm>> -> memref<4096xi32, #tpu.memory_space<hbm>>
      %dma_start3A_120 = tpu.memref_slice %arg3[%add3A_118] : memref<2700738xi32, #tpu.memory_space<hbm>> -> memref<4096xi32, #tpu.memory_space<hbm>>
      tpu.enqueue_dma source(%dma_start3A_120 : memref<4096xi32, #tpu.memory_space<hbm>>) target(%arg13 : memref<4096xi32, #tpu.memory_space<vmem>>) target_semaphore(%arg19 : memref<!tpu.dma_semaphore, #tpu.memory_space<semaphore_mem>>)
      %dma_start3A_121 = tpu.memref_slice %arg4[%add3A_118] : memref<2700738xf32, #tpu.memory_space<hbm>> -> memref<4096xf32, #tpu.memory_space<hbm>>
      %dma_start3A_122 = tpu.memref_slice %arg4[%add3A_118] : memref<2700738xf32, #tpu.memory_space<hbm>> -> memref<4096xf32, #tpu.memory_space<hbm>>
      tpu.enqueue_dma source(%dma_start3A_122 : memref<4096xf32, #tpu.memory_space<hbm>>) target(%arg15 : memref<4096xf32, #tpu.memory_space<vmem>>) target_semaphore(%arg20 : memref<!tpu.dma_semaphore, #tpu.memory_space<semaphore_mem>>)
      %mul3A_123 = arith.constant 4096 : i32
      %mul3A_124 = arith.muli %mul3A_113, %mul3A_123 : i32
      %add3A_125 = arith.addi %mul3A_50, %mul3A_124 : i32
      %dma_wait3A = tpu.memref_slice %arg3[%add3A_125] : memref<2700738xi32, #tpu.memory_space<hbm>> -> memref<4096xi32, #tpu.memory_space<hbm>>
      %dma_wait3A_126 = tpu.memref_slice %arg3[%add3A_125] : memref<2700738xi32, #tpu.memory_space<hbm>> -> memref<4096xi32, #tpu.memory_space<hbm>>
      tpu.wait_dma2 semaphore(%arg17 : memref<!tpu.dma_semaphore, #tpu.memory_space<semaphore_mem>>) src(%dma_wait3A_126 : memref<4096xi32, #tpu.memory_space<hbm>>) dst(%arg12 : memref<4096xi32, #tpu.memory_space<vmem>>)
      %dma_wait3A_127 = tpu.memref_slice %arg4[%add3A_125] : memref<2700738xf32, #tpu.memory_space<hbm>> -> memref<4096xf32, #tpu.memory_space<hbm>>
      %dma_wait3A_128 = tpu.memref_slice %arg4[%add3A_125] : memref<2700738xf32, #tpu.memory_space<hbm>> -> memref<4096xf32, #tpu.memory_space<hbm>>
      tpu.wait_dma2 semaphore(%arg18 : memref<!tpu.dma_semaphore, #tpu.memory_space<semaphore_mem>>) src(%dma_wait3A_128 : memref<4096xf32, #tpu.memory_space<hbm>>) dst(%arg14 : memref<4096xf32, #tpu.memory_space<vmem>>)
      %scan3A = arith.constant 0 : i32
      %scan3A_129 = arith.constant 64 : i32
      %scan3A_130 = arith.addi %scan3A, %scan3A_129 : i32
      %scan3A_131 = arith.constant 1 : i32
      %scan3A_132:8 = scf.for %scan3A_155 = %scan3A to %scan3A_130 step %scan3A_131 iter_args(%scan3A_156 = %while3A_104, %scan3A_157 = %while3A_105, %scan3A_158 = %while3A_106, %scan3A_159 = %while3A_107, %scan3A_160 = %while3A_108, %scan3A_161 = %while3A_109, %scan3A_162 = %while3A_110, %scan3A_163 = %while3A_111) -> (vector<16xf32>, vector<16xf32>, vector<16xf32>, vector<16xf32>, vector<16xf32>, vector<16xf32>, vector<16xf32>, vector<16xf32>)  : i32 {
        %mul3A_164 = arith.constant 4 : i32
        %mul3A_165 = arith.muli %scan3A_155, %mul3A_164 : i32
        %add3A_166 = arith.constant 0 : i32
        %add3A_167 = arith.addi %mul3A_165, %add3A_166 : i32
        %mul3A_168 = arith.constant 16 : i32
        %mul3A_169 = arith.muli %add3A_167, %mul3A_168 : i32
        %get3A = arith.index_cast %mul3A_169 : i32 to index
        %get3A_170 = tpu.vector_load %arg12[%get3A] {strides = array<i32>} : memref<4096xi32, #tpu.memory_space<vmem>>, vector<16xi32>,
        %get3A_171 = arith.index_cast %mul3A_169 : i32 to index
        %get3A_172 = tpu.vector_load %arg14[%get3A_171] {strides = array<i32>} : memref<4096xf32, #tpu.memory_space<vmem>>, vector<16xf32>,
        %shift_right_logical3A = arith.constant 14 : i32
        %shift_right_logical3A_173 = vector.broadcast %shift_right_logical3A : i32 to vector<16xi32>
        %shift_right_logical3A_174 = arith.shrui %get3A_170, %shift_right_logical3A_173 : vector<16xi32>
        %and3A_175 = arith.constant 16383 : i32
        %and3A_176 = vector.broadcast %and3A_175 : i32 to vector<16xi32>
        %and3A_177 = arith.andi %get3A_170, %and3A_176 : vector<16xi32>
        %gather3A = tpu.vector_load_idx %arg8[%shift_right_logical3A_174] : memref<16384xi32, #tpu.memory_space<vmem>>[vector<16xi32>], vector<16xi32>,
        %gather3A_178 = tpu.vector_load_idx %arg8[%and3A_177] : memref<16384xi32, #tpu.memory_space<vmem>>[vector<16xi32>], vector<16xi32>,
        %bitcast3A = vector.bitcast %gather3A : vector<16xi32> to vector<32xbf16>
        %bitcast3A_179 = vector.bitcast %gather3A_178 : vector<16xi32> to vector<32xbf16>
        %mul3A_180 = arith.mulf %bitcast3A, %bitcast3A_179 : vector<32xbf16>
        %unpack3A = tpu.unpack_subelements %mul3A_180, 0 {pack_format = #tpu.pack_format<interleaved>} : vector<32xbf16> -> vector<16xf32>
        %unpack3A_181 = tpu.unpack_subelements %mul3A_180, 1 {pack_format = #tpu.pack_format<interleaved>} : vector<32xbf16> -> vector<16xf32>
        %mul3A_182 = arith.mulf %get3A_172, %unpack3A : vector<16xf32>
        %add3A_183 = arith.addf %scan3A_156, %mul3A_182 : vector<16xf32>
        %mul3A_184 = arith.mulf %get3A_172, %unpack3A_181 : vector<16xf32>
        %add3A_185 = arith.addf %scan3A_157, %mul3A_184 : vector<16xf32>
        %gather3A_186 = tpu.vector_load_idx %arg9[%shift_right_logical3A_174] : memref<16384xi32, #tpu.memory_space<vmem>>[vector<16xi32>], vector<16xi32>,
        %gather3A_187 = tpu.vector_load_idx %arg9[%and3A_177] : memref<16384xi32, #tpu.memory_space<vmem>>[vector<16xi32>], vector<16xi32>,
        %bitcast3A_188 = vector.bitcast %gather3A_186 : vector<16xi32> to vector<32xbf16>
        %bitcast3A_189 = vector.bitcast %gather3A_187 : vector<16xi32> to vector<32xbf16>
        %mul3A_190 = arith.mulf %bitcast3A_188, %bitcast3A_189 : vector<32xbf16>
        %unpack3A_191 = tpu.unpack_subelements %mul3A_190, 0 {pack_format = #tpu.pack_format<interleaved>} : vector<32xbf16> -> vector<16xf32>
        %unpack3A_192 = tpu.unpack_subelements %mul3A_190, 1 {pack_format = #tpu.pack_format<interleaved>} : vector<32xbf16> -> vector<16xf32>
        %mul3A_193 = arith.mulf %get3A_172, %unpack3A_191 : vector<16xf32>
        %add3A_194 = arith.addf %scan3A_158, %mul3A_193 : vector<16xf32>
        %mul3A_195 = arith.mulf %get3A_172, %unpack3A_192 : vector<16xf32>
        %add3A_196 = arith.addf %scan3A_159, %mul3A_195 : vector<16xf32>
        %gather3A_197 = tpu.vector_load_idx %arg10[%shift_right_logical3A_174] : memref<16384xi32, #tpu.memory_space<vmem>>[vector<16xi32>], vector<16xi32>,
        %gather3A_198 = tpu.vector_load_idx %arg10[%and3A_177] : memref<16384xi32, #tpu.memory_space<vmem>>[vector<16xi32>], vector<16xi32>,
        %bitcast3A_199 = vector.bitcast %gather3A_197 : vector<16xi32> to vector<32xbf16>
        %bitcast3A_200 = vector.bitcast %gather3A_198 : vector<16xi32> to vector<32xbf16>
        %mul3A_201 = arith.mulf %bitcast3A_199, %bitcast3A_200 : vector<32xbf16>
        %unpack3A_202 = tpu.unpack_subelements %mul3A_201, 0 {pack_format = #tpu.pack_format<interleaved>} : vector<32xbf16> -> vector<16xf32>
        %unpack3A_203 = tpu.unpack_subelements %mul3A_201, 1 {pack_format = #tpu.pack_format<interleaved>} : vector<32xbf16> -> vector<16xf32>
        %mul3A_204 = arith.mulf %get3A_172, %unpack3A_202 : vector<16xf32>
        %add3A_205 = arith.addf %scan3A_160, %mul3A_204 : vector<16xf32>
        %mul3A_206 = arith.mulf %get3A_172, %unpack3A_203 : vector<16xf32>
        %add3A_207 = arith.addf %scan3A_161, %mul3A_206 : vector<16xf32>
        %gather3A_208 = tpu.vector_load_idx %arg11[%shift_right_logical3A_174] : memref<16384xi32, #tpu.memory_space<vmem>>[vector<16xi32>], vector<16xi32>,
        %gather3A_209 = tpu.vector_load_idx %arg11[%and3A_177] : memref<16384xi32, #tpu.memory_space<vmem>>[vector<16xi32>], vector<16xi32>,
        %bitcast3A_210 = vector.bitcast %gather3A_208 : vector<16xi32> to vector<32xbf16>
        %bitcast3A_211 = vector.bitcast %gather3A_209 : vector<16xi32> to vector<32xbf16>
        %mul3A_212 = arith.mulf %bitcast3A_210, %bitcast3A_211 : vector<32xbf16>
        %unpack3A_213 = tpu.unpack_subelements %mul3A_212, 0 {pack_format = #tpu.pack_format<interleaved>} : vector<32xbf16> -> vector<16xf32>
        %unpack3A_214 = tpu.unpack_subelements %mul3A_212, 1 {pack_format = #tpu.pack_format<interleaved>} : vector<32xbf16> -> vector<16xf32>
        %mul3A_215 = arith.mulf %get3A_172, %unpack3A_213 : vector<16xf32>
        %add3A_216 = arith.addf %scan3A_162, %mul3A_215 : vector<16xf32>
        %mul3A_217 = arith.mulf %get3A_172, %unpack3A_214 : vector<16xf32>
        %add3A_218 = arith.addf %scan3A_163, %mul3A_217 : vector<16xf32>
        %mul3A_219 = arith.constant 4 : i32
        %mul3A_220 = arith.muli %scan3A_155, %mul3A_219 : i32
        %add3A_221 = arith.constant 1 : i32
        %add3A_222 = arith.addi %mul3A_220, %add3A_221 : i32
        %mul3A_223 = arith.constant 16 : i32
        %mul3A_224 = arith.muli %add3A_222, %mul3A_223 : i32
        %get3A_225 = arith.index_cast %mul3A_224 : i32 to index
        %get3A_226 = tpu.vector_load %arg12[%get3A_225] {strides = array<i32>} : memref<4096xi32, #tpu.memory_space<vmem>>, vector<16xi32>,
        %get3A_227 = arith.index_cast %mul3A_224 : i32 to index
        %get3A_228 = tpu.vector_load %arg14[%get3A_227] {strides = array<i32>} : memref<4096xf32, #tpu.memory_space<vmem>>, vector<16xf32>,
        %shift_right_logical3A_229 = arith.constant 14 : i32
        %shift_right_logical3A_230 = vector.broadcast %shift_right_logical3A_229 : i32 to vector<16xi32>
        %shift_right_logical3A_231 = arith.shrui %get3A_226, %shift_right_logical3A_230 : vector<16xi32>
        %and3A_232 = arith.constant 16383 : i32
        %and3A_233 = vector.broadcast %and3A_232 : i32 to vector<16xi32>
        %and3A_234 = arith.andi %get3A_226, %and3A_233 : vector<16xi32>
        %gather3A_235 = tpu.vector_load_idx %arg8[%shift_right_logical3A_231] : memref<16384xi32, #tpu.memory_space<vmem>>[vector<16xi32>], vector<16xi32>,
        %gather3A_236 = tpu.vector_load_idx %arg8[%and3A_234] : memref<16384xi32, #tpu.memory_space<vmem>>[vector<16xi32>], vector<16xi32>,
        %bitcast3A_237 = vector.bitcast %gather3A_235 : vector<16xi32> to vector<32xbf16>
        %bitcast3A_238 = vector.bitcast %gather3A_236 : vector<16xi32> to vector<32xbf16>
        %mul3A_239 = arith.mulf %bitcast3A_237, %bitcast3A_238 : vector<32xbf16>
        %unpack3A_240 = tpu.unpack_subelements %mul3A_239, 0 {pack_format = #tpu.pack_format<interleaved>} : vector<32xbf16> -> vector<16xf32>
        %unpack3A_241 = tpu.unpack_subelements %mul3A_239, 1 {pack_format = #tpu.pack_format<interleaved>} : vector<32xbf16> -> vector<16xf32>
        %mul3A_242 = arith.mulf %get3A_228, %unpack3A_240 : vector<16xf32>
        %add3A_243 = arith.addf %add3A_183, %mul3A_242 : vector<16xf32>
        %mul3A_244 = arith.mulf %get3A_228, %unpack3A_241 : vector<16xf32>
        %add3A_245 = arith.addf %add3A_185, %mul3A_244 : vector<16xf32>
        %gather3A_246 = tpu.vector_load_idx %arg9[%shift_right_logical3A_231] : memref<16384xi32, #tpu.memory_space<vmem>>[vector<16xi32>], vector<16xi32>,
        %gather3A_247 = tpu.vector_load_idx %arg9[%and3A_234] : memref<16384xi32, #tpu.memory_space<vmem>>[vector<16xi32>], vector<16xi32>,
        %bitcast3A_248 = vector.bitcast %gather3A_246 : vector<16xi32> to vector<32xbf16>
        %bitcast3A_249 = vector.bitcast %gather3A_247 : vector<16xi32> to vector<32xbf16>
        %mul3A_250 = arith.mulf %bitcast3A_248, %bitcast3A_249 : vector<32xbf16>
        %unpack3A_251 = tpu.unpack_subelements %mul3A_250, 0 {pack_format = #tpu.pack_format<interleaved>} : vector<32xbf16> -> vector<16xf32>
        %unpack3A_252 = tpu.unpack_subelements %mul3A_250, 1 {pack_format = #tpu.pack_format<interleaved>} : vector<32xbf16> -> vector<16xf32>
        %mul3A_253 = arith.mulf %get3A_228, %unpack3A_251 : vector<16xf32>
        %add3A_254 = arith.addf %add3A_194, %mul3A_253 : vector<16xf32>
        %mul3A_255 = arith.mulf %get3A_228, %unpack3A_252 : vector<16xf32>
        %add3A_256 = arith.addf %add3A_196, %mul3A_255 : vector<16xf32>
        %gather3A_257 = tpu.vector_load_idx %arg10[%shift_right_logical3A_231] : memref<16384xi32, #tpu.memory_space<vmem>>[vector<16xi32>], vector<16xi32>,
        %gather3A_258 = tpu.vector_load_idx %arg10[%and3A_234] : memref<16384xi32, #tpu.memory_space<vmem>>[vector<16xi32>], vector<16xi32>,
        %bitcast3A_259 = vector.bitcast %gather3A_257 : vector<16xi32> to vector<32xbf16>
        %bitcast3A_260 = vector.bitcast %gather3A_258 : vector<16xi32> to vector<32xbf16>
        %mul3A_261 = arith.mulf %bitcast3A_259, %bitcast3A_260 : vector<32xbf16>
        %unpack3A_262 = tpu.unpack_subelements %mul3A_261, 0 {pack_format = #tpu.pack_format<interleaved>} : vector<32xbf16> -> vector<16xf32>
        %unpack3A_263 = tpu.unpack_subelements %mul3A_261, 1 {pack_format = #tpu.pack_format<interleaved>} : vector<32xbf16> -> vector<16xf32>
        %mul3A_264 = arith.mulf %get3A_228, %unpack3A_262 : vector<16xf32>
        %add3A_265 = arith.addf %add3A_205, %mul3A_264 : vector<16xf32>
        %mul3A_266 = arith.mulf %get3A_228, %unpack3A_263 : vector<16xf32>
        %add3A_267 = arith.addf %add3A_207, %mul3A_266 : vector<16xf32>
        %gather3A_268 = tpu.vector_load_idx %arg11[%shift_right_logical3A_231] : memref<16384xi32, #tpu.memory_space<vmem>>[vector<16xi32>], vector<16xi32>,
        %gather3A_269 = tpu.vector_load_idx %arg11[%and3A_234] : memref<16384xi32, #tpu.memory_space<vmem>>[vector<16xi32>], vector<16xi32>,
        %bitcast3A_270 = vector.bitcast %gather3A_268 : vector<16xi32> to vector<32xbf16>
        %bitcast3A_271 = vector.bitcast %gather3A_269 : vector<16xi32> to vector<32xbf16>
        %mul3A_272 = arith.mulf %bitcast3A_270, %bitcast3A_271 : vector<32xbf16>
        %unpack3A_273 = tpu.unpack_subelements %mul3A_272, 0 {pack_format = #tpu.pack_format<interleaved>} : vector<32xbf16> -> vector<16xf32>
        %unpack3A_274 = tpu.unpack_subelements %mul3A_272, 1 {pack_format = #tpu.pack_format<interleaved>} : vector<32xbf16> -> vector<16xf32>
        %mul3A_275 = arith.mulf %get3A_228, %unpack3A_273 : vector<16xf32>
        %add3A_276 = arith.addf %add3A_216, %mul3A_275 : vector<16xf32>
        %mul3A_277 = arith.mulf %get3A_228, %unpack3A_274 : vector<16xf32>
        %add3A_278 = arith.addf %add3A_218, %mul3A_277 : vector<16xf32>
        %mul3A_279 = arith.constant 4 : i32
        %mul3A_280 = arith.muli %scan3A_155, %mul3A_279 : i32
        %add3A_281 = arith.constant 2 : i32
        %add3A_282 = arith.addi %mul3A_280, %add3A_281 : i32
        %mul3A_283 = arith.constant 16 : i32
        %mul3A_284 = arith.muli %add3A_282, %mul3A_283 : i32
        %get3A_285 = arith.index_cast %mul3A_284 : i32 to index
        %get3A_286 = tpu.vector_load %arg12[%get3A_285] {strides = array<i32>} : memref<4096xi32, #tpu.memory_space<vmem>>, vector<16xi32>,
        %get3A_287 = arith.index_cast %mul3A_284 : i32 to index
        %get3A_288 = tpu.vector_load %arg14[%get3A_287] {strides = array<i32>} : memref<4096xf32, #tpu.memory_space<vmem>>, vector<16xf32>,
        %shift_right_logical3A_289 = arith.constant 14 : i32
        %shift_right_logical3A_290 = vector.broadcast %shift_right_logical3A_289 : i32 to vector<16xi32>
        %shift_right_logical3A_291 = arith.shrui %get3A_286, %shift_right_logical3A_290 : vector<16xi32>
        %and3A_292 = arith.constant 16383 : i32
        %and3A_293 = vector.broadcast %and3A_292 : i32 to vector<16xi32>
        %and3A_294 = arith.andi %get3A_286, %and3A_293 : vector<16xi32>
        %gather3A_295 = tpu.vector_load_idx %arg8[%shift_right_logical3A_291] : memref<16384xi32, #tpu.memory_space<vmem>>[vector<16xi32>], vector<16xi32>,
        %gather3A_296 = tpu.vector_load_idx %arg8[%and3A_294] : memref<16384xi32, #tpu.memory_space<vmem>>[vector<16xi32>], vector<16xi32>,
        %bitcast3A_297 = vector.bitcast %gather3A_295 : vector<16xi32> to vector<32xbf16>
        %bitcast3A_298 = vector.bitcast %gather3A_296 : vector<16xi32> to vector<32xbf16>
        %mul3A_299 = arith.mulf %bitcast3A_297, %bitcast3A_298 : vector<32xbf16>
        %unpack3A_300 = tpu.unpack_subelements %mul3A_299, 0 {pack_format = #tpu.pack_format<interleaved>} : vector<32xbf16> -> vector<16xf32>
        %unpack3A_301 = tpu.unpack_subelements %mul3A_299, 1 {pack_format = #tpu.pack_format<interleaved>} : vector<32xbf16> -> vector<16xf32>
        %mul3A_302 = arith.mulf %get3A_288, %unpack3A_300 : vector<16xf32>
        %add3A_303 = arith.addf %add3A_243, %mul3A_302 : vector<16xf32>
        %mul3A_304 = arith.mulf %get3A_288, %unpack3A_301 : vector<16xf32>
        %add3A_305 = arith.addf %add3A_245, %mul3A_304 : vector<16xf32>
        %gather3A_306 = tpu.vector_load_idx %arg9[%shift_right_logical3A_291] : memref<16384xi32, #tpu.memory_space<vmem>>[vector<16xi32>], vector<16xi32>,
        %gather3A_307 = tpu.vector_load_idx %arg9[%and3A_294] : memref<16384xi32, #tpu.memory_space<vmem>>[vector<16xi32>], vector<16xi32>,
        %bitcast3A_308 = vector.bitcast %gather3A_306 : vector<16xi32> to vector<32xbf16>
        %bitcast3A_309 = vector.bitcast %gather3A_307 : vector<16xi32> to vector<32xbf16>
        %mul3A_310 = arith.mulf %bitcast3A_308, %bitcast3A_309 : vector<32xbf16>
        %unpack3A_311 = tpu.unpack_subelements %mul3A_310, 0 {pack_format = #tpu.pack_format<interleaved>} : vector<32xbf16> -> vector<16xf32>
        %unpack3A_312 = tpu.unpack_subelements %mul3A_310, 1 {pack_format = #tpu.pack_format<interleaved>} : vector<32xbf16> -> vector<16xf32>
        %mul3A_313 = arith.mulf %get3A_288, %unpack3A_311 : vector<16xf32>
        %add3A_314 = arith.addf %add3A_254, %mul3A_313 : vector<16xf32>
        %mul3A_315 = arith.mulf %get3A_288, %unpack3A_312 : vector<16xf32>
        %add3A_316 = arith.addf %add3A_256, %mul3A_315 : vector<16xf32>
        %gather3A_317 = tpu.vector_load_idx %arg10[%shift_right_logical3A_291] : memref<16384xi32, #tpu.memory_space<vmem>>[vector<16xi32>], vector<16xi32>,
        %gather3A_318 = tpu.vector_load_idx %arg10[%and3A_294] : memref<16384xi32, #tpu.memory_space<vmem>>[vector<16xi32>], vector<16xi32>,
        %bitcast3A_319 = vector.bitcast %gather3A_317 : vector<16xi32> to vector<32xbf16>
        %bitcast3A_320 = vector.bitcast %gather3A_318 : vector<16xi32> to vector<32xbf16>
        %mul3A_321 = arith.mulf %bitcast3A_319, %bitcast3A_320 : vector<32xbf16>
        %unpack3A_322 = tpu.unpack_subelements %mul3A_321, 0 {pack_format = #tpu.pack_format<interleaved>} : vector<32xbf16> -> vector<16xf32>
        %unpack3A_323 = tpu.unpack_subelements %mul3A_321, 1 {pack_format = #tpu.pack_format<interleaved>} : vector<32xbf16> -> vector<16xf32>
        %mul3A_324 = arith.mulf %get3A_288, %unpack3A_322 : vector<16xf32>
        %add3A_325 = arith.addf %add3A_265, %mul3A_324 : vector<16xf32>
        %mul3A_326 = arith.mulf %get3A_288, %unpack3A_323 : vector<16xf32>
        %add3A_327 = arith.addf %add3A_267, %mul3A_326 : vector<16xf32>
        %gather3A_328 = tpu.vector_load_idx %arg11[%shift_right_logical3A_291] : memref<16384xi32, #tpu.memory_space<vmem>>[vector<16xi32>], vector<16xi32>,
        %gather3A_329 = tpu.vector_load_idx %arg11[%and3A_294] : memref<16384xi32, #tpu.memory_space<vmem>>[vector<16xi32>], vector<16xi32>,
        %bitcast3A_330 = vector.bitcast %gather3A_328 : vector<16xi32> to vector<32xbf16>
        %bitcast3A_331 = vector.bitcast %gather3A_329 : vector<16xi32> to vector<32xbf16>
        %mul3A_332 = arith.mulf %bitcast3A_330, %bitcast3A_331 : vector<32xbf16>
        %unpack3A_333 = tpu.unpack_subelements %mul3A_332, 0 {pack_format = #tpu.pack_format<interleaved>} : vector<32xbf16> -> vector<16xf32>
        %unpack3A_334 = tpu.unpack_subelements %mul3A_332, 1 {pack_format = #tpu.pack_format<interleaved>} : vector<32xbf16> -> vector<16xf32>
        %mul3A_335 = arith.mulf %get3A_288, %unpack3A_333 : vector<16xf32>
        %add3A_336 = arith.addf %add3A_276, %mul3A_335 : vector<16xf32>
        %mul3A_337 = arith.mulf %get3A_288, %unpack3A_334 : vector<16xf32>
        %add3A_338 = arith.addf %add3A_278, %mul3A_337 : vector<16xf32>
        %mul3A_339 = arith.constant 4 : i32
        %mul3A_340 = arith.muli %scan3A_155, %mul3A_339 : i32
        %add3A_341 = arith.constant 3 : i32
        %add3A_342 = arith.addi %mul3A_340, %add3A_341 : i32
        %mul3A_343 = arith.constant 16 : i32
        %mul3A_344 = arith.muli %add3A_342, %mul3A_343 : i32
        %get3A_345 = arith.index_cast %mul3A_344 : i32 to index
        %get3A_346 = tpu.vector_load %arg12[%get3A_345] {strides = array<i32>} : memref<4096xi32, #tpu.memory_space<vmem>>, vector<16xi32>,
        %get3A_347 = arith.index_cast %mul3A_344 : i32 to index
        %get3A_348 = tpu.vector_load %arg14[%get3A_347] {strides = array<i32>} : memref<4096xf32, #tpu.memory_space<vmem>>, vector<16xf32>,
        %shift_right_logical3A_349 = arith.constant 14 : i32
        %shift_right_logical3A_350 = vector.broadcast %shift_right_logical3A_349 : i32 to vector<16xi32>
        %shift_right_logical3A_351 = arith.shrui %get3A_346, %shift_right_logical3A_350 : vector<16xi32>
        %and3A_352 = arith.constant 16383 : i32
        %and3A_353 = vector.broadcast %and3A_352 : i32 to vector<16xi32>
        %and3A_354 = arith.andi %get3A_346, %and3A_353 : vector<16xi32>
        %gather3A_355 = tpu.vector_load_idx %arg8[%shift_right_logical3A_351] : memref<16384xi32, #tpu.memory_space<vmem>>[vector<16xi32>], vector<16xi32>,
        %gather3A_356 = tpu.vector_load_idx %arg8[%and3A_354] : memref<16384xi32, #tpu.memory_space<vmem>>[vector<16xi32>], vector<16xi32>,
        %bitcast3A_357 = vector.bitcast %gather3A_355 : vector<16xi32> to vector<32xbf16>
        %bitcast3A_358 = vector.bitcast %gather3A_356 : vector<16xi32> to vector<32xbf16>
        %mul3A_359 = arith.mulf %bitcast3A_357, %bitcast3A_358 : vector<32xbf16>
        %unpack3A_360 = tpu.unpack_subelements %mul3A_359, 0 {pack_format = #tpu.pack_format<interleaved>} : vector<32xbf16> -> vector<16xf32>
        %unpack3A_361 = tpu.unpack_subelements %mul3A_359, 1 {pack_format = #tpu.pack_format<interleaved>} : vector<32xbf16> -> vector<16xf32>
        %mul3A_362 = arith.mulf %get3A_348, %unpack3A_360 : vector<16xf32>
        %add3A_363 = arith.addf %add3A_303, %mul3A_362 : vector<16xf32>
        %mul3A_364 = arith.mulf %get3A_348, %unpack3A_361 : vector<16xf32>
        %add3A_365 = arith.addf %add3A_305, %mul3A_364 : vector<16xf32>
        %gather3A_366 = tpu.vector_load_idx %arg9[%shift_right_logical3A_351] : memref<16384xi32, #tpu.memory_space<vmem>>[vector<16xi32>], vector<16xi32>,
        %gather3A_367 = tpu.vector_load_idx %arg9[%and3A_354] : memref<16384xi32, #tpu.memory_space<vmem>>[vector<16xi32>], vector<16xi32>,
        %bitcast3A_368 = vector.bitcast %gather3A_366 : vector<16xi32> to vector<32xbf16>
        %bitcast3A_369 = vector.bitcast %gather3A_367 : vector<16xi32> to vector<32xbf16>
        %mul3A_370 = arith.mulf %bitcast3A_368, %bitcast3A_369 : vector<32xbf16>
        %unpack3A_371 = tpu.unpack_subelements %mul3A_370, 0 {pack_format = #tpu.pack_format<interleaved>} : vector<32xbf16> -> vector<16xf32>
        %unpack3A_372 = tpu.unpack_subelements %mul3A_370, 1 {pack_format = #tpu.pack_format<interleaved>} : vector<32xbf16> -> vector<16xf32>
        %mul3A_373 = arith.mulf %get3A_348, %unpack3A_371 : vector<16xf32>
        %add3A_374 = arith.addf %add3A_314, %mul3A_373 : vector<16xf32>
        %mul3A_375 = arith.mulf %get3A_348, %unpack3A_372 : vector<16xf32>
        %add3A_376 = arith.addf %add3A_316, %mul3A_375 : vector<16xf32>
        %gather3A_377 = tpu.vector_load_idx %arg10[%shift_right_logical3A_351] : memref<16384xi32, #tpu.memory_space<vmem>>[vector<16xi32>], vector<16xi32>,
        %gather3A_378 = tpu.vector_load_idx %arg10[%and3A_354] : memref<16384xi32, #tpu.memory_space<vmem>>[vector<16xi32>], vector<16xi32>,
        %bitcast3A_379 = vector.bitcast %gather3A_377 : vector<16xi32> to vector<32xbf16>
        %bitcast3A_380 = vector.bitcast %gather3A_378 : vector<16xi32> to vector<32xbf16>
        %mul3A_381 = arith.mulf %bitcast3A_379, %bitcast3A_380 : vector<32xbf16>
        %unpack3A_382 = tpu.unpack_subelements %mul3A_381, 0 {pack_format = #tpu.pack_format<interleaved>} : vector<32xbf16> -> vector<16xf32>
        %unpack3A_383 = tpu.unpack_subelements %mul3A_381, 1 {pack_format = #tpu.pack_format<interleaved>} : vector<32xbf16> -> vector<16xf32>
        %mul3A_384 = arith.mulf %get3A_348, %unpack3A_382 : vector<16xf32>
        %add3A_385 = arith.addf %add3A_325, %mul3A_384 : vector<16xf32>
        %mul3A_386 = arith.mulf %get3A_348, %unpack3A_383 : vector<16xf32>
        %add3A_387 = arith.addf %add3A_327, %mul3A_386 : vector<16xf32>
        %gather3A_388 = tpu.vector_load_idx %arg11[%shift_right_logical3A_351] : memref<16384xi32, #tpu.memory_space<vmem>>[vector<16xi32>], vector<16xi32>,
        %gather3A_389 = tpu.vector_load_idx %arg11[%and3A_354] : memref<16384xi32, #tpu.memory_space<vmem>>[vector<16xi32>], vector<16xi32>,
        %bitcast3A_390 = vector.bitcast %gather3A_388 : vector<16xi32> to vector<32xbf16>
        %bitcast3A_391 = vector.bitcast %gather3A_389 : vector<16xi32> to vector<32xbf16>
        %mul3A_392 = arith.mulf %bitcast3A_390, %bitcast3A_391 : vector<32xbf16>
        %unpack3A_393 = tpu.unpack_subelements %mul3A_392, 0 {pack_format = #tpu.pack_format<interleaved>} : vector<32xbf16> -> vector<16xf32>
        %unpack3A_394 = tpu.unpack_subelements %mul3A_392, 1 {pack_format = #tpu.pack_format<interleaved>} : vector<32xbf16> -> vector<16xf32>
        %mul3A_395 = arith.mulf %get3A_348, %unpack3A_393 : vector<16xf32>
        %add3A_396 = arith.addf %add3A_336, %mul3A_395 : vector<16xf32>
        %mul3A_397 = arith.mulf %get3A_348, %unpack3A_394 : vector<16xf32>
        %add3A_398 = arith.addf %add3A_338, %mul3A_397 : vector<16xf32>
        scf.yield %add3A_363, %add3A_365, %add3A_374, %add3A_376, %add3A_385, %add3A_387, %add3A_396, %add3A_398 : vector<16xf32>, vector<16xf32>, vector<16xf32>, vector<16xf32>, vector<16xf32>, vector<16xf32>, vector<16xf32>, vector<16xf32>
      }
      %scan3A_133 = arith.constant 64 : i32
      %add3A_134 = arith.constant 1 : i32
      %add3A_135 = arith.addi %while3A_103, %add3A_134 : i32
      %lt3A_136 = arith.cmpi slt, %add3A_135, %select_n3A_53 : i32
      %convert_element_type3A_137 = arith.extui %lt3A_136 : i1 to i32
      %cond3A_138 = arith.constant 0 : i32
      %cond3A_139 = arith.cmpi ne, %convert_element_type3A_137, %cond3A_138 : i32
      scf.if %cond3A_139 {
        %add3A_155 = arith.constant 2 : i32
        %add3A_156 = arith.addi %mul3A_113, %add3A_155 : i32
        %mul3A_157 = arith.constant 4096 : i32
        %mul3A_158 = arith.muli %add3A_156, %mul3A_157 : i32
        %add3A_159 = arith.addi %mul3A_50, %mul3A_158 : i32
        %dma_start3A_160 = tpu.memref_slice %arg3[%add3A_159] : memref<2700738xi32, #tpu.memory_space<hbm>> -> memref<4096xi32, #tpu.memory_space<hbm>>
        %dma_start3A_161 = tpu.memref_slice %arg3[%add3A_159] : memref<2700738xi32, #tpu.memory_space<hbm>> -> memref<4096xi32, #tpu.memory_space<hbm>>
        tpu.enqueue_dma source(%dma_start3A_161 : memref<4096xi32, #tpu.memory_space<hbm>>) target(%arg12 : memref<4096xi32, #tpu.memory_space<vmem>>) target_semaphore(%arg17 : memref<!tpu.dma_semaphore, #tpu.memory_space<semaphore_mem>>)
        %dma_start3A_162 = tpu.memref_slice %arg4[%add3A_159] : memref<2700738xf32, #tpu.memory_space<hbm>> -> memref<4096xf32, #tpu.memory_space<hbm>>
        %dma_start3A_163 = tpu.memref_slice %arg4[%add3A_159] : memref<2700738xf32, #tpu.memory_space<hbm>> -> memref<4096xf32, #tpu.memory_space<hbm>>
        tpu.enqueue_dma source(%dma_start3A_163 : memref<4096xf32, #tpu.memory_space<hbm>>) target(%arg14 : memref<4096xf32, #tpu.memory_space<vmem>>) target_semaphore(%arg18 : memref<!tpu.dma_semaphore, #tpu.memory_space<semaphore_mem>>)
      } else {
      }
      %add3A_140 = arith.constant 1 : i32
      %add3A_141 = arith.addi %mul3A_113, %add3A_140 : i32
      %mul3A_142 = arith.constant 4096 : i32
      %mul3A_143 = arith.muli %add3A_141, %mul3A_142 : i32
      %add3A_144 = arith.addi %mul3A_50, %mul3A_143 : i32
      %dma_wait3A_145 = tpu.memref_slice %arg3[%add3A_144] : memref<2700738xi32, #tpu.memory_space<hbm>> -> memref<4096xi32, #tpu.memory_space<hbm>>
      %dma_wait3A_146 = tpu.memref_slice %arg3[%add3A_144] : memref<2700738xi32, #tpu.memory_space<hbm>> -> memref<4096xi32, #tpu.memory_space<hbm>>
      tpu.wait_dma2 semaphore(%arg19 : memref<!tpu.dma_semaphore, #tpu.memory_space<semaphore_mem>>) src(%dma_wait3A_146 : memref<4096xi32, #tpu.memory_space<hbm>>) dst(%arg13 : memref<4096xi32, #tpu.memory_space<vmem>>)
      %dma_wait3A_147 = tpu.memref_slice %arg4[%add3A_144] : memref<2700738xf32, #tpu.memory_space<hbm>> -> memref<4096xf32, #tpu.memory_space<hbm>>
      %dma_wait3A_148 = tpu.memref_slice %arg4[%add3A_144] : memref<2700738xf32, #tpu.memory_space<hbm>> -> memref<4096xf32, #tpu.memory_space<hbm>>
      tpu.wait_dma2 semaphore(%arg20 : memref<!tpu.dma_semaphore, #tpu.memory_space<semaphore_mem>>) src(%dma_wait3A_148 : memref<4096xf32, #tpu.memory_space<hbm>>) dst(%arg15 : memref<4096xf32, #tpu.memory_space<vmem>>)
      %scan3A_149 = arith.constant 0 : i32
      %scan3A_150 = arith.constant 64 : i32
      %scan3A_151 = arith.addi %scan3A_149, %scan3A_150 : i32
      %scan3A_152 = arith.constant 1 : i32
      %scan3A_153:8 = scf.for %scan3A_155 = %scan3A_149 to %scan3A_151 step %scan3A_152 iter_args(%scan3A_156 = %scan3A_132#0, %scan3A_157 = %scan3A_132#1, %scan3A_158 = %scan3A_132#2, %scan3A_159 = %scan3A_132#3, %scan3A_160 = %scan3A_132#4, %scan3A_161 = %scan3A_132#5, %scan3A_162 = %scan3A_132#6, %scan3A_163 = %scan3A_132#7) -> (vector<16xf32>, vector<16xf32>, vector<16xf32>, vector<16xf32>, vector<16xf32>, vector<16xf32>, vector<16xf32>, vector<16xf32>)  : i32 {
        %mul3A_164 = arith.constant 4 : i32
        %mul3A_165 = arith.muli %scan3A_155, %mul3A_164 : i32
        %add3A_166 = arith.constant 0 : i32
        %add3A_167 = arith.addi %mul3A_165, %add3A_166 : i32
        %mul3A_168 = arith.constant 16 : i32
        %mul3A_169 = arith.muli %add3A_167, %mul3A_168 : i32
        %get3A = arith.index_cast %mul3A_169 : i32 to index
        %get3A_170 = tpu.vector_load %arg13[%get3A] {strides = array<i32>} : memref<4096xi32, #tpu.memory_space<vmem>>, vector<16xi32>,
        %get3A_171 = arith.index_cast %mul3A_169 : i32 to index
        %get3A_172 = tpu.vector_load %arg15[%get3A_171] {strides = array<i32>} : memref<4096xf32, #tpu.memory_space<vmem>>, vector<16xf32>,
        %shift_right_logical3A = arith.constant 14 : i32
        %shift_right_logical3A_173 = vector.broadcast %shift_right_logical3A : i32 to vector<16xi32>
        %shift_right_logical3A_174 = arith.shrui %get3A_170, %shift_right_logical3A_173 : vector<16xi32>
        %and3A_175 = arith.constant 16383 : i32
        %and3A_176 = vector.broadcast %and3A_175 : i32 to vector<16xi32>
        %and3A_177 = arith.andi %get3A_170, %and3A_176 : vector<16xi32>
        %gather3A = tpu.vector_load_idx %arg8[%shift_right_logical3A_174] : memref<16384xi32, #tpu.memory_space<vmem>>[vector<16xi32>], vector<16xi32>,
        %gather3A_178 = tpu.vector_load_idx %arg8[%and3A_177] : memref<16384xi32, #tpu.memory_space<vmem>>[vector<16xi32>], vector<16xi32>,
        %bitcast3A = vector.bitcast %gather3A : vector<16xi32> to vector<32xbf16>
        %bitcast3A_179 = vector.bitcast %gather3A_178 : vector<16xi32> to vector<32xbf16>
        %mul3A_180 = arith.mulf %bitcast3A, %bitcast3A_179 : vector<32xbf16>
        %unpack3A = tpu.unpack_subelements %mul3A_180, 0 {pack_format = #tpu.pack_format<interleaved>} : vector<32xbf16> -> vector<16xf32>
        %unpack3A_181 = tpu.unpack_subelements %mul3A_180, 1 {pack_format = #tpu.pack_format<interleaved>} : vector<32xbf16> -> vector<16xf32>
        %mul3A_182 = arith.mulf %get3A_172, %unpack3A : vector<16xf32>
        %add3A_183 = arith.addf %scan3A_156, %mul3A_182 : vector<16xf32>
        %mul3A_184 = arith.mulf %get3A_172, %unpack3A_181 : vector<16xf32>
        %add3A_185 = arith.addf %scan3A_157, %mul3A_184 : vector<16xf32>
        %gather3A_186 = tpu.vector_load_idx %arg9[%shift_right_logical3A_174] : memref<16384xi32, #tpu.memory_space<vmem>>[vector<16xi32>], vector<16xi32>,
        %gather3A_187 = tpu.vector_load_idx %arg9[%and3A_177] : memref<16384xi32, #tpu.memory_space<vmem>>[vector<16xi32>], vector<16xi32>,
        %bitcast3A_188 = vector.bitcast %gather3A_186 : vector<16xi32> to vector<32xbf16>
        %bitcast3A_189 = vector.bitcast %gather3A_187 : vector<16xi32> to vector<32xbf16>
        %mul3A_190 = arith.mulf %bitcast3A_188, %bitcast3A_189 : vector<32xbf16>
        %unpack3A_191 = tpu.unpack_subelements %mul3A_190, 0 {pack_format = #tpu.pack_format<interleaved>} : vector<32xbf16> -> vector<16xf32>
        %unpack3A_192 = tpu.unpack_subelements %mul3A_190, 1 {pack_format = #tpu.pack_format<interleaved>} : vector<32xbf16> -> vector<16xf32>
        %mul3A_193 = arith.mulf %get3A_172, %unpack3A_191 : vector<16xf32>
        %add3A_194 = arith.addf %scan3A_158, %mul3A_193 : vector<16xf32>
        %mul3A_195 = arith.mulf %get3A_172, %unpack3A_192 : vector<16xf32>
        %add3A_196 = arith.addf %scan3A_159, %mul3A_195 : vector<16xf32>
        %gather3A_197 = tpu.vector_load_idx %arg10[%shift_right_logical3A_174] : memref<16384xi32, #tpu.memory_space<vmem>>[vector<16xi32>], vector<16xi32>,
        %gather3A_198 = tpu.vector_load_idx %arg10[%and3A_177] : memref<16384xi32, #tpu.memory_space<vmem>>[vector<16xi32>], vector<16xi32>,
        %bitcast3A_199 = vector.bitcast %gather3A_197 : vector<16xi32> to vector<32xbf16>
        %bitcast3A_200 = vector.bitcast %gather3A_198 : vector<16xi32> to vector<32xbf16>
        %mul3A_201 = arith.mulf %bitcast3A_199, %bitcast3A_200 : vector<32xbf16>
        %unpack3A_202 = tpu.unpack_subelements %mul3A_201, 0 {pack_format = #tpu.pack_format<interleaved>} : vector<32xbf16> -> vector<16xf32>
        %unpack3A_203 = tpu.unpack_subelements %mul3A_201, 1 {pack_format = #tpu.pack_format<interleaved>} : vector<32xbf16> -> vector<16xf32>
        %mul3A_204 = arith.mulf %get3A_172, %unpack3A_202 : vector<16xf32>
        %add3A_205 = arith.addf %scan3A_160, %mul3A_204 : vector<16xf32>
        %mul3A_206 = arith.mulf %get3A_172, %unpack3A_203 : vector<16xf32>
        %add3A_207 = arith.addf %scan3A_161, %mul3A_206 : vector<16xf32>
        %gather3A_208 = tpu.vector_load_idx %arg11[%shift_right_logical3A_174] : memref<16384xi32, #tpu.memory_space<vmem>>[vector<16xi32>], vector<16xi32>,
        %gather3A_209 = tpu.vector_load_idx %arg11[%and3A_177] : memref<16384xi32, #tpu.memory_space<vmem>>[vector<16xi32>], vector<16xi32>,
        %bitcast3A_210 = vector.bitcast %gather3A_208 : vector<16xi32> to vector<32xbf16>
        %bitcast3A_211 = vector.bitcast %gather3A_209 : vector<16xi32> to vector<32xbf16>
        %mul3A_212 = arith.mulf %bitcast3A_210, %bitcast3A_211 : vector<32xbf16>
        %unpack3A_213 = tpu.unpack_subelements %mul3A_212, 0 {pack_format = #tpu.pack_format<interleaved>} : vector<32xbf16> -> vector<16xf32>
        %unpack3A_214 = tpu.unpack_subelements %mul3A_212, 1 {pack_format = #tpu.pack_format<interleaved>} : vector<32xbf16> -> vector<16xf32>
        %mul3A_215 = arith.mulf %get3A_172, %unpack3A_213 : vector<16xf32>
        %add3A_216 = arith.addf %scan3A_162, %mul3A_215 : vector<16xf32>
        %mul3A_217 = arith.mulf %get3A_172, %unpack3A_214 : vector<16xf32>
        %add3A_218 = arith.addf %scan3A_163, %mul3A_217 : vector<16xf32>
        %mul3A_219 = arith.constant 4 : i32
        %mul3A_220 = arith.muli %scan3A_155, %mul3A_219 : i32
        %add3A_221 = arith.constant 1 : i32
        %add3A_222 = arith.addi %mul3A_220, %add3A_221 : i32
        %mul3A_223 = arith.constant 16 : i32
        %mul3A_224 = arith.muli %add3A_222, %mul3A_223 : i32
        %get3A_225 = arith.index_cast %mul3A_224 : i32 to index
        %get3A_226 = tpu.vector_load %arg13[%get3A_225] {strides = array<i32>} : memref<4096xi32, #tpu.memory_space<vmem>>, vector<16xi32>,
        %get3A_227 = arith.index_cast %mul3A_224 : i32 to index
        %get3A_228 = tpu.vector_load %arg15[%get3A_227] {strides = array<i32>} : memref<4096xf32, #tpu.memory_space<vmem>>, vector<16xf32>,
        %shift_right_logical3A_229 = arith.constant 14 : i32
        %shift_right_logical3A_230 = vector.broadcast %shift_right_logical3A_229 : i32 to vector<16xi32>
        %shift_right_logical3A_231 = arith.shrui %get3A_226, %shift_right_logical3A_230 : vector<16xi32>
        %and3A_232 = arith.constant 16383 : i32
        %and3A_233 = vector.broadcast %and3A_232 : i32 to vector<16xi32>
        %and3A_234 = arith.andi %get3A_226, %and3A_233 : vector<16xi32>
        %gather3A_235 = tpu.vector_load_idx %arg8[%shift_right_logical3A_231] : memref<16384xi32, #tpu.memory_space<vmem>>[vector<16xi32>], vector<16xi32>,
        %gather3A_236 = tpu.vector_load_idx %arg8[%and3A_234] : memref<16384xi32, #tpu.memory_space<vmem>>[vector<16xi32>], vector<16xi32>,
        %bitcast3A_237 = vector.bitcast %gather3A_235 : vector<16xi32> to vector<32xbf16>
        %bitcast3A_238 = vector.bitcast %gather3A_236 : vector<16xi32> to vector<32xbf16>
        %mul3A_239 = arith.mulf %bitcast3A_237, %bitcast3A_238 : vector<32xbf16>
        %unpack3A_240 = tpu.unpack_subelements %mul3A_239, 0 {pack_format = #tpu.pack_format<interleaved>} : vector<32xbf16> -> vector<16xf32>
        %unpack3A_241 = tpu.unpack_subelements %mul3A_239, 1 {pack_format = #tpu.pack_format<interleaved>} : vector<32xbf16> -> vector<16xf32>
        %mul3A_242 = arith.mulf %get3A_228, %unpack3A_240 : vector<16xf32>
        %add3A_243 = arith.addf %add3A_183, %mul3A_242 : vector<16xf32>
        %mul3A_244 = arith.mulf %get3A_228, %unpack3A_241 : vector<16xf32>
        %add3A_245 = arith.addf %add3A_185, %mul3A_244 : vector<16xf32>
        %gather3A_246 = tpu.vector_load_idx %arg9[%shift_right_logical3A_231] : memref<16384xi32, #tpu.memory_space<vmem>>[vector<16xi32>], vector<16xi32>,
        %gather3A_247 = tpu.vector_load_idx %arg9[%and3A_234] : memref<16384xi32, #tpu.memory_space<vmem>>[vector<16xi32>], vector<16xi32>,
        %bitcast3A_248 = vector.bitcast %gather3A_246 : vector<16xi32> to vector<32xbf16>
        %bitcast3A_249 = vector.bitcast %gather3A_247 : vector<16xi32> to vector<32xbf16>
        %mul3A_250 = arith.mulf %bitcast3A_248, %bitcast3A_249 : vector<32xbf16>
        %unpack3A_251 = tpu.unpack_subelements %mul3A_250, 0 {pack_format = #tpu.pack_format<interleaved>} : vector<32xbf16> -> vector<16xf32>
        %unpack3A_252 = tpu.unpack_subelements %mul3A_250, 1 {pack_format = #tpu.pack_format<interleaved>} : vector<32xbf16> -> vector<16xf32>
        %mul3A_253 = arith.mulf %get3A_228, %unpack3A_251 : vector<16xf32>
        %add3A_254 = arith.addf %add3A_194, %mul3A_253 : vector<16xf32>
        %mul3A_255 = arith.mulf %get3A_228, %unpack3A_252 : vector<16xf32>
        %add3A_256 = arith.addf %add3A_196, %mul3A_255 : vector<16xf32>
        %gather3A_257 = tpu.vector_load_idx %arg10[%shift_right_logical3A_231] : memref<16384xi32, #tpu.memory_space<vmem>>[vector<16xi32>], vector<16xi32>,
        %gather3A_258 = tpu.vector_load_idx %arg10[%and3A_234] : memref<16384xi32, #tpu.memory_space<vmem>>[vector<16xi32>], vector<16xi32>,
        %bitcast3A_259 = vector.bitcast %gather3A_257 : vector<16xi32> to vector<32xbf16>
        %bitcast3A_260 = vector.bitcast %gather3A_258 : vector<16xi32> to vector<32xbf16>
        %mul3A_261 = arith.mulf %bitcast3A_259, %bitcast3A_260 : vector<32xbf16>
        %unpack3A_262 = tpu.unpack_subelements %mul3A_261, 0 {pack_format = #tpu.pack_format<interleaved>} : vector<32xbf16> -> vector<16xf32>
        %unpack3A_263 = tpu.unpack_subelements %mul3A_261, 1 {pack_format = #tpu.pack_format<interleaved>} : vector<32xbf16> -> vector<16xf32>
        %mul3A_264 = arith.mulf %get3A_228, %unpack3A_262 : vector<16xf32>
        %add3A_265 = arith.addf %add3A_205, %mul3A_264 : vector<16xf32>
        %mul3A_266 = arith.mulf %get3A_228, %unpack3A_263 : vector<16xf32>
        %add3A_267 = arith.addf %add3A_207, %mul3A_266 : vector<16xf32>
        %gather3A_268 = tpu.vector_load_idx %arg11[%shift_right_logical3A_231] : memref<16384xi32, #tpu.memory_space<vmem>>[vector<16xi32>], vector<16xi32>,
        %gather3A_269 = tpu.vector_load_idx %arg11[%and3A_234] : memref<16384xi32, #tpu.memory_space<vmem>>[vector<16xi32>], vector<16xi32>,
        %bitcast3A_270 = vector.bitcast %gather3A_268 : vector<16xi32> to vector<32xbf16>
        %bitcast3A_271 = vector.bitcast %gather3A_269 : vector<16xi32> to vector<32xbf16>
        %mul3A_272 = arith.mulf %bitcast3A_270, %bitcast3A_271 : vector<32xbf16>
        %unpack3A_273 = tpu.unpack_subelements %mul3A_272, 0 {pack_format = #tpu.pack_format<interleaved>} : vector<32xbf16> -> vector<16xf32>
        %unpack3A_274 = tpu.unpack_subelements %mul3A_272, 1 {pack_format = #tpu.pack_format<interleaved>} : vector<32xbf16> -> vector<16xf32>
        %mul3A_275 = arith.mulf %get3A_228, %unpack3A_273 : vector<16xf32>
        %add3A_276 = arith.addf %add3A_216, %mul3A_275 : vector<16xf32>
        %mul3A_277 = arith.mulf %get3A_228, %unpack3A_274 : vector<16xf32>
        %add3A_278 = arith.addf %add3A_218, %mul3A_277 : vector<16xf32>
        %mul3A_279 = arith.constant 4 : i32
        %mul3A_280 = arith.muli %scan3A_155, %mul3A_279 : i32
        %add3A_281 = arith.constant 2 : i32
        %add3A_282 = arith.addi %mul3A_280, %add3A_281 : i32
        %mul3A_283 = arith.constant 16 : i32
        %mul3A_284 = arith.muli %add3A_282, %mul3A_283 : i32
        %get3A_285 = arith.index_cast %mul3A_284 : i32 to index
        %get3A_286 = tpu.vector_load %arg13[%get3A_285] {strides = array<i32>} : memref<4096xi32, #tpu.memory_space<vmem>>, vector<16xi32>,
        %get3A_287 = arith.index_cast %mul3A_284 : i32 to index
        %get3A_288 = tpu.vector_load %arg15[%get3A_287] {strides = array<i32>} : memref<4096xf32, #tpu.memory_space<vmem>>, vector<16xf32>,
        %shift_right_logical3A_289 = arith.constant 14 : i32
        %shift_right_logical3A_290 = vector.broadcast %shift_right_logical3A_289 : i32 to vector<16xi32>
        %shift_right_logical3A_291 = arith.shrui %get3A_286, %shift_right_logical3A_290 : vector<16xi32>
        %and3A_292 = arith.constant 16383 : i32
        %and3A_293 = vector.broadcast %and3A_292 : i32 to vector<16xi32>
        %and3A_294 = arith.andi %get3A_286, %and3A_293 : vector<16xi32>
        %gather3A_295 = tpu.vector_load_idx %arg8[%shift_right_logical3A_291] : memref<16384xi32, #tpu.memory_space<vmem>>[vector<16xi32>], vector<16xi32>,
        %gather3A_296 = tpu.vector_load_idx %arg8[%and3A_294] : memref<16384xi32, #tpu.memory_space<vmem>>[vector<16xi32>], vector<16xi32>,
        %bitcast3A_297 = vector.bitcast %gather3A_295 : vector<16xi32> to vector<32xbf16>
        %bitcast3A_298 = vector.bitcast %gather3A_296 : vector<16xi32> to vector<32xbf16>
        %mul3A_299 = arith.mulf %bitcast3A_297, %bitcast3A_298 : vector<32xbf16>
        %unpack3A_300 = tpu.unpack_subelements %mul3A_299, 0 {pack_format = #tpu.pack_format<interleaved>} : vector<32xbf16> -> vector<16xf32>
        %unpack3A_301 = tpu.unpack_subelements %mul3A_299, 1 {pack_format = #tpu.pack_format<interleaved>} : vector<32xbf16> -> vector<16xf32>
        %mul3A_302 = arith.mulf %get3A_288, %unpack3A_300 : vector<16xf32>
        %add3A_303 = arith.addf %add3A_243, %mul3A_302 : vector<16xf32>
        %mul3A_304 = arith.mulf %get3A_288, %unpack3A_301 : vector<16xf32>
        %add3A_305 = arith.addf %add3A_245, %mul3A_304 : vector<16xf32>
        %gather3A_306 = tpu.vector_load_idx %arg9[%shift_right_logical3A_291] : memref<16384xi32, #tpu.memory_space<vmem>>[vector<16xi32>], vector<16xi32>,
        %gather3A_307 = tpu.vector_load_idx %arg9[%and3A_294] : memref<16384xi32, #tpu.memory_space<vmem>>[vector<16xi32>], vector<16xi32>,
        %bitcast3A_308 = vector.bitcast %gather3A_306 : vector<16xi32> to vector<32xbf16>
        %bitcast3A_309 = vector.bitcast %gather3A_307 : vector<16xi32> to vector<32xbf16>
        %mul3A_310 = arith.mulf %bitcast3A_308, %bitcast3A_309 : vector<32xbf16>
        %unpack3A_311 = tpu.unpack_subelements %mul3A_310, 0 {pack_format = #tpu.pack_format<interleaved>} : vector<32xbf16> -> vector<16xf32>
        %unpack3A_312 = tpu.unpack_subelements %mul3A_310, 1 {pack_format = #tpu.pack_format<interleaved>} : vector<32xbf16> -> vector<16xf32>
        %mul3A_313 = arith.mulf %get3A_288, %unpack3A_311 : vector<16xf32>
        %add3A_314 = arith.addf %add3A_254, %mul3A_313 : vector<16xf32>
        %mul3A_315 = arith.mulf %get3A_288, %unpack3A_312 : vector<16xf32>
        %add3A_316 = arith.addf %add3A_256, %mul3A_315 : vector<16xf32>
        %gather3A_317 = tpu.vector_load_idx %arg10[%shift_right_logical3A_291] : memref<16384xi32, #tpu.memory_space<vmem>>[vector<16xi32>], vector<16xi32>,
        %gather3A_318 = tpu.vector_load_idx %arg10[%and3A_294] : memref<16384xi32, #tpu.memory_space<vmem>>[vector<16xi32>], vector<16xi32>,
        %bitcast3A_319 = vector.bitcast %gather3A_317 : vector<16xi32> to vector<32xbf16>
        %bitcast3A_320 = vector.bitcast %gather3A_318 : vector<16xi32> to vector<32xbf16>
        %mul3A_321 = arith.mulf %bitcast3A_319, %bitcast3A_320 : vector<32xbf16>
        %unpack3A_322 = tpu.unpack_subelements %mul3A_321, 0 {pack_format = #tpu.pack_format<interleaved>} : vector<32xbf16> -> vector<16xf32>
        %unpack3A_323 = tpu.unpack_subelements %mul3A_321, 1 {pack_format = #tpu.pack_format<interleaved>} : vector<32xbf16> -> vector<16xf32>
        %mul3A_324 = arith.mulf %get3A_288, %unpack3A_322 : vector<16xf32>
        %add3A_325 = arith.addf %add3A_265, %mul3A_324 : vector<16xf32>
        %mul3A_326 = arith.mulf %get3A_288, %unpack3A_323 : vector<16xf32>
        %add3A_327 = arith.addf %add3A_267, %mul3A_326 : vector<16xf32>
        %gather3A_328 = tpu.vector_load_idx %arg11[%shift_right_logical3A_291] : memref<16384xi32, #tpu.memory_space<vmem>>[vector<16xi32>], vector<16xi32>,
        %gather3A_329 = tpu.vector_load_idx %arg11[%and3A_294] : memref<16384xi32, #tpu.memory_space<vmem>>[vector<16xi32>], vector<16xi32>,
        %bitcast3A_330 = vector.bitcast %gather3A_328 : vector<16xi32> to vector<32xbf16>
        %bitcast3A_331 = vector.bitcast %gather3A_329 : vector<16xi32> to vector<32xbf16>
        %mul3A_332 = arith.mulf %bitcast3A_330, %bitcast3A_331 : vector<32xbf16>
        %unpack3A_333 = tpu.unpack_subelements %mul3A_332, 0 {pack_format = #tpu.pack_format<interleaved>} : vector<32xbf16> -> vector<16xf32>
        %unpack3A_334 = tpu.unpack_subelements %mul3A_332, 1 {pack_format = #tpu.pack_format<interleaved>} : vector<32xbf16> -> vector<16xf32>
        %mul3A_335 = arith.mulf %get3A_288, %unpack3A_333 : vector<16xf32>
        %add3A_336 = arith.addf %add3A_276, %mul3A_335 : vector<16xf32>
        %mul3A_337 = arith.mulf %get3A_288, %unpack3A_334 : vector<16xf32>
        %add3A_338 = arith.addf %add3A_278, %mul3A_337 : vector<16xf32>
        %mul3A_339 = arith.constant 4 : i32
        %mul3A_340 = arith.muli %scan3A_155, %mul3A_339 : i32
        %add3A_341 = arith.constant 3 : i32
        %add3A_342 = arith.addi %mul3A_340, %add3A_341 : i32
        %mul3A_343 = arith.constant 16 : i32
        %mul3A_344 = arith.muli %add3A_342, %mul3A_343 : i32
        %get3A_345 = arith.index_cast %mul3A_344 : i32 to index
        %get3A_346 = tpu.vector_load %arg13[%get3A_345] {strides = array<i32>} : memref<4096xi32, #tpu.memory_space<vmem>>, vector<16xi32>,
        %get3A_347 = arith.index_cast %mul3A_344 : i32 to index
        %get3A_348 = tpu.vector_load %arg15[%get3A_347] {strides = array<i32>} : memref<4096xf32, #tpu.memory_space<vmem>>, vector<16xf32>,
        %shift_right_logical3A_349 = arith.constant 14 : i32
        %shift_right_logical3A_350 = vector.broadcast %shift_right_logical3A_349 : i32 to vector<16xi32>
        %shift_right_logical3A_351 = arith.shrui %get3A_346, %shift_right_logical3A_350 : vector<16xi32>
        %and3A_352 = arith.constant 16383 : i32
        %and3A_353 = vector.broadcast %and3A_352 : i32 to vector<16xi32>
        %and3A_354 = arith.andi %get3A_346, %and3A_353 : vector<16xi32>
        %gather3A_355 = tpu.vector_load_idx %arg8[%shift_right_logical3A_351] : memref<16384xi32, #tpu.memory_space<vmem>>[vector<16xi32>], vector<16xi32>,
        %gather3A_356 = tpu.vector_load_idx %arg8[%and3A_354] : memref<16384xi32, #tpu.memory_space<vmem>>[vector<16xi32>], vector<16xi32>,
        %bitcast3A_357 = vector.bitcast %gather3A_355 : vector<16xi32> to vector<32xbf16>
        %bitcast3A_358 = vector.bitcast %gather3A_356 : vector<16xi32> to vector<32xbf16>
        %mul3A_359 = arith.mulf %bitcast3A_357, %bitcast3A_358 : vector<32xbf16>
        %unpack3A_360 = tpu.unpack_subelements %mul3A_359, 0 {pack_format = #tpu.pack_format<interleaved>} : vector<32xbf16> -> vector<16xf32>
        %unpack3A_361 = tpu.unpack_subelements %mul3A_359, 1 {pack_format = #tpu.pack_format<interleaved>} : vector<32xbf16> -> vector<16xf32>
        %mul3A_362 = arith.mulf %get3A_348, %unpack3A_360 : vector<16xf32>
        %add3A_363 = arith.addf %add3A_303, %mul3A_362 : vector<16xf32>
        %mul3A_364 = arith.mulf %get3A_348, %unpack3A_361 : vector<16xf32>
        %add3A_365 = arith.addf %add3A_305, %mul3A_364 : vector<16xf32>
        %gather3A_366 = tpu.vector_load_idx %arg9[%shift_right_logical3A_351] : memref<16384xi32, #tpu.memory_space<vmem>>[vector<16xi32>], vector<16xi32>,
        %gather3A_367 = tpu.vector_load_idx %arg9[%and3A_354] : memref<16384xi32, #tpu.memory_space<vmem>>[vector<16xi32>], vector<16xi32>,
        %bitcast3A_368 = vector.bitcast %gather3A_366 : vector<16xi32> to vector<32xbf16>
        %bitcast3A_369 = vector.bitcast %gather3A_367 : vector<16xi32> to vector<32xbf16>
        %mul3A_370 = arith.mulf %bitcast3A_368, %bitcast3A_369 : vector<32xbf16>
        %unpack3A_371 = tpu.unpack_subelements %mul3A_370, 0 {pack_format = #tpu.pack_format<interleaved>} : vector<32xbf16> -> vector<16xf32>
        %unpack3A_372 = tpu.unpack_subelements %mul3A_370, 1 {pack_format = #tpu.pack_format<interleaved>} : vector<32xbf16> -> vector<16xf32>
        %mul3A_373 = arith.mulf %get3A_348, %unpack3A_371 : vector<16xf32>
        %add3A_374 = arith.addf %add3A_314, %mul3A_373 : vector<16xf32>
        %mul3A_375 = arith.mulf %get3A_348, %unpack3A_372 : vector<16xf32>
        %add3A_376 = arith.addf %add3A_316, %mul3A_375 : vector<16xf32>
        %gather3A_377 = tpu.vector_load_idx %arg10[%shift_right_logical3A_351] : memref<16384xi32, #tpu.memory_space<vmem>>[vector<16xi32>], vector<16xi32>,
        %gather3A_378 = tpu.vector_load_idx %arg10[%and3A_354] : memref<16384xi32, #tpu.memory_space<vmem>>[vector<16xi32>], vector<16xi32>,
        %bitcast3A_379 = vector.bitcast %gather3A_377 : vector<16xi32> to vector<32xbf16>
        %bitcast3A_380 = vector.bitcast %gather3A_378 : vector<16xi32> to vector<32xbf16>
        %mul3A_381 = arith.mulf %bitcast3A_379, %bitcast3A_380 : vector<32xbf16>
        %unpack3A_382 = tpu.unpack_subelements %mul3A_381, 0 {pack_format = #tpu.pack_format<interleaved>} : vector<32xbf16> -> vector<16xf32>
        %unpack3A_383 = tpu.unpack_subelements %mul3A_381, 1 {pack_format = #tpu.pack_format<interleaved>} : vector<32xbf16> -> vector<16xf32>
        %mul3A_384 = arith.mulf %get3A_348, %unpack3A_382 : vector<16xf32>
        %add3A_385 = arith.addf %add3A_325, %mul3A_384 : vector<16xf32>
        %mul3A_386 = arith.mulf %get3A_348, %unpack3A_383 : vector<16xf32>
        %add3A_387 = arith.addf %add3A_327, %mul3A_386 : vector<16xf32>
        %gather3A_388 = tpu.vector_load_idx %arg11[%shift_right_logical3A_351] : memref<16384xi32, #tpu.memory_space<vmem>>[vector<16xi32>], vector<16xi32>,
        %gather3A_389 = tpu.vector_load_idx %arg11[%and3A_354] : memref<16384xi32, #tpu.memory_space<vmem>>[vector<16xi32>], vector<16xi32>,
        %bitcast3A_390 = vector.bitcast %gather3A_388 : vector<16xi32> to vector<32xbf16>
        %bitcast3A_391 = vector.bitcast %gather3A_389 : vector<16xi32> to vector<32xbf16>
        %mul3A_392 = arith.mulf %bitcast3A_390, %bitcast3A_391 : vector<32xbf16>
        %unpack3A_393 = tpu.unpack_subelements %mul3A_392, 0 {pack_format = #tpu.pack_format<interleaved>} : vector<32xbf16> -> vector<16xf32>
        %unpack3A_394 = tpu.unpack_subelements %mul3A_392, 1 {pack_format = #tpu.pack_format<interleaved>} : vector<32xbf16> -> vector<16xf32>
        %mul3A_395 = arith.mulf %get3A_348, %unpack3A_393 : vector<16xf32>
        %add3A_396 = arith.addf %add3A_336, %mul3A_395 : vector<16xf32>
        %mul3A_397 = arith.mulf %get3A_348, %unpack3A_394 : vector<16xf32>
        %add3A_398 = arith.addf %add3A_338, %mul3A_397 : vector<16xf32>
        scf.yield %add3A_363, %add3A_365, %add3A_374, %add3A_376, %add3A_385, %add3A_387, %add3A_396, %add3A_398 : vector<16xf32>, vector<16xf32>, vector<16xf32>, vector<16xf32>, vector<16xf32>, vector<16xf32>, vector<16xf32>, vector<16xf32>
      }
      %scan3A_154 = arith.constant 64 : i32
      scf.yield %scan3A_153#0, %scan3A_153#1, %scan3A_153#2, %scan3A_153#3, %scan3A_153#4, %scan3A_153#5, %scan3A_153#6, %scan3A_153#7 : vector<16xf32>, vector<16xf32>, vector<16xf32>, vector<16xf32>, vector<16xf32>, vector<16xf32>, vector<16xf32>, vector<16xf32>
    }
    %while3A_68 = arith.constant 1 : i32
    %while3A_69:8 = scf.for %while3A_103 = %while3A_65 to %while3A_61 step %while3A_68 iter_args(%while3A_104 = %while3A_67#0, %while3A_105 = %while3A_67#1, %while3A_106 = %while3A_67#2, %while3A_107 = %while3A_67#3, %while3A_108 = %while3A_67#4, %while3A_109 = %while3A_67#5, %while3A_110 = %while3A_67#6, %while3A_111 = %while3A_67#7) -> (vector<16xf32>, vector<16xf32>, vector<16xf32>, vector<16xf32>, vector<16xf32>, vector<16xf32>, vector<16xf32>, vector<16xf32>)  : i32 {
      %mul3A_112 = arith.constant 2 : i32
      %mul3A_113 = arith.muli %mul3A_112, %while3A_103 : i32
      %add3A_114 = arith.constant 1 : i32
      %add3A_115 = arith.addi %mul3A_113, %add3A_114 : i32
      %mul3A_116 = arith.constant 4096 : i32
      %mul3A_117 = arith.muli %add3A_115, %mul3A_116 : i32
      %add3A_118 = arith.addi %mul3A_50, %mul3A_117 : i32
      %dma_start3A_119 = tpu.memref_slice %arg3[%add3A_118] : memref<2700738xi32, #tpu.memory_space<hbm>> -> memref<4096xi32, #tpu.memory_space<hbm>>
      %dma_start3A_120 = tpu.memref_slice %arg3[%add3A_118] : memref<2700738xi32, #tpu.memory_space<hbm>> -> memref<4096xi32, #tpu.memory_space<hbm>>
      tpu.enqueue_dma source(%dma_start3A_120 : memref<4096xi32, #tpu.memory_space<hbm>>) target(%arg13 : memref<4096xi32, #tpu.memory_space<vmem>>) target_semaphore(%arg19 : memref<!tpu.dma_semaphore, #tpu.memory_space<semaphore_mem>>)
      %dma_start3A_121 = tpu.memref_slice %arg4[%add3A_118] : memref<2700738xf32, #tpu.memory_space<hbm>> -> memref<4096xf32, #tpu.memory_space<hbm>>
      %dma_start3A_122 = tpu.memref_slice %arg4[%add3A_118] : memref<2700738xf32, #tpu.memory_space<hbm>> -> memref<4096xf32, #tpu.memory_space<hbm>>
      tpu.enqueue_dma source(%dma_start3A_122 : memref<4096xf32, #tpu.memory_space<hbm>>) target(%arg15 : memref<4096xf32, #tpu.memory_space<vmem>>) target_semaphore(%arg20 : memref<!tpu.dma_semaphore, #tpu.memory_space<semaphore_mem>>)
      %mul3A_123 = arith.constant 4096 : i32
      %mul3A_124 = arith.muli %mul3A_113, %mul3A_123 : i32
      %add3A_125 = arith.addi %mul3A_50, %mul3A_124 : i32
      %dma_wait3A = tpu.memref_slice %arg3[%add3A_125] : memref<2700738xi32, #tpu.memory_space<hbm>> -> memref<4096xi32, #tpu.memory_space<hbm>>
      %dma_wait3A_126 = tpu.memref_slice %arg3[%add3A_125] : memref<2700738xi32, #tpu.memory_space<hbm>> -> memref<4096xi32, #tpu.memory_space<hbm>>
      tpu.wait_dma2 semaphore(%arg17 : memref<!tpu.dma_semaphore, #tpu.memory_space<semaphore_mem>>) src(%dma_wait3A_126 : memref<4096xi32, #tpu.memory_space<hbm>>) dst(%arg12 : memref<4096xi32, #tpu.memory_space<vmem>>)
      %dma_wait3A_127 = tpu.memref_slice %arg4[%add3A_125] : memref<2700738xf32, #tpu.memory_space<hbm>> -> memref<4096xf32, #tpu.memory_space<hbm>>
      %dma_wait3A_128 = tpu.memref_slice %arg4[%add3A_125] : memref<2700738xf32, #tpu.memory_space<hbm>> -> memref<4096xf32, #tpu.memory_space<hbm>>
      tpu.wait_dma2 semaphore(%arg18 : memref<!tpu.dma_semaphore, #tpu.memory_space<semaphore_mem>>) src(%dma_wait3A_128 : memref<4096xf32, #tpu.memory_space<hbm>>) dst(%arg14 : memref<4096xf32, #tpu.memory_space<vmem>>)
      %scan3A = arith.constant 0 : i32
      %scan3A_129 = arith.constant 64 : i32
      %scan3A_130 = arith.addi %scan3A, %scan3A_129 : i32
      %scan3A_131 = arith.constant 1 : i32
      %scan3A_132:8 = scf.for %scan3A_155 = %scan3A to %scan3A_130 step %scan3A_131 iter_args(%scan3A_156 = %while3A_104, %scan3A_157 = %while3A_105, %scan3A_158 = %while3A_106, %scan3A_159 = %while3A_107, %scan3A_160 = %while3A_108, %scan3A_161 = %while3A_109, %scan3A_162 = %while3A_110, %scan3A_163 = %while3A_111) -> (vector<16xf32>, vector<16xf32>, vector<16xf32>, vector<16xf32>, vector<16xf32>, vector<16xf32>, vector<16xf32>, vector<16xf32>)  : i32 {
        %mul3A_164 = arith.constant 4 : i32
        %mul3A_165 = arith.muli %scan3A_155, %mul3A_164 : i32
        %add3A_166 = arith.constant 0 : i32
        %add3A_167 = arith.addi %mul3A_165, %add3A_166 : i32
        %mul3A_168 = arith.constant 16 : i32
        %mul3A_169 = arith.muli %add3A_167, %mul3A_168 : i32
        %get3A = arith.index_cast %mul3A_169 : i32 to index
        %get3A_170 = tpu.vector_load %arg12[%get3A] {strides = array<i32>} : memref<4096xi32, #tpu.memory_space<vmem>>, vector<16xi32>,
        %get3A_171 = arith.index_cast %mul3A_169 : i32 to index
        %get3A_172 = tpu.vector_load %arg14[%get3A_171] {strides = array<i32>} : memref<4096xf32, #tpu.memory_space<vmem>>, vector<16xf32>,
        %shift_right_logical3A = arith.constant 14 : i32
        %shift_right_logical3A_173 = vector.broadcast %shift_right_logical3A : i32 to vector<16xi32>
        %shift_right_logical3A_174 = arith.shrui %get3A_170, %shift_right_logical3A_173 : vector<16xi32>
        %and3A_175 = arith.constant 16383 : i32
        %and3A_176 = vector.broadcast %and3A_175 : i32 to vector<16xi32>
        %and3A_177 = arith.andi %get3A_170, %and3A_176 : vector<16xi32>
        %gather3A = tpu.vector_load_idx %arg8[%shift_right_logical3A_174] : memref<16384xi32, #tpu.memory_space<vmem>>[vector<16xi32>], vector<16xi32>,
        %gather3A_178 = tpu.vector_load_idx %arg8[%and3A_177] : memref<16384xi32, #tpu.memory_space<vmem>>[vector<16xi32>], vector<16xi32>,
        %bitcast3A = vector.bitcast %gather3A : vector<16xi32> to vector<32xbf16>
        %bitcast3A_179 = vector.bitcast %gather3A_178 : vector<16xi32> to vector<32xbf16>
        %mul3A_180 = arith.mulf %bitcast3A, %bitcast3A_179 : vector<32xbf16>
        %unpack3A = tpu.unpack_subelements %mul3A_180, 0 {pack_format = #tpu.pack_format<interleaved>} : vector<32xbf16> -> vector<16xf32>
        %unpack3A_181 = tpu.unpack_subelements %mul3A_180, 1 {pack_format = #tpu.pack_format<interleaved>} : vector<32xbf16> -> vector<16xf32>
        %mul3A_182 = arith.mulf %get3A_172, %unpack3A : vector<16xf32>
        %add3A_183 = arith.addf %scan3A_156, %mul3A_182 : vector<16xf32>
        %mul3A_184 = arith.mulf %get3A_172, %unpack3A_181 : vector<16xf32>
        %add3A_185 = arith.addf %scan3A_157, %mul3A_184 : vector<16xf32>
        %gather3A_186 = tpu.vector_load_idx %arg9[%shift_right_logical3A_174] : memref<16384xi32, #tpu.memory_space<vmem>>[vector<16xi32>], vector<16xi32>,
        %gather3A_187 = tpu.vector_load_idx %arg9[%and3A_177] : memref<16384xi32, #tpu.memory_space<vmem>>[vector<16xi32>], vector<16xi32>,
        %bitcast3A_188 = vector.bitcast %gather3A_186 : vector<16xi32> to vector<32xbf16>
        %bitcast3A_189 = vector.bitcast %gather3A_187 : vector<16xi32> to vector<32xbf16>
        %mul3A_190 = arith.mulf %bitcast3A_188, %bitcast3A_189 : vector<32xbf16>
        %unpack3A_191 = tpu.unpack_subelements %mul3A_190, 0 {pack_format = #tpu.pack_format<interleaved>} : vector<32xbf16> -> vector<16xf32>
        %unpack3A_192 = tpu.unpack_subelements %mul3A_190, 1 {pack_format = #tpu.pack_format<interleaved>} : vector<32xbf16> -> vector<16xf32>
        %mul3A_193 = arith.mulf %get3A_172, %unpack3A_191 : vector<16xf32>
        %add3A_194 = arith.addf %scan3A_158, %mul3A_193 : vector<16xf32>
        %mul3A_195 = arith.mulf %get3A_172, %unpack3A_192 : vector<16xf32>
        %add3A_196 = arith.addf %scan3A_159, %mul3A_195 : vector<16xf32>
        %gather3A_197 = tpu.vector_load_idx %arg10[%shift_right_logical3A_174] : memref<16384xi32, #tpu.memory_space<vmem>>[vector<16xi32>], vector<16xi32>,
        %gather3A_198 = tpu.vector_load_idx %arg10[%and3A_177] : memref<16384xi32, #tpu.memory_space<vmem>>[vector<16xi32>], vector<16xi32>,
        %bitcast3A_199 = vector.bitcast %gather3A_197 : vector<16xi32> to vector<32xbf16>
        %bitcast3A_200 = vector.bitcast %gather3A_198 : vector<16xi32> to vector<32xbf16>
        %mul3A_201 = arith.mulf %bitcast3A_199, %bitcast3A_200 : vector<32xbf16>
        %unpack3A_202 = tpu.unpack_subelements %mul3A_201, 0 {pack_format = #tpu.pack_format<interleaved>} : vector<32xbf16> -> vector<16xf32>
        %unpack3A_203 = tpu.unpack_subelements %mul3A_201, 1 {pack_format = #tpu.pack_format<interleaved>} : vector<32xbf16> -> vector<16xf32>
        %mul3A_204 = arith.mulf %get3A_172, %unpack3A_202 : vector<16xf32>
        %add3A_205 = arith.addf %scan3A_160, %mul3A_204 : vector<16xf32>
        %mul3A_206 = arith.mulf %get3A_172, %unpack3A_203 : vector<16xf32>
        %add3A_207 = arith.addf %scan3A_161, %mul3A_206 : vector<16xf32>
        %gather3A_208 = tpu.vector_load_idx %arg11[%shift_right_logical3A_174] : memref<16384xi32, #tpu.memory_space<vmem>>[vector<16xi32>], vector<16xi32>,
        %gather3A_209 = tpu.vector_load_idx %arg11[%and3A_177] : memref<16384xi32, #tpu.memory_space<vmem>>[vector<16xi32>], vector<16xi32>,
        %bitcast3A_210 = vector.bitcast %gather3A_208 : vector<16xi32> to vector<32xbf16>
        %bitcast3A_211 = vector.bitcast %gather3A_209 : vector<16xi32> to vector<32xbf16>
        %mul3A_212 = arith.mulf %bitcast3A_210, %bitcast3A_211 : vector<32xbf16>
        %unpack3A_213 = tpu.unpack_subelements %mul3A_212, 0 {pack_format = #tpu.pack_format<interleaved>} : vector<32xbf16> -> vector<16xf32>
        %unpack3A_214 = tpu.unpack_subelements %mul3A_212, 1 {pack_format = #tpu.pack_format<interleaved>} : vector<32xbf16> -> vector<16xf32>
        %mul3A_215 = arith.mulf %get3A_172, %unpack3A_213 : vector<16xf32>
        %add3A_216 = arith.addf %scan3A_162, %mul3A_215 : vector<16xf32>
        %mul3A_217 = arith.mulf %get3A_172, %unpack3A_214 : vector<16xf32>
        %add3A_218 = arith.addf %scan3A_163, %mul3A_217 : vector<16xf32>
        %mul3A_219 = arith.constant 4 : i32
        %mul3A_220 = arith.muli %scan3A_155, %mul3A_219 : i32
        %add3A_221 = arith.constant 1 : i32
        %add3A_222 = arith.addi %mul3A_220, %add3A_221 : i32
        %mul3A_223 = arith.constant 16 : i32
        %mul3A_224 = arith.muli %add3A_222, %mul3A_223 : i32
        %get3A_225 = arith.index_cast %mul3A_224 : i32 to index
        %get3A_226 = tpu.vector_load %arg12[%get3A_225] {strides = array<i32>} : memref<4096xi32, #tpu.memory_space<vmem>>, vector<16xi32>,
        %get3A_227 = arith.index_cast %mul3A_224 : i32 to index
        %get3A_228 = tpu.vector_load %arg14[%get3A_227] {strides = array<i32>} : memref<4096xf32, #tpu.memory_space<vmem>>, vector<16xf32>,
        %shift_right_logical3A_229 = arith.constant 14 : i32
        %shift_right_logical3A_230 = vector.broadcast %shift_right_logical3A_229 : i32 to vector<16xi32>
        %shift_right_logical3A_231 = arith.shrui %get3A_226, %shift_right_logical3A_230 : vector<16xi32>
        %and3A_232 = arith.constant 16383 : i32
        %and3A_233 = vector.broadcast %and3A_232 : i32 to vector<16xi32>
        %and3A_234 = arith.andi %get3A_226, %and3A_233 : vector<16xi32>
        %gather3A_235 = tpu.vector_load_idx %arg8[%shift_right_logical3A_231] : memref<16384xi32, #tpu.memory_space<vmem>>[vector<16xi32>], vector<16xi32>,
        %gather3A_236 = tpu.vector_load_idx %arg8[%and3A_234] : memref<16384xi32, #tpu.memory_space<vmem>>[vector<16xi32>], vector<16xi32>,
        %bitcast3A_237 = vector.bitcast %gather3A_235 : vector<16xi32> to vector<32xbf16>
        %bitcast3A_238 = vector.bitcast %gather3A_236 : vector<16xi32> to vector<32xbf16>
        %mul3A_239 = arith.mulf %bitcast3A_237, %bitcast3A_238 : vector<32xbf16>
        %unpack3A_240 = tpu.unpack_subelements %mul3A_239, 0 {pack_format = #tpu.pack_format<interleaved>} : vector<32xbf16> -> vector<16xf32>
        %unpack3A_241 = tpu.unpack_subelements %mul3A_239, 1 {pack_format = #tpu.pack_format<interleaved>} : vector<32xbf16> -> vector<16xf32>
        %mul3A_242 = arith.mulf %get3A_228, %unpack3A_240 : vector<16xf32>
        %add3A_243 = arith.addf %add3A_183, %mul3A_242 : vector<16xf32>
        %mul3A_244 = arith.mulf %get3A_228, %unpack3A_241 : vector<16xf32>
        %add3A_245 = arith.addf %add3A_185, %mul3A_244 : vector<16xf32>
        %gather3A_246 = tpu.vector_load_idx %arg9[%shift_right_logical3A_231] : memref<16384xi32, #tpu.memory_space<vmem>>[vector<16xi32>], vector<16xi32>,
        %gather3A_247 = tpu.vector_load_idx %arg9[%and3A_234] : memref<16384xi32, #tpu.memory_space<vmem>>[vector<16xi32>], vector<16xi32>,
        %bitcast3A_248 = vector.bitcast %gather3A_246 : vector<16xi32> to vector<32xbf16>
        %bitcast3A_249 = vector.bitcast %gather3A_247 : vector<16xi32> to vector<32xbf16>
        %mul3A_250 = arith.mulf %bitcast3A_248, %bitcast3A_249 : vector<32xbf16>
        %unpack3A_251 = tpu.unpack_subelements %mul3A_250, 0 {pack_format = #tpu.pack_format<interleaved>} : vector<32xbf16> -> vector<16xf32>
        %unpack3A_252 = tpu.unpack_subelements %mul3A_250, 1 {pack_format = #tpu.pack_format<interleaved>} : vector<32xbf16> -> vector<16xf32>
        %mul3A_253 = arith.mulf %get3A_228, %unpack3A_251 : vector<16xf32>
        %add3A_254 = arith.addf %add3A_194, %mul3A_253 : vector<16xf32>
        %mul3A_255 = arith.mulf %get3A_228, %unpack3A_252 : vector<16xf32>
        %add3A_256 = arith.addf %add3A_196, %mul3A_255 : vector<16xf32>
        %gather3A_257 = tpu.vector_load_idx %arg10[%shift_right_logical3A_231] : memref<16384xi32, #tpu.memory_space<vmem>>[vector<16xi32>], vector<16xi32>,
        %gather3A_258 = tpu.vector_load_idx %arg10[%and3A_234] : memref<16384xi32, #tpu.memory_space<vmem>>[vector<16xi32>], vector<16xi32>,
        %bitcast3A_259 = vector.bitcast %gather3A_257 : vector<16xi32> to vector<32xbf16>
        %bitcast3A_260 = vector.bitcast %gather3A_258 : vector<16xi32> to vector<32xbf16>
        %mul3A_261 = arith.mulf %bitcast3A_259, %bitcast3A_260 : vector<32xbf16>
        %unpack3A_262 = tpu.unpack_subelements %mul3A_261, 0 {pack_format = #tpu.pack_format<interleaved>} : vector<32xbf16> -> vector<16xf32>
        %unpack3A_263 = tpu.unpack_subelements %mul3A_261, 1 {pack_format = #tpu.pack_format<interleaved>} : vector<32xbf16> -> vector<16xf32>
        %mul3A_264 = arith.mulf %get3A_228, %unpack3A_262 : vector<16xf32>
        %add3A_265 = arith.addf %add3A_205, %mul3A_264 : vector<16xf32>
        %mul3A_266 = arith.mulf %get3A_228, %unpack3A_263 : vector<16xf32>
        %add3A_267 = arith.addf %add3A_207, %mul3A_266 : vector<16xf32>
        %gather3A_268 = tpu.vector_load_idx %arg11[%shift_right_logical3A_231] : memref<16384xi32, #tpu.memory_space<vmem>>[vector<16xi32>], vector<16xi32>,
        %gather3A_269 = tpu.vector_load_idx %arg11[%and3A_234] : memref<16384xi32, #tpu.memory_space<vmem>>[vector<16xi32>], vector<16xi32>,
        %bitcast3A_270 = vector.bitcast %gather3A_268 : vector<16xi32> to vector<32xbf16>
        %bitcast3A_271 = vector.bitcast %gather3A_269 : vector<16xi32> to vector<32xbf16>
        %mul3A_272 = arith.mulf %bitcast3A_270, %bitcast3A_271 : vector<32xbf16>
        %unpack3A_273 = tpu.unpack_subelements %mul3A_272, 0 {pack_format = #tpu.pack_format<interleaved>} : vector<32xbf16> -> vector<16xf32>
        %unpack3A_274 = tpu.unpack_subelements %mul3A_272, 1 {pack_format = #tpu.pack_format<interleaved>} : vector<32xbf16> -> vector<16xf32>
        %mul3A_275 = arith.mulf %get3A_228, %unpack3A_273 : vector<16xf32>
        %add3A_276 = arith.addf %add3A_216, %mul3A_275 : vector<16xf32>
        %mul3A_277 = arith.mulf %get3A_228, %unpack3A_274 : vector<16xf32>
        %add3A_278 = arith.addf %add3A_218, %mul3A_277 : vector<16xf32>
        %mul3A_279 = arith.constant 4 : i32
        %mul3A_280 = arith.muli %scan3A_155, %mul3A_279 : i32
        %add3A_281 = arith.constant 2 : i32
        %add3A_282 = arith.addi %mul3A_280, %add3A_281 : i32
        %mul3A_283 = arith.constant 16 : i32
        %mul3A_284 = arith.muli %add3A_282, %mul3A_283 : i32
        %get3A_285 = arith.index_cast %mul3A_284 : i32 to index
        %get3A_286 = tpu.vector_load %arg12[%get3A_285] {strides = array<i32>} : memref<4096xi32, #tpu.memory_space<vmem>>, vector<16xi32>,
        %get3A_287 = arith.index_cast %mul3A_284 : i32 to index
        %get3A_288 = tpu.vector_load %arg14[%get3A_287] {strides = array<i32>} : memref<4096xf32, #tpu.memory_space<vmem>>, vector<16xf32>,
        %shift_right_logical3A_289 = arith.constant 14 : i32
        %shift_right_logical3A_290 = vector.broadcast %shift_right_logical3A_289 : i32 to vector<16xi32>
        %shift_right_logical3A_291 = arith.shrui %get3A_286, %shift_right_logical3A_290 : vector<16xi32>
        %and3A_292 = arith.constant 16383 : i32
        %and3A_293 = vector.broadcast %and3A_292 : i32 to vector<16xi32>
        %and3A_294 = arith.andi %get3A_286, %and3A_293 : vector<16xi32>
        %gather3A_295 = tpu.vector_load_idx %arg8[%shift_right_logical3A_291] : memref<16384xi32, #tpu.memory_space<vmem>>[vector<16xi32>], vector<16xi32>,
        %gather3A_296 = tpu.vector_load_idx %arg8[%and3A_294] : memref<16384xi32, #tpu.memory_space<vmem>>[vector<16xi32>], vector<16xi32>,
        %bitcast3A_297 = vector.bitcast %gather3A_295 : vector<16xi32> to vector<32xbf16>
        %bitcast3A_298 = vector.bitcast %gather3A_296 : vector<16xi32> to vector<32xbf16>
        %mul3A_299 = arith.mulf %bitcast3A_297, %bitcast3A_298 : vector<32xbf16>
        %unpack3A_300 = tpu.unpack_subelements %mul3A_299, 0 {pack_format = #tpu.pack_format<interleaved>} : vector<32xbf16> -> vector<16xf32>
        %unpack3A_301 = tpu.unpack_subelements %mul3A_299, 1 {pack_format = #tpu.pack_format<interleaved>} : vector<32xbf16> -> vector<16xf32>
        %mul3A_302 = arith.mulf %get3A_288, %unpack3A_300 : vector<16xf32>
        %add3A_303 = arith.addf %add3A_243, %mul3A_302 : vector<16xf32>
        %mul3A_304 = arith.mulf %get3A_288, %unpack3A_301 : vector<16xf32>
        %add3A_305 = arith.addf %add3A_245, %mul3A_304 : vector<16xf32>
        %gather3A_306 = tpu.vector_load_idx %arg9[%shift_right_logical3A_291] : memref<16384xi32, #tpu.memory_space<vmem>>[vector<16xi32>], vector<16xi32>,
        %gather3A_307 = tpu.vector_load_idx %arg9[%and3A_294] : memref<16384xi32, #tpu.memory_space<vmem>>[vector<16xi32>], vector<16xi32>,
        %bitcast3A_308 = vector.bitcast %gather3A_306 : vector<16xi32> to vector<32xbf16>
        %bitcast3A_309 = vector.bitcast %gather3A_307 : vector<16xi32> to vector<32xbf16>
        %mul3A_310 = arith.mulf %bitcast3A_308, %bitcast3A_309 : vector<32xbf16>
        %unpack3A_311 = tpu.unpack_subelements %mul3A_310, 0 {pack_format = #tpu.pack_format<interleaved>} : vector<32xbf16> -> vector<16xf32>
        %unpack3A_312 = tpu.unpack_subelements %mul3A_310, 1 {pack_format = #tpu.pack_format<interleaved>} : vector<32xbf16> -> vector<16xf32>
        %mul3A_313 = arith.mulf %get3A_288, %unpack3A_311 : vector<16xf32>
        %add3A_314 = arith.addf %add3A_254, %mul3A_313 : vector<16xf32>
        %mul3A_315 = arith.mulf %get3A_288, %unpack3A_312 : vector<16xf32>
        %add3A_316 = arith.addf %add3A_256, %mul3A_315 : vector<16xf32>
        %gather3A_317 = tpu.vector_load_idx %arg10[%shift_right_logical3A_291] : memref<16384xi32, #tpu.memory_space<vmem>>[vector<16xi32>], vector<16xi32>,
        %gather3A_318 = tpu.vector_load_idx %arg10[%and3A_294] : memref<16384xi32, #tpu.memory_space<vmem>>[vector<16xi32>], vector<16xi32>,
        %bitcast3A_319 = vector.bitcast %gather3A_317 : vector<16xi32> to vector<32xbf16>
        %bitcast3A_320 = vector.bitcast %gather3A_318 : vector<16xi32> to vector<32xbf16>
        %mul3A_321 = arith.mulf %bitcast3A_319, %bitcast3A_320 : vector<32xbf16>
        %unpack3A_322 = tpu.unpack_subelements %mul3A_321, 0 {pack_format = #tpu.pack_format<interleaved>} : vector<32xbf16> -> vector<16xf32>
        %unpack3A_323 = tpu.unpack_subelements %mul3A_321, 1 {pack_format = #tpu.pack_format<interleaved>} : vector<32xbf16> -> vector<16xf32>
        %mul3A_324 = arith.mulf %get3A_288, %unpack3A_322 : vector<16xf32>
        %add3A_325 = arith.addf %add3A_265, %mul3A_324 : vector<16xf32>
        %mul3A_326 = arith.mulf %get3A_288, %unpack3A_323 : vector<16xf32>
        %add3A_327 = arith.addf %add3A_267, %mul3A_326 : vector<16xf32>
        %gather3A_328 = tpu.vector_load_idx %arg11[%shift_right_logical3A_291] : memref<16384xi32, #tpu.memory_space<vmem>>[vector<16xi32>], vector<16xi32>,
        %gather3A_329 = tpu.vector_load_idx %arg11[%and3A_294] : memref<16384xi32, #tpu.memory_space<vmem>>[vector<16xi32>], vector<16xi32>,
        %bitcast3A_330 = vector.bitcast %gather3A_328 : vector<16xi32> to vector<32xbf16>
        %bitcast3A_331 = vector.bitcast %gather3A_329 : vector<16xi32> to vector<32xbf16>
        %mul3A_332 = arith.mulf %bitcast3A_330, %bitcast3A_331 : vector<32xbf16>
        %unpack3A_333 = tpu.unpack_subelements %mul3A_332, 0 {pack_format = #tpu.pack_format<interleaved>} : vector<32xbf16> -> vector<16xf32>
        %unpack3A_334 = tpu.unpack_subelements %mul3A_332, 1 {pack_format = #tpu.pack_format<interleaved>} : vector<32xbf16> -> vector<16xf32>
        %mul3A_335 = arith.mulf %get3A_288, %unpack3A_333 : vector<16xf32>
        %add3A_336 = arith.addf %add3A_276, %mul3A_335 : vector<16xf32>
        %mul3A_337 = arith.mulf %get3A_288, %unpack3A_334 : vector<16xf32>
        %add3A_338 = arith.addf %add3A_278, %mul3A_337 : vector<16xf32>
        %mul3A_339 = arith.constant 4 : i32
        %mul3A_340 = arith.muli %scan3A_155, %mul3A_339 : i32
        %add3A_341 = arith.constant 3 : i32
        %add3A_342 = arith.addi %mul3A_340, %add3A_341 : i32
        %mul3A_343 = arith.constant 16 : i32
        %mul3A_344 = arith.muli %add3A_342, %mul3A_343 : i32
        %get3A_345 = arith.index_cast %mul3A_344 : i32 to index
        %get3A_346 = tpu.vector_load %arg12[%get3A_345] {strides = array<i32>} : memref<4096xi32, #tpu.memory_space<vmem>>, vector<16xi32>,
        %get3A_347 = arith.index_cast %mul3A_344 : i32 to index
        %get3A_348 = tpu.vector_load %arg14[%get3A_347] {strides = array<i32>} : memref<4096xf32, #tpu.memory_space<vmem>>, vector<16xf32>,
        %shift_right_logical3A_349 = arith.constant 14 : i32
        %shift_right_logical3A_350 = vector.broadcast %shift_right_logical3A_349 : i32 to vector<16xi32>
        %shift_right_logical3A_351 = arith.shrui %get3A_346, %shift_right_logical3A_350 : vector<16xi32>
        %and3A_352 = arith.constant 16383 : i32
        %and3A_353 = vector.broadcast %and3A_352 : i32 to vector<16xi32>
        %and3A_354 = arith.andi %get3A_346, %and3A_353 : vector<16xi32>
        %gather3A_355 = tpu.vector_load_idx %arg8[%shift_right_logical3A_351] : memref<16384xi32, #tpu.memory_space<vmem>>[vector<16xi32>], vector<16xi32>,
        %gather3A_356 = tpu.vector_load_idx %arg8[%and3A_354] : memref<16384xi32, #tpu.memory_space<vmem>>[vector<16xi32>], vector<16xi32>,
        %bitcast3A_357 = vector.bitcast %gather3A_355 : vector<16xi32> to vector<32xbf16>
        %bitcast3A_358 = vector.bitcast %gather3A_356 : vector<16xi32> to vector<32xbf16>
        %mul3A_359 = arith.mulf %bitcast3A_357, %bitcast3A_358 : vector<32xbf16>
        %unpack3A_360 = tpu.unpack_subelements %mul3A_359, 0 {pack_format = #tpu.pack_format<interleaved>} : vector<32xbf16> -> vector<16xf32>
        %unpack3A_361 = tpu.unpack_subelements %mul3A_359, 1 {pack_format = #tpu.pack_format<interleaved>} : vector<32xbf16> -> vector<16xf32>
        %mul3A_362 = arith.mulf %get3A_348, %unpack3A_360 : vector<16xf32>
        %add3A_363 = arith.addf %add3A_303, %mul3A_362 : vector<16xf32>
        %mul3A_364 = arith.mulf %get3A_348, %unpack3A_361 : vector<16xf32>
        %add3A_365 = arith.addf %add3A_305, %mul3A_364 : vector<16xf32>
        %gather3A_366 = tpu.vector_load_idx %arg9[%shift_right_logical3A_351] : memref<16384xi32, #tpu.memory_space<vmem>>[vector<16xi32>], vector<16xi32>,
        %gather3A_367 = tpu.vector_load_idx %arg9[%and3A_354] : memref<16384xi32, #tpu.memory_space<vmem>>[vector<16xi32>], vector<16xi32>,
        %bitcast3A_368 = vector.bitcast %gather3A_366 : vector<16xi32> to vector<32xbf16>
        %bitcast3A_369 = vector.bitcast %gather3A_367 : vector<16xi32> to vector<32xbf16>
        %mul3A_370 = arith.mulf %bitcast3A_368, %bitcast3A_369 : vector<32xbf16>
        %unpack3A_371 = tpu.unpack_subelements %mul3A_370, 0 {pack_format = #tpu.pack_format<interleaved>} : vector<32xbf16> -> vector<16xf32>
        %unpack3A_372 = tpu.unpack_subelements %mul3A_370, 1 {pack_format = #tpu.pack_format<interleaved>} : vector<32xbf16> -> vector<16xf32>
        %mul3A_373 = arith.mulf %get3A_348, %unpack3A_371 : vector<16xf32>
        %add3A_374 = arith.addf %add3A_314, %mul3A_373 : vector<16xf32>
        %mul3A_375 = arith.mulf %get3A_348, %unpack3A_372 : vector<16xf32>
        %add3A_376 = arith.addf %add3A_316, %mul3A_375 : vector<16xf32>
        %gather3A_377 = tpu.vector_load_idx %arg10[%shift_right_logical3A_351] : memref<16384xi32, #tpu.memory_space<vmem>>[vector<16xi32>], vector<16xi32>,
        %gather3A_378 = tpu.vector_load_idx %arg10[%and3A_354] : memref<16384xi32, #tpu.memory_space<vmem>>[vector<16xi32>], vector<16xi32>,
        %bitcast3A_379 = vector.bitcast %gather3A_377 : vector<16xi32> to vector<32xbf16>
        %bitcast3A_380 = vector.bitcast %gather3A_378 : vector<16xi32> to vector<32xbf16>
        %mul3A_381 = arith.mulf %bitcast3A_379, %bitcast3A_380 : vector<32xbf16>
        %unpack3A_382 = tpu.unpack_subelements %mul3A_381, 0 {pack_format = #tpu.pack_format<interleaved>} : vector<32xbf16> -> vector<16xf32>
        %unpack3A_383 = tpu.unpack_subelements %mul3A_381, 1 {pack_format = #tpu.pack_format<interleaved>} : vector<32xbf16> -> vector<16xf32>
        %mul3A_384 = arith.mulf %get3A_348, %unpack3A_382 : vector<16xf32>
        %add3A_385 = arith.addf %add3A_325, %mul3A_384 : vector<16xf32>
        %mul3A_386 = arith.mulf %get3A_348, %unpack3A_383 : vector<16xf32>
        %add3A_387 = arith.addf %add3A_327, %mul3A_386 : vector<16xf32>
        %gather3A_388 = tpu.vector_load_idx %arg11[%shift_right_logical3A_351] : memref<16384xi32, #tpu.memory_space<vmem>>[vector<16xi32>], vector<16xi32>,
        %gather3A_389 = tpu.vector_load_idx %arg11[%and3A_354] : memref<16384xi32, #tpu.memory_space<vmem>>[vector<16xi32>], vector<16xi32>,
        %bitcast3A_390 = vector.bitcast %gather3A_388 : vector<16xi32> to vector<32xbf16>
        %bitcast3A_391 = vector.bitcast %gather3A_389 : vector<16xi32> to vector<32xbf16>
        %mul3A_392 = arith.mulf %bitcast3A_390, %bitcast3A_391 : vector<32xbf16>
        %unpack3A_393 = tpu.unpack_subelements %mul3A_392, 0 {pack_format = #tpu.pack_format<interleaved>} : vector<32xbf16> -> vector<16xf32>
        %unpack3A_394 = tpu.unpack_subelements %mul3A_392, 1 {pack_format = #tpu.pack_format<interleaved>} : vector<32xbf16> -> vector<16xf32>
        %mul3A_395 = arith.mulf %get3A_348, %unpack3A_393 : vector<16xf32>
        %add3A_396 = arith.addf %add3A_336, %mul3A_395 : vector<16xf32>
        %mul3A_397 = arith.mulf %get3A_348, %unpack3A_394 : vector<16xf32>
        %add3A_398 = arith.addf %add3A_338, %mul3A_397 : vector<16xf32>
        scf.yield %add3A_363, %add3A_365, %add3A_374, %add3A_376, %add3A_385, %add3A_387, %add3A_396, %add3A_398 : vector<16xf32>, vector<16xf32>, vector<16xf32>, vector<16xf32>, vector<16xf32>, vector<16xf32>, vector<16xf32>, vector<16xf32>
      }
      %scan3A_133 = arith.constant 64 : i32
      %add3A_134 = arith.constant 1 : i32
      %add3A_135 = arith.addi %while3A_103, %add3A_134 : i32
      %lt3A_136 = arith.cmpi slt, %add3A_135, %select_n3A_53 : i32
      %convert_element_type3A_137 = arith.extui %lt3A_136 : i1 to i32
      %cond3A_138 = arith.constant 0 : i32
      %cond3A_139 = arith.cmpi ne, %convert_element_type3A_137, %cond3A_138 : i32
      scf.if %cond3A_139 {
        %add3A_155 = arith.constant 2 : i32
        %add3A_156 = arith.addi %mul3A_113, %add3A_155 : i32
        %mul3A_157 = arith.constant 4096 : i32
        %mul3A_158 = arith.muli %add3A_156, %mul3A_157 : i32
        %add3A_159 = arith.addi %mul3A_50, %mul3A_158 : i32
        %dma_start3A_160 = tpu.memref_slice %arg3[%add3A_159] : memref<2700738xi32, #tpu.memory_space<hbm>> -> memref<4096xi32, #tpu.memory_space<hbm>>
        %dma_start3A_161 = tpu.memref_slice %arg3[%add3A_159] : memref<2700738xi32, #tpu.memory_space<hbm>> -> memref<4096xi32, #tpu.memory_space<hbm>>
        tpu.enqueue_dma source(%dma_start3A_161 : memref<4096xi32, #tpu.memory_space<hbm>>) target(%arg12 : memref<4096xi32, #tpu.memory_space<vmem>>) target_semaphore(%arg17 : memref<!tpu.dma_semaphore, #tpu.memory_space<semaphore_mem>>)
        %dma_start3A_162 = tpu.memref_slice %arg4[%add3A_159] : memref<2700738xf32, #tpu.memory_space<hbm>> -> memref<4096xf32, #tpu.memory_space<hbm>>
        %dma_start3A_163 = tpu.memref_slice %arg4[%add3A_159] : memref<2700738xf32, #tpu.memory_space<hbm>> -> memref<4096xf32, #tpu.memory_space<hbm>>
        tpu.enqueue_dma source(%dma_start3A_163 : memref<4096xf32, #tpu.memory_space<hbm>>) target(%arg14 : memref<4096xf32, #tpu.memory_space<vmem>>) target_semaphore(%arg18 : memref<!tpu.dma_semaphore, #tpu.memory_space<semaphore_mem>>)
      } else {
      }
      %add3A_140 = arith.constant 1 : i32
      %add3A_141 = arith.addi %mul3A_113, %add3A_140 : i32
      %mul3A_142 = arith.constant 4096 : i32
      %mul3A_143 = arith.muli %add3A_141, %mul3A_142 : i32
      %add3A_144 = arith.addi %mul3A_50, %mul3A_143 : i32
      %dma_wait3A_145 = tpu.memref_slice %arg3[%add3A_144] : memref<2700738xi32, #tpu.memory_space<hbm>> -> memref<4096xi32, #tpu.memory_space<hbm>>
      %dma_wait3A_146 = tpu.memref_slice %arg3[%add3A_144] : memref<2700738xi32, #tpu.memory_space<hbm>> -> memref<4096xi32, #tpu.memory_space<hbm>>
      tpu.wait_dma2 semaphore(%arg19 : memref<!tpu.dma_semaphore, #tpu.memory_space<semaphore_mem>>) src(%dma_wait3A_146 : memref<4096xi32, #tpu.memory_space<hbm>>) dst(%arg13 : memref<4096xi32, #tpu.memory_space<vmem>>)
      %dma_wait3A_147 = tpu.memref_slice %arg4[%add3A_144] : memref<2700738xf32, #tpu.memory_space<hbm>> -> memref<4096xf32, #tpu.memory_space<hbm>>
      %dma_wait3A_148 = tpu.memref_slice %arg4[%add3A_144] : memref<2700738xf32, #tpu.memory_space<hbm>> -> memref<4096xf32, #tpu.memory_space<hbm>>
      tpu.wait_dma2 semaphore(%arg20 : memref<!tpu.dma_semaphore, #tpu.memory_space<semaphore_mem>>) src(%dma_wait3A_148 : memref<4096xf32, #tpu.memory_space<hbm>>) dst(%arg15 : memref<4096xf32, #tpu.memory_space<vmem>>)
      %scan3A_149 = arith.constant 0 : i32
      %scan3A_150 = arith.constant 64 : i32
      %scan3A_151 = arith.addi %scan3A_149, %scan3A_150 : i32
      %scan3A_152 = arith.constant 1 : i32
      %scan3A_153:8 = scf.for %scan3A_155 = %scan3A_149 to %scan3A_151 step %scan3A_152 iter_args(%scan3A_156 = %scan3A_132#0, %scan3A_157 = %scan3A_132#1, %scan3A_158 = %scan3A_132#2, %scan3A_159 = %scan3A_132#3, %scan3A_160 = %scan3A_132#4, %scan3A_161 = %scan3A_132#5, %scan3A_162 = %scan3A_132#6, %scan3A_163 = %scan3A_132#7) -> (vector<16xf32>, vector<16xf32>, vector<16xf32>, vector<16xf32>, vector<16xf32>, vector<16xf32>, vector<16xf32>, vector<16xf32>)  : i32 {
        %mul3A_164 = arith.constant 4 : i32
        %mul3A_165 = arith.muli %scan3A_155, %mul3A_164 : i32
        %add3A_166 = arith.constant 0 : i32
        %add3A_167 = arith.addi %mul3A_165, %add3A_166 : i32
        %mul3A_168 = arith.constant 16 : i32
        %mul3A_169 = arith.muli %add3A_167, %mul3A_168 : i32
        %get3A = arith.index_cast %mul3A_169 : i32 to index
        %get3A_170 = tpu.vector_load %arg13[%get3A] {strides = array<i32>} : memref<4096xi32, #tpu.memory_space<vmem>>, vector<16xi32>,
        %get3A_171 = arith.index_cast %mul3A_169 : i32 to index
        %get3A_172 = tpu.vector_load %arg15[%get3A_171] {strides = array<i32>} : memref<4096xf32, #tpu.memory_space<vmem>>, vector<16xf32>,
        %shift_right_logical3A = arith.constant 14 : i32
        %shift_right_logical3A_173 = vector.broadcast %shift_right_logical3A : i32 to vector<16xi32>
        %shift_right_logical3A_174 = arith.shrui %get3A_170, %shift_right_logical3A_173 : vector<16xi32>
        %and3A_175 = arith.constant 16383 : i32
        %and3A_176 = vector.broadcast %and3A_175 : i32 to vector<16xi32>
        %and3A_177 = arith.andi %get3A_170, %and3A_176 : vector<16xi32>
        %gather3A = tpu.vector_load_idx %arg8[%shift_right_logical3A_174] : memref<16384xi32, #tpu.memory_space<vmem>>[vector<16xi32>], vector<16xi32>,
        %gather3A_178 = tpu.vector_load_idx %arg8[%and3A_177] : memref<16384xi32, #tpu.memory_space<vmem>>[vector<16xi32>], vector<16xi32>,
        %bitcast3A = vector.bitcast %gather3A : vector<16xi32> to vector<32xbf16>
        %bitcast3A_179 = vector.bitcast %gather3A_178 : vector<16xi32> to vector<32xbf16>
        %mul3A_180 = arith.mulf %bitcast3A, %bitcast3A_179 : vector<32xbf16>
        %unpack3A = tpu.unpack_subelements %mul3A_180, 0 {pack_format = #tpu.pack_format<interleaved>} : vector<32xbf16> -> vector<16xf32>
        %unpack3A_181 = tpu.unpack_subelements %mul3A_180, 1 {pack_format = #tpu.pack_format<interleaved>} : vector<32xbf16> -> vector<16xf32>
        %mul3A_182 = arith.mulf %get3A_172, %unpack3A : vector<16xf32>
        %add3A_183 = arith.addf %scan3A_156, %mul3A_182 : vector<16xf32>
        %mul3A_184 = arith.mulf %get3A_172, %unpack3A_181 : vector<16xf32>
        %add3A_185 = arith.addf %scan3A_157, %mul3A_184 : vector<16xf32>
        %gather3A_186 = tpu.vector_load_idx %arg9[%shift_right_logical3A_174] : memref<16384xi32, #tpu.memory_space<vmem>>[vector<16xi32>], vector<16xi32>,
        %gather3A_187 = tpu.vector_load_idx %arg9[%and3A_177] : memref<16384xi32, #tpu.memory_space<vmem>>[vector<16xi32>], vector<16xi32>,
        %bitcast3A_188 = vector.bitcast %gather3A_186 : vector<16xi32> to vector<32xbf16>
        %bitcast3A_189 = vector.bitcast %gather3A_187 : vector<16xi32> to vector<32xbf16>
        %mul3A_190 = arith.mulf %bitcast3A_188, %bitcast3A_189 : vector<32xbf16>
        %unpack3A_191 = tpu.unpack_subelements %mul3A_190, 0 {pack_format = #tpu.pack_format<interleaved>} : vector<32xbf16> -> vector<16xf32>
        %unpack3A_192 = tpu.unpack_subelements %mul3A_190, 1 {pack_format = #tpu.pack_format<interleaved>} : vector<32xbf16> -> vector<16xf32>
        %mul3A_193 = arith.mulf %get3A_172, %unpack3A_191 : vector<16xf32>
        %add3A_194 = arith.addf %scan3A_158, %mul3A_193 : vector<16xf32>
        %mul3A_195 = arith.mulf %get3A_172, %unpack3A_192 : vector<16xf32>
        %add3A_196 = arith.addf %scan3A_159, %mul3A_195 : vector<16xf32>
        %gather3A_197 = tpu.vector_load_idx %arg10[%shift_right_logical3A_174] : memref<16384xi32, #tpu.memory_space<vmem>>[vector<16xi32>], vector<16xi32>,
        %gather3A_198 = tpu.vector_load_idx %arg10[%and3A_177] : memref<16384xi32, #tpu.memory_space<vmem>>[vector<16xi32>], vector<16xi32>,
        %bitcast3A_199 = vector.bitcast %gather3A_197 : vector<16xi32> to vector<32xbf16>
        %bitcast3A_200 = vector.bitcast %gather3A_198 : vector<16xi32> to vector<32xbf16>
        %mul3A_201 = arith.mulf %bitcast3A_199, %bitcast3A_200 : vector<32xbf16>
        %unpack3A_202 = tpu.unpack_subelements %mul3A_201, 0 {pack_format = #tpu.pack_format<interleaved>} : vector<32xbf16> -> vector<16xf32>
        %unpack3A_203 = tpu.unpack_subelements %mul3A_201, 1 {pack_format = #tpu.pack_format<interleaved>} : vector<32xbf16> -> vector<16xf32>
        %mul3A_204 = arith.mulf %get3A_172, %unpack3A_202 : vector<16xf32>
        %add3A_205 = arith.addf %scan3A_160, %mul3A_204 : vector<16xf32>
        %mul3A_206 = arith.mulf %get3A_172, %unpack3A_203 : vector<16xf32>
        %add3A_207 = arith.addf %scan3A_161, %mul3A_206 : vector<16xf32>
        %gather3A_208 = tpu.vector_load_idx %arg11[%shift_right_logical3A_174] : memref<16384xi32, #tpu.memory_space<vmem>>[vector<16xi32>], vector<16xi32>,
        %gather3A_209 = tpu.vector_load_idx %arg11[%and3A_177] : memref<16384xi32, #tpu.memory_space<vmem>>[vector<16xi32>], vector<16xi32>,
        %bitcast3A_210 = vector.bitcast %gather3A_208 : vector<16xi32> to vector<32xbf16>
        %bitcast3A_211 = vector.bitcast %gather3A_209 : vector<16xi32> to vector<32xbf16>
        %mul3A_212 = arith.mulf %bitcast3A_210, %bitcast3A_211 : vector<32xbf16>
        %unpack3A_213 = tpu.unpack_subelements %mul3A_212, 0 {pack_format = #tpu.pack_format<interleaved>} : vector<32xbf16> -> vector<16xf32>
        %unpack3A_214 = tpu.unpack_subelements %mul3A_212, 1 {pack_format = #tpu.pack_format<interleaved>} : vector<32xbf16> -> vector<16xf32>
        %mul3A_215 = arith.mulf %get3A_172, %unpack3A_213 : vector<16xf32>
        %add3A_216 = arith.addf %scan3A_162, %mul3A_215 : vector<16xf32>
        %mul3A_217 = arith.mulf %get3A_172, %unpack3A_214 : vector<16xf32>
        %add3A_218 = arith.addf %scan3A_163, %mul3A_217 : vector<16xf32>
        %mul3A_219 = arith.constant 4 : i32
        %mul3A_220 = arith.muli %scan3A_155, %mul3A_219 : i32
        %add3A_221 = arith.constant 1 : i32
        %add3A_222 = arith.addi %mul3A_220, %add3A_221 : i32
        %mul3A_223 = arith.constant 16 : i32
        %mul3A_224 = arith.muli %add3A_222, %mul3A_223 : i32
        %get3A_225 = arith.index_cast %mul3A_224 : i32 to index
        %get3A_226 = tpu.vector_load %arg13[%get3A_225] {strides = array<i32>} : memref<4096xi32, #tpu.memory_space<vmem>>, vector<16xi32>,
        %get3A_227 = arith.index_cast %mul3A_224 : i32 to index
        %get3A_228 = tpu.vector_load %arg15[%get3A_227] {strides = array<i32>} : memref<4096xf32, #tpu.memory_space<vmem>>, vector<16xf32>,
        %shift_right_logical3A_229 = arith.constant 14 : i32
        %shift_right_logical3A_230 = vector.broadcast %shift_right_logical3A_229 : i32 to vector<16xi32>
        %shift_right_logical3A_231 = arith.shrui %get3A_226, %shift_right_logical3A_230 : vector<16xi32>
        %and3A_232 = arith.constant 16383 : i32
        %and3A_233 = vector.broadcast %and3A_232 : i32 to vector<16xi32>
        %and3A_234 = arith.andi %get3A_226, %and3A_233 : vector<16xi32>
        %gather3A_235 = tpu.vector_load_idx %arg8[%shift_right_logical3A_231] : memref<16384xi32, #tpu.memory_space<vmem>>[vector<16xi32>], vector<16xi32>,
        %gather3A_236 = tpu.vector_load_idx %arg8[%and3A_234] : memref<16384xi32, #tpu.memory_space<vmem>>[vector<16xi32>], vector<16xi32>,
        %bitcast3A_237 = vector.bitcast %gather3A_235 : vector<16xi32> to vector<32xbf16>
        %bitcast3A_238 = vector.bitcast %gather3A_236 : vector<16xi32> to vector<32xbf16>
        %mul3A_239 = arith.mulf %bitcast3A_237, %bitcast3A_238 : vector<32xbf16>
        %unpack3A_240 = tpu.unpack_subelements %mul3A_239, 0 {pack_format = #tpu.pack_format<interleaved>} : vector<32xbf16> -> vector<16xf32>
        %unpack3A_241 = tpu.unpack_subelements %mul3A_239, 1 {pack_format = #tpu.pack_format<interleaved>} : vector<32xbf16> -> vector<16xf32>
        %mul3A_242 = arith.mulf %get3A_228, %unpack3A_240 : vector<16xf32>
        %add3A_243 = arith.addf %add3A_183, %mul3A_242 : vector<16xf32>
        %mul3A_244 = arith.mulf %get3A_228, %unpack3A_241 : vector<16xf32>
        %add3A_245 = arith.addf %add3A_185, %mul3A_244 : vector<16xf32>
        %gather3A_246 = tpu.vector_load_idx %arg9[%shift_right_logical3A_231] : memref<16384xi32, #tpu.memory_space<vmem>>[vector<16xi32>], vector<16xi32>,
        %gather3A_247 = tpu.vector_load_idx %arg9[%and3A_234] : memref<16384xi32, #tpu.memory_space<vmem>>[vector<16xi32>], vector<16xi32>,
        %bitcast3A_248 = vector.bitcast %gather3A_246 : vector<16xi32> to vector<32xbf16>
        %bitcast3A_249 = vector.bitcast %gather3A_247 : vector<16xi32> to vector<32xbf16>
        %mul3A_250 = arith.mulf %bitcast3A_248, %bitcast3A_249 : vector<32xbf16>
        %unpack3A_251 = tpu.unpack_subelements %mul3A_250, 0 {pack_format = #tpu.pack_format<interleaved>} : vector<32xbf16> -> vector<16xf32>
        %unpack3A_252 = tpu.unpack_subelements %mul3A_250, 1 {pack_format = #tpu.pack_format<interleaved>} : vector<32xbf16> -> vector<16xf32>
        %mul3A_253 = arith.mulf %get3A_228, %unpack3A_251 : vector<16xf32>
        %add3A_254 = arith.addf %add3A_194, %mul3A_253 : vector<16xf32>
        %mul3A_255 = arith.mulf %get3A_228, %unpack3A_252 : vector<16xf32>
        %add3A_256 = arith.addf %add3A_196, %mul3A_255 : vector<16xf32>
        %gather3A_257 = tpu.vector_load_idx %arg10[%shift_right_logical3A_231] : memref<16384xi32, #tpu.memory_space<vmem>>[vector<16xi32>], vector<16xi32>,
        %gather3A_258 = tpu.vector_load_idx %arg10[%and3A_234] : memref<16384xi32, #tpu.memory_space<vmem>>[vector<16xi32>], vector<16xi32>,
        %bitcast3A_259 = vector.bitcast %gather3A_257 : vector<16xi32> to vector<32xbf16>
        %bitcast3A_260 = vector.bitcast %gather3A_258 : vector<16xi32> to vector<32xbf16>
        %mul3A_261 = arith.mulf %bitcast3A_259, %bitcast3A_260 : vector<32xbf16>
        %unpack3A_262 = tpu.unpack_subelements %mul3A_261, 0 {pack_format = #tpu.pack_format<interleaved>} : vector<32xbf16> -> vector<16xf32>
        %unpack3A_263 = tpu.unpack_subelements %mul3A_261, 1 {pack_format = #tpu.pack_format<interleaved>} : vector<32xbf16> -> vector<16xf32>
        %mul3A_264 = arith.mulf %get3A_228, %unpack3A_262 : vector<16xf32>
        %add3A_265 = arith.addf %add3A_205, %mul3A_264 : vector<16xf32>
        %mul3A_266 = arith.mulf %get3A_228, %unpack3A_263 : vector<16xf32>
        %add3A_267 = arith.addf %add3A_207, %mul3A_266 : vector<16xf32>
        %gather3A_268 = tpu.vector_load_idx %arg11[%shift_right_logical3A_231] : memref<16384xi32, #tpu.memory_space<vmem>>[vector<16xi32>], vector<16xi32>,
        %gather3A_269 = tpu.vector_load_idx %arg11[%and3A_234] : memref<16384xi32, #tpu.memory_space<vmem>>[vector<16xi32>], vector<16xi32>,
        %bitcast3A_270 = vector.bitcast %gather3A_268 : vector<16xi32> to vector<32xbf16>
        %bitcast3A_271 = vector.bitcast %gather3A_269 : vector<16xi32> to vector<32xbf16>
        %mul3A_272 = arith.mulf %bitcast3A_270, %bitcast3A_271 : vector<32xbf16>
        %unpack3A_273 = tpu.unpack_subelements %mul3A_272, 0 {pack_format = #tpu.pack_format<interleaved>} : vector<32xbf16> -> vector<16xf32>
        %unpack3A_274 = tpu.unpack_subelements %mul3A_272, 1 {pack_format = #tpu.pack_format<interleaved>} : vector<32xbf16> -> vector<16xf32>
        %mul3A_275 = arith.mulf %get3A_228, %unpack3A_273 : vector<16xf32>
        %add3A_276 = arith.addf %add3A_216, %mul3A_275 : vector<16xf32>
        %mul3A_277 = arith.mulf %get3A_228, %unpack3A_274 : vector<16xf32>
        %add3A_278 = arith.addf %add3A_218, %mul3A_277 : vector<16xf32>
        %mul3A_279 = arith.constant 4 : i32
        %mul3A_280 = arith.muli %scan3A_155, %mul3A_279 : i32
        %add3A_281 = arith.constant 2 : i32
        %add3A_282 = arith.addi %mul3A_280, %add3A_281 : i32
        %mul3A_283 = arith.constant 16 : i32
        %mul3A_284 = arith.muli %add3A_282, %mul3A_283 : i32
        %get3A_285 = arith.index_cast %mul3A_284 : i32 to index
        %get3A_286 = tpu.vector_load %arg13[%get3A_285] {strides = array<i32>} : memref<4096xi32, #tpu.memory_space<vmem>>, vector<16xi32>,
        %get3A_287 = arith.index_cast %mul3A_284 : i32 to index
        %get3A_288 = tpu.vector_load %arg15[%get3A_287] {strides = array<i32>} : memref<4096xf32, #tpu.memory_space<vmem>>, vector<16xf32>,
        %shift_right_logical3A_289 = arith.constant 14 : i32
        %shift_right_logical3A_290 = vector.broadcast %shift_right_logical3A_289 : i32 to vector<16xi32>
        %shift_right_logical3A_291 = arith.shrui %get3A_286, %shift_right_logical3A_290 : vector<16xi32>
        %and3A_292 = arith.constant 16383 : i32
        %and3A_293 = vector.broadcast %and3A_292 : i32 to vector<16xi32>
        %and3A_294 = arith.andi %get3A_286, %and3A_293 : vector<16xi32>
        %gather3A_295 = tpu.vector_load_idx %arg8[%shift_right_logical3A_291] : memref<16384xi32, #tpu.memory_space<vmem>>[vector<16xi32>], vector<16xi32>,
        %gather3A_296 = tpu.vector_load_idx %arg8[%and3A_294] : memref<16384xi32, #tpu.memory_space<vmem>>[vector<16xi32>], vector<16xi32>,
        %bitcast3A_297 = vector.bitcast %gather3A_295 : vector<16xi32> to vector<32xbf16>
        %bitcast3A_298 = vector.bitcast %gather3A_296 : vector<16xi32> to vector<32xbf16>
        %mul3A_299 = arith.mulf %bitcast3A_297, %bitcast3A_298 : vector<32xbf16>
        %unpack3A_300 = tpu.unpack_subelements %mul3A_299, 0 {pack_format = #tpu.pack_format<interleaved>} : vector<32xbf16> -> vector<16xf32>
        %unpack3A_301 = tpu.unpack_subelements %mul3A_299, 1 {pack_format = #tpu.pack_format<interleaved>} : vector<32xbf16> -> vector<16xf32>
        %mul3A_302 = arith.mulf %get3A_288, %unpack3A_300 : vector<16xf32>
        %add3A_303 = arith.addf %add3A_243, %mul3A_302 : vector<16xf32>
        %mul3A_304 = arith.mulf %get3A_288, %unpack3A_301 : vector<16xf32>
        %add3A_305 = arith.addf %add3A_245, %mul3A_304 : vector<16xf32>
        %gather3A_306 = tpu.vector_load_idx %arg9[%shift_right_logical3A_291] : memref<16384xi32, #tpu.memory_space<vmem>>[vector<16xi32>], vector<16xi32>,
        %gather3A_307 = tpu.vector_load_idx %arg9[%and3A_294] : memref<16384xi32, #tpu.memory_space<vmem>>[vector<16xi32>], vector<16xi32>,
        %bitcast3A_308 = vector.bitcast %gather3A_306 : vector<16xi32> to vector<32xbf16>
        %bitcast3A_309 = vector.bitcast %gather3A_307 : vector<16xi32> to vector<32xbf16>
        %mul3A_310 = arith.mulf %bitcast3A_308, %bitcast3A_309 : vector<32xbf16>
        %unpack3A_311 = tpu.unpack_subelements %mul3A_310, 0 {pack_format = #tpu.pack_format<interleaved>} : vector<32xbf16> -> vector<16xf32>
        %unpack3A_312 = tpu.unpack_subelements %mul3A_310, 1 {pack_format = #tpu.pack_format<interleaved>} : vector<32xbf16> -> vector<16xf32>
        %mul3A_313 = arith.mulf %get3A_288, %unpack3A_311 : vector<16xf32>
        %add3A_314 = arith.addf %add3A_254, %mul3A_313 : vector<16xf32>
        %mul3A_315 = arith.mulf %get3A_288, %unpack3A_312 : vector<16xf32>
        %add3A_316 = arith.addf %add3A_256, %mul3A_315 : vector<16xf32>
        %gather3A_317 = tpu.vector_load_idx %arg10[%shift_right_logical3A_291] : memref<16384xi32, #tpu.memory_space<vmem>>[vector<16xi32>], vector<16xi32>,
        %gather3A_318 = tpu.vector_load_idx %arg10[%and3A_294] : memref<16384xi32, #tpu.memory_space<vmem>>[vector<16xi32>], vector<16xi32>,
        %bitcast3A_319 = vector.bitcast %gather3A_317 : vector<16xi32> to vector<32xbf16>
        %bitcast3A_320 = vector.bitcast %gather3A_318 : vector<16xi32> to vector<32xbf16>
        %mul3A_321 = arith.mulf %bitcast3A_319, %bitcast3A_320 : vector<32xbf16>
        %unpack3A_322 = tpu.unpack_subelements %mul3A_321, 0 {pack_format = #tpu.pack_format<interleaved>} : vector<32xbf16> -> vector<16xf32>
        %unpack3A_323 = tpu.unpack_subelements %mul3A_321, 1 {pack_format = #tpu.pack_format<interleaved>} : vector<32xbf16> -> vector<16xf32>
        %mul3A_324 = arith.mulf %get3A_288, %unpack3A_322 : vector<16xf32>
        %add3A_325 = arith.addf %add3A_265, %mul3A_324 : vector<16xf32>
        %mul3A_326 = arith.mulf %get3A_288, %unpack3A_323 : vector<16xf32>
        %add3A_327 = arith.addf %add3A_267, %mul3A_326 : vector<16xf32>
        %gather3A_328 = tpu.vector_load_idx %arg11[%shift_right_logical3A_291] : memref<16384xi32, #tpu.memory_space<vmem>>[vector<16xi32>], vector<16xi32>,
        %gather3A_329 = tpu.vector_load_idx %arg11[%and3A_294] : memref<16384xi32, #tpu.memory_space<vmem>>[vector<16xi32>], vector<16xi32>,
        %bitcast3A_330 = vector.bitcast %gather3A_328 : vector<16xi32> to vector<32xbf16>
        %bitcast3A_331 = vector.bitcast %gather3A_329 : vector<16xi32> to vector<32xbf16>
        %mul3A_332 = arith.mulf %bitcast3A_330, %bitcast3A_331 : vector<32xbf16>
        %unpack3A_333 = tpu.unpack_subelements %mul3A_332, 0 {pack_format = #tpu.pack_format<interleaved>} : vector<32xbf16> -> vector<16xf32>
        %unpack3A_334 = tpu.unpack_subelements %mul3A_332, 1 {pack_format = #tpu.pack_format<interleaved>} : vector<32xbf16> -> vector<16xf32>
        %mul3A_335 = arith.mulf %get3A_288, %unpack3A_333 : vector<16xf32>
        %add3A_336 = arith.addf %add3A_276, %mul3A_335 : vector<16xf32>
        %mul3A_337 = arith.mulf %get3A_288, %unpack3A_334 : vector<16xf32>
        %add3A_338 = arith.addf %add3A_278, %mul3A_337 : vector<16xf32>
        %mul3A_339 = arith.constant 4 : i32
        %mul3A_340 = arith.muli %scan3A_155, %mul3A_339 : i32
        %add3A_341 = arith.constant 3 : i32
        %add3A_342 = arith.addi %mul3A_340, %add3A_341 : i32
        %mul3A_343 = arith.constant 16 : i32
        %mul3A_344 = arith.muli %add3A_342, %mul3A_343 : i32
        %get3A_345 = arith.index_cast %mul3A_344 : i32 to index
        %get3A_346 = tpu.vector_load %arg13[%get3A_345] {strides = array<i32>} : memref<4096xi32, #tpu.memory_space<vmem>>, vector<16xi32>,
        %get3A_347 = arith.index_cast %mul3A_344 : i32 to index
        %get3A_348 = tpu.vector_load %arg15[%get3A_347] {strides = array<i32>} : memref<4096xf32, #tpu.memory_space<vmem>>, vector<16xf32>,
        %shift_right_logical3A_349 = arith.constant 14 : i32
        %shift_right_logical3A_350 = vector.broadcast %shift_right_logical3A_349 : i32 to vector<16xi32>
        %shift_right_logical3A_351 = arith.shrui %get3A_346, %shift_right_logical3A_350 : vector<16xi32>
        %and3A_352 = arith.constant 16383 : i32
        %and3A_353 = vector.broadcast %and3A_352 : i32 to vector<16xi32>
        %and3A_354 = arith.andi %get3A_346, %and3A_353 : vector<16xi32>
        %gather3A_355 = tpu.vector_load_idx %arg8[%shift_right_logical3A_351] : memref<16384xi32, #tpu.memory_space<vmem>>[vector<16xi32>], vector<16xi32>,
        %gather3A_356 = tpu.vector_load_idx %arg8[%and3A_354] : memref<16384xi32, #tpu.memory_space<vmem>>[vector<16xi32>], vector<16xi32>,
        %bitcast3A_357 = vector.bitcast %gather3A_355 : vector<16xi32> to vector<32xbf16>
        %bitcast3A_358 = vector.bitcast %gather3A_356 : vector<16xi32> to vector<32xbf16>
        %mul3A_359 = arith.mulf %bitcast3A_357, %bitcast3A_358 : vector<32xbf16>
        %unpack3A_360 = tpu.unpack_subelements %mul3A_359, 0 {pack_format = #tpu.pack_format<interleaved>} : vector<32xbf16> -> vector<16xf32>
        %unpack3A_361 = tpu.unpack_subelements %mul3A_359, 1 {pack_format = #tpu.pack_format<interleaved>} : vector<32xbf16> -> vector<16xf32>
        %mul3A_362 = arith.mulf %get3A_348, %unpack3A_360 : vector<16xf32>
        %add3A_363 = arith.addf %add3A_303, %mul3A_362 : vector<16xf32>
        %mul3A_364 = arith.mulf %get3A_348, %unpack3A_361 : vector<16xf32>
        %add3A_365 = arith.addf %add3A_305, %mul3A_364 : vector<16xf32>
        %gather3A_366 = tpu.vector_load_idx %arg9[%shift_right_logical3A_351] : memref<16384xi32, #tpu.memory_space<vmem>>[vector<16xi32>], vector<16xi32>,
        %gather3A_367 = tpu.vector_load_idx %arg9[%and3A_354] : memref<16384xi32, #tpu.memory_space<vmem>>[vector<16xi32>], vector<16xi32>,
        %bitcast3A_368 = vector.bitcast %gather3A_366 : vector<16xi32> to vector<32xbf16>
        %bitcast3A_369 = vector.bitcast %gather3A_367 : vector<16xi32> to vector<32xbf16>
        %mul3A_370 = arith.mulf %bitcast3A_368, %bitcast3A_369 : vector<32xbf16>
        %unpack3A_371 = tpu.unpack_subelements %mul3A_370, 0 {pack_format = #tpu.pack_format<interleaved>} : vector<32xbf16> -> vector<16xf32>
        %unpack3A_372 = tpu.unpack_subelements %mul3A_370, 1 {pack_format = #tpu.pack_format<interleaved>} : vector<32xbf16> -> vector<16xf32>
        %mul3A_373 = arith.mulf %get3A_348, %unpack3A_371 : vector<16xf32>
        %add3A_374 = arith.addf %add3A_314, %mul3A_373 : vector<16xf32>
        %mul3A_375 = arith.mulf %get3A_348, %unpack3A_372 : vector<16xf32>
        %add3A_376 = arith.addf %add3A_316, %mul3A_375 : vector<16xf32>
        %gather3A_377 = tpu.vector_load_idx %arg10[%shift_right_logical3A_351] : memref<16384xi32, #tpu.memory_space<vmem>>[vector<16xi32>], vector<16xi32>,
        %gather3A_378 = tpu.vector_load_idx %arg10[%and3A_354] : memref<16384xi32, #tpu.memory_space<vmem>>[vector<16xi32>], vector<16xi32>,
        %bitcast3A_379 = vector.bitcast %gather3A_377 : vector<16xi32> to vector<32xbf16>
        %bitcast3A_380 = vector.bitcast %gather3A_378 : vector<16xi32> to vector<32xbf16>
        %mul3A_381 = arith.mulf %bitcast3A_379, %bitcast3A_380 : vector<32xbf16>
        %unpack3A_382 = tpu.unpack_subelements %mul3A_381, 0 {pack_format = #tpu.pack_format<interleaved>} : vector<32xbf16> -> vector<16xf32>
        %unpack3A_383 = tpu.unpack_subelements %mul3A_381, 1 {pack_format = #tpu.pack_format<interleaved>} : vector<32xbf16> -> vector<16xf32>
        %mul3A_384 = arith.mulf %get3A_348, %unpack3A_382 : vector<16xf32>
        %add3A_385 = arith.addf %add3A_325, %mul3A_384 : vector<16xf32>
        %mul3A_386 = arith.mulf %get3A_348, %unpack3A_383 : vector<16xf32>
        %add3A_387 = arith.addf %add3A_327, %mul3A_386 : vector<16xf32>
        %gather3A_388 = tpu.vector_load_idx %arg11[%shift_right_logical3A_351] : memref<16384xi32, #tpu.memory_space<vmem>>[vector<16xi32>], vector<16xi32>,
        %gather3A_389 = tpu.vector_load_idx %arg11[%and3A_354] : memref<16384xi32, #tpu.memory_space<vmem>>[vector<16xi32>], vector<16xi32>,
        %bitcast3A_390 = vector.bitcast %gather3A_388 : vector<16xi32> to vector<32xbf16>
        %bitcast3A_391 = vector.bitcast %gather3A_389 : vector<16xi32> to vector<32xbf16>
        %mul3A_392 = arith.mulf %bitcast3A_390, %bitcast3A_391 : vector<32xbf16>
        %unpack3A_393 = tpu.unpack_subelements %mul3A_392, 0 {pack_format = #tpu.pack_format<interleaved>} : vector<32xbf16> -> vector<16xf32>
        %unpack3A_394 = tpu.unpack_subelements %mul3A_392, 1 {pack_format = #tpu.pack_format<interleaved>} : vector<32xbf16> -> vector<16xf32>
        %mul3A_395 = arith.mulf %get3A_348, %unpack3A_393 : vector<16xf32>
        %add3A_396 = arith.addf %add3A_336, %mul3A_395 : vector<16xf32>
        %mul3A_397 = arith.mulf %get3A_348, %unpack3A_394 : vector<16xf32>
        %add3A_398 = arith.addf %add3A_338, %mul3A_397 : vector<16xf32>
        scf.yield %add3A_363, %add3A_365, %add3A_374, %add3A_376, %add3A_385, %add3A_387, %add3A_396, %add3A_398 : vector<16xf32>, vector<16xf32>, vector<16xf32>, vector<16xf32>, vector<16xf32>, vector<16xf32>, vector<16xf32>, vector<16xf32>
      }
      %scan3A_154 = arith.constant 64 : i32
      scf.yield %scan3A_153#0, %scan3A_153#1, %scan3A_153#2, %scan3A_153#3, %scan3A_153#4, %scan3A_153#5, %scan3A_153#6, %scan3A_153#7 : vector<16xf32>, vector<16xf32>, vector<16xf32>, vector<16xf32>, vector<16xf32>, vector<16xf32>, vector<16xf32>, vector<16xf32>
    }
    %convert_element_type3A = arith.extui %eq3A_32 : i1 to i32
    %cond3A = arith.constant 0 : i32
    %cond3A_70 = arith.cmpi ne, %convert_element_type3A, %cond3A : i32
    %cond3A_71:8 = scf.if %cond3A_70 -> (vector<16xf32>, vector<16xf32>, vector<16xf32>, vector<16xf32>, vector<16xf32>, vector<16xf32>, vector<16xf32>, vector<16xf32>) {
      %add3A_103 = arith.constant 114688 : i32
      %add3A_104 = arith.addi %mul3A_50, %add3A_103 : i32
      "tpu.region"() ({
        %run_scoped3A = tpu.sem_alloc : memref<!tpu.dma_semaphore, #tpu.memory_space<semaphore_mem>>
        %dma_start3A_116 = tpu.memref_slice %arg3[%add3A_104] : memref<2700738xi32, #tpu.memory_space<hbm>> -> memref<4096xi32, #tpu.memory_space<hbm>>
        %dma_start3A_117 = tpu.memref_slice %arg3[%add3A_104] : memref<2700738xi32, #tpu.memory_space<hbm>> -> memref<4096xi32, #tpu.memory_space<hbm>>
        tpu.enqueue_dma source(%dma_start3A_117 : memref<4096xi32, #tpu.memory_space<hbm>>) target(%arg12 : memref<4096xi32, #tpu.memory_space<vmem>>) target_semaphore(%run_scoped3A : memref<!tpu.dma_semaphore, #tpu.memory_space<semaphore_mem>>)
        %dma_wait3A = tpu.memref_slice %arg3[%add3A_104] : memref<2700738xi32, #tpu.memory_space<hbm>> -> memref<4096xi32, #tpu.memory_space<hbm>>
        %dma_wait3A_118 = tpu.memref_slice %arg3[%add3A_104] : memref<2700738xi32, #tpu.memory_space<hbm>> -> memref<4096xi32, #tpu.memory_space<hbm>>
        tpu.wait_dma2 semaphore(%run_scoped3A : memref<!tpu.dma_semaphore, #tpu.memory_space<semaphore_mem>>) src(%dma_wait3A_118 : memref<4096xi32, #tpu.memory_space<hbm>>) dst(%arg12 : memref<4096xi32, #tpu.memory_space<vmem>>)
        tpu.yield
      }) : () -> ()
      "tpu.region"() ({
        %run_scoped3A = tpu.sem_alloc : memref<!tpu.dma_semaphore, #tpu.memory_space<semaphore_mem>>
        %dma_start3A_116 = tpu.memref_slice %arg4[%add3A_104] : memref<2700738xf32, #tpu.memory_space<hbm>> -> memref<4096xf32, #tpu.memory_space<hbm>>
        %dma_start3A_117 = tpu.memref_slice %arg4[%add3A_104] : memref<2700738xf32, #tpu.memory_space<hbm>> -> memref<4096xf32, #tpu.memory_space<hbm>>
        tpu.enqueue_dma source(%dma_start3A_117 : memref<4096xf32, #tpu.memory_space<hbm>>) target(%arg14 : memref<4096xf32, #tpu.memory_space<vmem>>) target_semaphore(%run_scoped3A : memref<!tpu.dma_semaphore, #tpu.memory_space<semaphore_mem>>)
        %dma_wait3A = tpu.memref_slice %arg4[%add3A_104] : memref<2700738xf32, #tpu.memory_space<hbm>> -> memref<4096xf32, #tpu.memory_space<hbm>>
        %dma_wait3A_118 = tpu.memref_slice %arg4[%add3A_104] : memref<2700738xf32, #tpu.memory_space<hbm>> -> memref<4096xf32, #tpu.memory_space<hbm>>
        tpu.wait_dma2 semaphore(%run_scoped3A : memref<!tpu.dma_semaphore, #tpu.memory_space<semaphore_mem>>) src(%dma_wait3A_118 : memref<4096xf32, #tpu.memory_space<hbm>>) dst(%arg14 : memref<4096xf32, #tpu.memory_space<vmem>>)
        tpu.yield
      }) : () -> ()
      %scan3A = arith.constant 0 : i32
      %scan3A_105 = arith.constant 64 : i32
      %scan3A_106 = arith.addi %scan3A, %scan3A_105 : i32
      %scan3A_107 = arith.constant 1 : i32
      %scan3A_108:8 = scf.for %scan3A_116 = %scan3A to %scan3A_106 step %scan3A_107 iter_args(%scan3A_117 = %while3A_69#0, %scan3A_118 = %while3A_69#1, %scan3A_119 = %while3A_69#2, %scan3A_120 = %while3A_69#3, %scan3A_121 = %while3A_69#4, %scan3A_122 = %while3A_69#5, %scan3A_123 = %while3A_69#6, %scan3A_124 = %while3A_69#7) -> (vector<16xf32>, vector<16xf32>, vector<16xf32>, vector<16xf32>, vector<16xf32>, vector<16xf32>, vector<16xf32>, vector<16xf32>)  : i32 {
        %mul3A_125 = arith.constant 4 : i32
        %mul3A_126 = arith.muli %scan3A_116, %mul3A_125 : i32
        %add3A_127 = arith.constant 0 : i32
        %add3A_128 = arith.addi %mul3A_126, %add3A_127 : i32
        %mul3A_129 = arith.constant 16 : i32
        %mul3A_130 = arith.muli %add3A_128, %mul3A_129 : i32
        %get3A = arith.index_cast %mul3A_130 : i32 to index
        %get3A_131 = tpu.vector_load %arg12[%get3A] {strides = array<i32>} : memref<4096xi32, #tpu.memory_space<vmem>>, vector<16xi32>,
        %get3A_132 = arith.index_cast %mul3A_130 : i32 to index
        %get3A_133 = tpu.vector_load %arg14[%get3A_132] {strides = array<i32>} : memref<4096xf32, #tpu.memory_space<vmem>>, vector<16xf32>,
        %shift_right_logical3A = arith.constant 14 : i32
        %shift_right_logical3A_134 = vector.broadcast %shift_right_logical3A : i32 to vector<16xi32>
        %shift_right_logical3A_135 = arith.shrui %get3A_131, %shift_right_logical3A_134 : vector<16xi32>
        %and3A_136 = arith.constant 16383 : i32
        %and3A_137 = vector.broadcast %and3A_136 : i32 to vector<16xi32>
        %and3A_138 = arith.andi %get3A_131, %and3A_137 : vector<16xi32>
        %gather3A = tpu.vector_load_idx %arg8[%shift_right_logical3A_135] : memref<16384xi32, #tpu.memory_space<vmem>>[vector<16xi32>], vector<16xi32>,
        %gather3A_139 = tpu.vector_load_idx %arg8[%and3A_138] : memref<16384xi32, #tpu.memory_space<vmem>>[vector<16xi32>], vector<16xi32>,
        %bitcast3A = vector.bitcast %gather3A : vector<16xi32> to vector<32xbf16>
        %bitcast3A_140 = vector.bitcast %gather3A_139 : vector<16xi32> to vector<32xbf16>
        %mul3A_141 = arith.mulf %bitcast3A, %bitcast3A_140 : vector<32xbf16>
        %unpack3A = tpu.unpack_subelements %mul3A_141, 0 {pack_format = #tpu.pack_format<interleaved>} : vector<32xbf16> -> vector<16xf32>
        %unpack3A_142 = tpu.unpack_subelements %mul3A_141, 1 {pack_format = #tpu.pack_format<interleaved>} : vector<32xbf16> -> vector<16xf32>
        %mul3A_143 = arith.mulf %get3A_133, %unpack3A : vector<16xf32>
        %add3A_144 = arith.addf %scan3A_117, %mul3A_143 : vector<16xf32>
        %mul3A_145 = arith.mulf %get3A_133, %unpack3A_142 : vector<16xf32>
        %add3A_146 = arith.addf %scan3A_118, %mul3A_145 : vector<16xf32>
        %gather3A_147 = tpu.vector_load_idx %arg9[%shift_right_logical3A_135] : memref<16384xi32, #tpu.memory_space<vmem>>[vector<16xi32>], vector<16xi32>,
        %gather3A_148 = tpu.vector_load_idx %arg9[%and3A_138] : memref<16384xi32, #tpu.memory_space<vmem>>[vector<16xi32>], vector<16xi32>,
        %bitcast3A_149 = vector.bitcast %gather3A_147 : vector<16xi32> to vector<32xbf16>
        %bitcast3A_150 = vector.bitcast %gather3A_148 : vector<16xi32> to vector<32xbf16>
        %mul3A_151 = arith.mulf %bitcast3A_149, %bitcast3A_150 : vector<32xbf16>
        %unpack3A_152 = tpu.unpack_subelements %mul3A_151, 0 {pack_format = #tpu.pack_format<interleaved>} : vector<32xbf16> -> vector<16xf32>
        %unpack3A_153 = tpu.unpack_subelements %mul3A_151, 1 {pack_format = #tpu.pack_format<interleaved>} : vector<32xbf16> -> vector<16xf32>
        %mul3A_154 = arith.mulf %get3A_133, %unpack3A_152 : vector<16xf32>
        %add3A_155 = arith.addf %scan3A_119, %mul3A_154 : vector<16xf32>
        %mul3A_156 = arith.mulf %get3A_133, %unpack3A_153 : vector<16xf32>
        %add3A_157 = arith.addf %scan3A_120, %mul3A_156 : vector<16xf32>
        %gather3A_158 = tpu.vector_load_idx %arg10[%shift_right_logical3A_135] : memref<16384xi32, #tpu.memory_space<vmem>>[vector<16xi32>], vector<16xi32>,
        %gather3A_159 = tpu.vector_load_idx %arg10[%and3A_138] : memref<16384xi32, #tpu.memory_space<vmem>>[vector<16xi32>], vector<16xi32>,
        %bitcast3A_160 = vector.bitcast %gather3A_158 : vector<16xi32> to vector<32xbf16>
        %bitcast3A_161 = vector.bitcast %gather3A_159 : vector<16xi32> to vector<32xbf16>
        %mul3A_162 = arith.mulf %bitcast3A_160, %bitcast3A_161 : vector<32xbf16>
        %unpack3A_163 = tpu.unpack_subelements %mul3A_162, 0 {pack_format = #tpu.pack_format<interleaved>} : vector<32xbf16> -> vector<16xf32>
        %unpack3A_164 = tpu.unpack_subelements %mul3A_162, 1 {pack_format = #tpu.pack_format<interleaved>} : vector<32xbf16> -> vector<16xf32>
        %mul3A_165 = arith.mulf %get3A_133, %unpack3A_163 : vector<16xf32>
        %add3A_166 = arith.addf %scan3A_121, %mul3A_165 : vector<16xf32>
        %mul3A_167 = arith.mulf %get3A_133, %unpack3A_164 : vector<16xf32>
        %add3A_168 = arith.addf %scan3A_122, %mul3A_167 : vector<16xf32>
        %gather3A_169 = tpu.vector_load_idx %arg11[%shift_right_logical3A_135] : memref<16384xi32, #tpu.memory_space<vmem>>[vector<16xi32>], vector<16xi32>,
        %gather3A_170 = tpu.vector_load_idx %arg11[%and3A_138] : memref<16384xi32, #tpu.memory_space<vmem>>[vector<16xi32>], vector<16xi32>,
        %bitcast3A_171 = vector.bitcast %gather3A_169 : vector<16xi32> to vector<32xbf16>
        %bitcast3A_172 = vector.bitcast %gather3A_170 : vector<16xi32> to vector<32xbf16>
        %mul3A_173 = arith.mulf %bitcast3A_171, %bitcast3A_172 : vector<32xbf16>
        %unpack3A_174 = tpu.unpack_subelements %mul3A_173, 0 {pack_format = #tpu.pack_format<interleaved>} : vector<32xbf16> -> vector<16xf32>
        %unpack3A_175 = tpu.unpack_subelements %mul3A_173, 1 {pack_format = #tpu.pack_format<interleaved>} : vector<32xbf16> -> vector<16xf32>
        %mul3A_176 = arith.mulf %get3A_133, %unpack3A_174 : vector<16xf32>
        %add3A_177 = arith.addf %scan3A_123, %mul3A_176 : vector<16xf32>
        %mul3A_178 = arith.mulf %get3A_133, %unpack3A_175 : vector<16xf32>
        %add3A_179 = arith.addf %scan3A_124, %mul3A_178 : vector<16xf32>
        %mul3A_180 = arith.constant 4 : i32
        %mul3A_181 = arith.muli %scan3A_116, %mul3A_180 : i32
        %add3A_182 = arith.constant 1 : i32
        %add3A_183 = arith.addi %mul3A_181, %add3A_182 : i32
        %mul3A_184 = arith.constant 16 : i32
        %mul3A_185 = arith.muli %add3A_183, %mul3A_184 : i32
        %get3A_186 = arith.index_cast %mul3A_185 : i32 to index
        %get3A_187 = tpu.vector_load %arg12[%get3A_186] {strides = array<i32>} : memref<4096xi32, #tpu.memory_space<vmem>>, vector<16xi32>,
        %get3A_188 = arith.index_cast %mul3A_185 : i32 to index
        %get3A_189 = tpu.vector_load %arg14[%get3A_188] {strides = array<i32>} : memref<4096xf32, #tpu.memory_space<vmem>>, vector<16xf32>,
        %shift_right_logical3A_190 = arith.constant 14 : i32
        %shift_right_logical3A_191 = vector.broadcast %shift_right_logical3A_190 : i32 to vector<16xi32>
        %shift_right_logical3A_192 = arith.shrui %get3A_187, %shift_right_logical3A_191 : vector<16xi32>
        %and3A_193 = arith.constant 16383 : i32
        %and3A_194 = vector.broadcast %and3A_193 : i32 to vector<16xi32>
        %and3A_195 = arith.andi %get3A_187, %and3A_194 : vector<16xi32>
        %gather3A_196 = tpu.vector_load_idx %arg8[%shift_right_logical3A_192] : memref<16384xi32, #tpu.memory_space<vmem>>[vector<16xi32>], vector<16xi32>,
        %gather3A_197 = tpu.vector_load_idx %arg8[%and3A_195] : memref<16384xi32, #tpu.memory_space<vmem>>[vector<16xi32>], vector<16xi32>,
        %bitcast3A_198 = vector.bitcast %gather3A_196 : vector<16xi32> to vector<32xbf16>
        %bitcast3A_199 = vector.bitcast %gather3A_197 : vector<16xi32> to vector<32xbf16>
        %mul3A_200 = arith.mulf %bitcast3A_198, %bitcast3A_199 : vector<32xbf16>
        %unpack3A_201 = tpu.unpack_subelements %mul3A_200, 0 {pack_format = #tpu.pack_format<interleaved>} : vector<32xbf16> -> vector<16xf32>
        %unpack3A_202 = tpu.unpack_subelements %mul3A_200, 1 {pack_format = #tpu.pack_format<interleaved>} : vector<32xbf16> -> vector<16xf32>
        %mul3A_203 = arith.mulf %get3A_189, %unpack3A_201 : vector<16xf32>
        %add3A_204 = arith.addf %add3A_144, %mul3A_203 : vector<16xf32>
        %mul3A_205 = arith.mulf %get3A_189, %unpack3A_202 : vector<16xf32>
        %add3A_206 = arith.addf %add3A_146, %mul3A_205 : vector<16xf32>
        %gather3A_207 = tpu.vector_load_idx %arg9[%shift_right_logical3A_192] : memref<16384xi32, #tpu.memory_space<vmem>>[vector<16xi32>], vector<16xi32>,
        %gather3A_208 = tpu.vector_load_idx %arg9[%and3A_195] : memref<16384xi32, #tpu.memory_space<vmem>>[vector<16xi32>], vector<16xi32>,
        %bitcast3A_209 = vector.bitcast %gather3A_207 : vector<16xi32> to vector<32xbf16>
        %bitcast3A_210 = vector.bitcast %gather3A_208 : vector<16xi32> to vector<32xbf16>
        %mul3A_211 = arith.mulf %bitcast3A_209, %bitcast3A_210 : vector<32xbf16>
        %unpack3A_212 = tpu.unpack_subelements %mul3A_211, 0 {pack_format = #tpu.pack_format<interleaved>} : vector<32xbf16> -> vector<16xf32>
        %unpack3A_213 = tpu.unpack_subelements %mul3A_211, 1 {pack_format = #tpu.pack_format<interleaved>} : vector<32xbf16> -> vector<16xf32>
        %mul3A_214 = arith.mulf %get3A_189, %unpack3A_212 : vector<16xf32>
        %add3A_215 = arith.addf %add3A_155, %mul3A_214 : vector<16xf32>
        %mul3A_216 = arith.mulf %get3A_189, %unpack3A_213 : vector<16xf32>
        %add3A_217 = arith.addf %add3A_157, %mul3A_216 : vector<16xf32>
        %gather3A_218 = tpu.vector_load_idx %arg10[%shift_right_logical3A_192] : memref<16384xi32, #tpu.memory_space<vmem>>[vector<16xi32>], vector<16xi32>,
        %gather3A_219 = tpu.vector_load_idx %arg10[%and3A_195] : memref<16384xi32, #tpu.memory_space<vmem>>[vector<16xi32>], vector<16xi32>,
        %bitcast3A_220 = vector.bitcast %gather3A_218 : vector<16xi32> to vector<32xbf16>
        %bitcast3A_221 = vector.bitcast %gather3A_219 : vector<16xi32> to vector<32xbf16>
        %mul3A_222 = arith.mulf %bitcast3A_220, %bitcast3A_221 : vector<32xbf16>
        %unpack3A_223 = tpu.unpack_subelements %mul3A_222, 0 {pack_format = #tpu.pack_format<interleaved>} : vector<32xbf16> -> vector<16xf32>
        %unpack3A_224 = tpu.unpack_subelements %mul3A_222, 1 {pack_format = #tpu.pack_format<interleaved>} : vector<32xbf16> -> vector<16xf32>
        %mul3A_225 = arith.mulf %get3A_189, %unpack3A_223 : vector<16xf32>
        %add3A_226 = arith.addf %add3A_166, %mul3A_225 : vector<16xf32>
        %mul3A_227 = arith.mulf %get3A_189, %unpack3A_224 : vector<16xf32>
        %add3A_228 = arith.addf %add3A_168, %mul3A_227 : vector<16xf32>
        %gather3A_229 = tpu.vector_load_idx %arg11[%shift_right_logical3A_192] : memref<16384xi32, #tpu.memory_space<vmem>>[vector<16xi32>], vector<16xi32>,
        %gather3A_230 = tpu.vector_load_idx %arg11[%and3A_195] : memref<16384xi32, #tpu.memory_space<vmem>>[vector<16xi32>], vector<16xi32>,
        %bitcast3A_231 = vector.bitcast %gather3A_229 : vector<16xi32> to vector<32xbf16>
        %bitcast3A_232 = vector.bitcast %gather3A_230 : vector<16xi32> to vector<32xbf16>
        %mul3A_233 = arith.mulf %bitcast3A_231, %bitcast3A_232 : vector<32xbf16>
        %unpack3A_234 = tpu.unpack_subelements %mul3A_233, 0 {pack_format = #tpu.pack_format<interleaved>} : vector<32xbf16> -> vector<16xf32>
        %unpack3A_235 = tpu.unpack_subelements %mul3A_233, 1 {pack_format = #tpu.pack_format<interleaved>} : vector<32xbf16> -> vector<16xf32>
        %mul3A_236 = arith.mulf %get3A_189, %unpack3A_234 : vector<16xf32>
        %add3A_237 = arith.addf %add3A_177, %mul3A_236 : vector<16xf32>
        %mul3A_238 = arith.mulf %get3A_189, %unpack3A_235 : vector<16xf32>
        %add3A_239 = arith.addf %add3A_179, %mul3A_238 : vector<16xf32>
        %mul3A_240 = arith.constant 4 : i32
        %mul3A_241 = arith.muli %scan3A_116, %mul3A_240 : i32
        %add3A_242 = arith.constant 2 : i32
        %add3A_243 = arith.addi %mul3A_241, %add3A_242 : i32
        %mul3A_244 = arith.constant 16 : i32
        %mul3A_245 = arith.muli %add3A_243, %mul3A_244 : i32
        %get3A_246 = arith.index_cast %mul3A_245 : i32 to index
        %get3A_247 = tpu.vector_load %arg12[%get3A_246] {strides = array<i32>} : memref<4096xi32, #tpu.memory_space<vmem>>, vector<16xi32>,
        %get3A_248 = arith.index_cast %mul3A_245 : i32 to index
        %get3A_249 = tpu.vector_load %arg14[%get3A_248] {strides = array<i32>} : memref<4096xf32, #tpu.memory_space<vmem>>, vector<16xf32>,
        %shift_right_logical3A_250 = arith.constant 14 : i32
        %shift_right_logical3A_251 = vector.broadcast %shift_right_logical3A_250 : i32 to vector<16xi32>
        %shift_right_logical3A_252 = arith.shrui %get3A_247, %shift_right_logical3A_251 : vector<16xi32>
        %and3A_253 = arith.constant 16383 : i32
        %and3A_254 = vector.broadcast %and3A_253 : i32 to vector<16xi32>
        %and3A_255 = arith.andi %get3A_247, %and3A_254 : vector<16xi32>
        %gather3A_256 = tpu.vector_load_idx %arg8[%shift_right_logical3A_252] : memref<16384xi32, #tpu.memory_space<vmem>>[vector<16xi32>], vector<16xi32>,
        %gather3A_257 = tpu.vector_load_idx %arg8[%and3A_255] : memref<16384xi32, #tpu.memory_space<vmem>>[vector<16xi32>], vector<16xi32>,
        %bitcast3A_258 = vector.bitcast %gather3A_256 : vector<16xi32> to vector<32xbf16>
        %bitcast3A_259 = vector.bitcast %gather3A_257 : vector<16xi32> to vector<32xbf16>
        %mul3A_260 = arith.mulf %bitcast3A_258, %bitcast3A_259 : vector<32xbf16>
        %unpack3A_261 = tpu.unpack_subelements %mul3A_260, 0 {pack_format = #tpu.pack_format<interleaved>} : vector<32xbf16> -> vector<16xf32>
        %unpack3A_262 = tpu.unpack_subelements %mul3A_260, 1 {pack_format = #tpu.pack_format<interleaved>} : vector<32xbf16> -> vector<16xf32>
        %mul3A_263 = arith.mulf %get3A_249, %unpack3A_261 : vector<16xf32>
        %add3A_264 = arith.addf %add3A_204, %mul3A_263 : vector<16xf32>
        %mul3A_265 = arith.mulf %get3A_249, %unpack3A_262 : vector<16xf32>
        %add3A_266 = arith.addf %add3A_206, %mul3A_265 : vector<16xf32>
        %gather3A_267 = tpu.vector_load_idx %arg9[%shift_right_logical3A_252] : memref<16384xi32, #tpu.memory_space<vmem>>[vector<16xi32>], vector<16xi32>,
        %gather3A_268 = tpu.vector_load_idx %arg9[%and3A_255] : memref<16384xi32, #tpu.memory_space<vmem>>[vector<16xi32>], vector<16xi32>,
        %bitcast3A_269 = vector.bitcast %gather3A_267 : vector<16xi32> to vector<32xbf16>
        %bitcast3A_270 = vector.bitcast %gather3A_268 : vector<16xi32> to vector<32xbf16>
        %mul3A_271 = arith.mulf %bitcast3A_269, %bitcast3A_270 : vector<32xbf16>
        %unpack3A_272 = tpu.unpack_subelements %mul3A_271, 0 {pack_format = #tpu.pack_format<interleaved>} : vector<32xbf16> -> vector<16xf32>
        %unpack3A_273 = tpu.unpack_subelements %mul3A_271, 1 {pack_format = #tpu.pack_format<interleaved>} : vector<32xbf16> -> vector<16xf32>
        %mul3A_274 = arith.mulf %get3A_249, %unpack3A_272 : vector<16xf32>
        %add3A_275 = arith.addf %add3A_215, %mul3A_274 : vector<16xf32>
        %mul3A_276 = arith.mulf %get3A_249, %unpack3A_273 : vector<16xf32>
        %add3A_277 = arith.addf %add3A_217, %mul3A_276 : vector<16xf32>
        %gather3A_278 = tpu.vector_load_idx %arg10[%shift_right_logical3A_252] : memref<16384xi32, #tpu.memory_space<vmem>>[vector<16xi32>], vector<16xi32>,
        %gather3A_279 = tpu.vector_load_idx %arg10[%and3A_255] : memref<16384xi32, #tpu.memory_space<vmem>>[vector<16xi32>], vector<16xi32>,
        %bitcast3A_280 = vector.bitcast %gather3A_278 : vector<16xi32> to vector<32xbf16>
        %bitcast3A_281 = vector.bitcast %gather3A_279 : vector<16xi32> to vector<32xbf16>
        %mul3A_282 = arith.mulf %bitcast3A_280, %bitcast3A_281 : vector<32xbf16>
        %unpack3A_283 = tpu.unpack_subelements %mul3A_282, 0 {pack_format = #tpu.pack_format<interleaved>} : vector<32xbf16> -> vector<16xf32>
        %unpack3A_284 = tpu.unpack_subelements %mul3A_282, 1 {pack_format = #tpu.pack_format<interleaved>} : vector<32xbf16> -> vector<16xf32>
        %mul3A_285 = arith.mulf %get3A_249, %unpack3A_283 : vector<16xf32>
        %add3A_286 = arith.addf %add3A_226, %mul3A_285 : vector<16xf32>
        %mul3A_287 = arith.mulf %get3A_249, %unpack3A_284 : vector<16xf32>
        %add3A_288 = arith.addf %add3A_228, %mul3A_287 : vector<16xf32>
        %gather3A_289 = tpu.vector_load_idx %arg11[%shift_right_logical3A_252] : memref<16384xi32, #tpu.memory_space<vmem>>[vector<16xi32>], vector<16xi32>,
        %gather3A_290 = tpu.vector_load_idx %arg11[%and3A_255] : memref<16384xi32, #tpu.memory_space<vmem>>[vector<16xi32>], vector<16xi32>,
        %bitcast3A_291 = vector.bitcast %gather3A_289 : vector<16xi32> to vector<32xbf16>
        %bitcast3A_292 = vector.bitcast %gather3A_290 : vector<16xi32> to vector<32xbf16>
        %mul3A_293 = arith.mulf %bitcast3A_291, %bitcast3A_292 : vector<32xbf16>
        %unpack3A_294 = tpu.unpack_subelements %mul3A_293, 0 {pack_format = #tpu.pack_format<interleaved>} : vector<32xbf16> -> vector<16xf32>
        %unpack3A_295 = tpu.unpack_subelements %mul3A_293, 1 {pack_format = #tpu.pack_format<interleaved>} : vector<32xbf16> -> vector<16xf32>
        %mul3A_296 = arith.mulf %get3A_249, %unpack3A_294 : vector<16xf32>
        %add3A_297 = arith.addf %add3A_237, %mul3A_296 : vector<16xf32>
        %mul3A_298 = arith.mulf %get3A_249, %unpack3A_295 : vector<16xf32>
        %add3A_299 = arith.addf %add3A_239, %mul3A_298 : vector<16xf32>
        %mul3A_300 = arith.constant 4 : i32
        %mul3A_301 = arith.muli %scan3A_116, %mul3A_300 : i32
        %add3A_302 = arith.constant 3 : i32
        %add3A_303 = arith.addi %mul3A_301, %add3A_302 : i32
        %mul3A_304 = arith.constant 16 : i32
        %mul3A_305 = arith.muli %add3A_303, %mul3A_304 : i32
        %get3A_306 = arith.index_cast %mul3A_305 : i32 to index
        %get3A_307 = tpu.vector_load %arg12[%get3A_306] {strides = array<i32>} : memref<4096xi32, #tpu.memory_space<vmem>>, vector<16xi32>,
        %get3A_308 = arith.index_cast %mul3A_305 : i32 to index
        %get3A_309 = tpu.vector_load %arg14[%get3A_308] {strides = array<i32>} : memref<4096xf32, #tpu.memory_space<vmem>>, vector<16xf32>,
        %shift_right_logical3A_310 = arith.constant 14 : i32
        %shift_right_logical3A_311 = vector.broadcast %shift_right_logical3A_310 : i32 to vector<16xi32>
        %shift_right_logical3A_312 = arith.shrui %get3A_307, %shift_right_logical3A_311 : vector<16xi32>
        %and3A_313 = arith.constant 16383 : i32
        %and3A_314 = vector.broadcast %and3A_313 : i32 to vector<16xi32>
        %and3A_315 = arith.andi %get3A_307, %and3A_314 : vector<16xi32>
        %gather3A_316 = tpu.vector_load_idx %arg8[%shift_right_logical3A_312] : memref<16384xi32, #tpu.memory_space<vmem>>[vector<16xi32>], vector<16xi32>,
        %gather3A_317 = tpu.vector_load_idx %arg8[%and3A_315] : memref<16384xi32, #tpu.memory_space<vmem>>[vector<16xi32>], vector<16xi32>,
        %bitcast3A_318 = vector.bitcast %gather3A_316 : vector<16xi32> to vector<32xbf16>
        %bitcast3A_319 = vector.bitcast %gather3A_317 : vector<16xi32> to vector<32xbf16>
        %mul3A_320 = arith.mulf %bitcast3A_318, %bitcast3A_319 : vector<32xbf16>
        %unpack3A_321 = tpu.unpack_subelements %mul3A_320, 0 {pack_format = #tpu.pack_format<interleaved>} : vector<32xbf16> -> vector<16xf32>
        %unpack3A_322 = tpu.unpack_subelements %mul3A_320, 1 {pack_format = #tpu.pack_format<interleaved>} : vector<32xbf16> -> vector<16xf32>
        %mul3A_323 = arith.mulf %get3A_309, %unpack3A_321 : vector<16xf32>
        %add3A_324 = arith.addf %add3A_264, %mul3A_323 : vector<16xf32>
        %mul3A_325 = arith.mulf %get3A_309, %unpack3A_322 : vector<16xf32>
        %add3A_326 = arith.addf %add3A_266, %mul3A_325 : vector<16xf32>
        %gather3A_327 = tpu.vector_load_idx %arg9[%shift_right_logical3A_312] : memref<16384xi32, #tpu.memory_space<vmem>>[vector<16xi32>], vector<16xi32>,
        %gather3A_328 = tpu.vector_load_idx %arg9[%and3A_315] : memref<16384xi32, #tpu.memory_space<vmem>>[vector<16xi32>], vector<16xi32>,
        %bitcast3A_329 = vector.bitcast %gather3A_327 : vector<16xi32> to vector<32xbf16>
        %bitcast3A_330 = vector.bitcast %gather3A_328 : vector<16xi32> to vector<32xbf16>
        %mul3A_331 = arith.mulf %bitcast3A_329, %bitcast3A_330 : vector<32xbf16>
        %unpack3A_332 = tpu.unpack_subelements %mul3A_331, 0 {pack_format = #tpu.pack_format<interleaved>} : vector<32xbf16> -> vector<16xf32>
        %unpack3A_333 = tpu.unpack_subelements %mul3A_331, 1 {pack_format = #tpu.pack_format<interleaved>} : vector<32xbf16> -> vector<16xf32>
        %mul3A_334 = arith.mulf %get3A_309, %unpack3A_332 : vector<16xf32>
        %add3A_335 = arith.addf %add3A_275, %mul3A_334 : vector<16xf32>
        %mul3A_336 = arith.mulf %get3A_309, %unpack3A_333 : vector<16xf32>
        %add3A_337 = arith.addf %add3A_277, %mul3A_336 : vector<16xf32>
        %gather3A_338 = tpu.vector_load_idx %arg10[%shift_right_logical3A_312] : memref<16384xi32, #tpu.memory_space<vmem>>[vector<16xi32>], vector<16xi32>,
        %gather3A_339 = tpu.vector_load_idx %arg10[%and3A_315] : memref<16384xi32, #tpu.memory_space<vmem>>[vector<16xi32>], vector<16xi32>,
        %bitcast3A_340 = vector.bitcast %gather3A_338 : vector<16xi32> to vector<32xbf16>
        %bitcast3A_341 = vector.bitcast %gather3A_339 : vector<16xi32> to vector<32xbf16>
        %mul3A_342 = arith.mulf %bitcast3A_340, %bitcast3A_341 : vector<32xbf16>
        %unpack3A_343 = tpu.unpack_subelements %mul3A_342, 0 {pack_format = #tpu.pack_format<interleaved>} : vector<32xbf16> -> vector<16xf32>
        %unpack3A_344 = tpu.unpack_subelements %mul3A_342, 1 {pack_format = #tpu.pack_format<interleaved>} : vector<32xbf16> -> vector<16xf32>
        %mul3A_345 = arith.mulf %get3A_309, %unpack3A_343 : vector<16xf32>
        %add3A_346 = arith.addf %add3A_286, %mul3A_345 : vector<16xf32>
        %mul3A_347 = arith.mulf %get3A_309, %unpack3A_344 : vector<16xf32>
        %add3A_348 = arith.addf %add3A_288, %mul3A_347 : vector<16xf32>
        %gather3A_349 = tpu.vector_load_idx %arg11[%shift_right_logical3A_312] : memref<16384xi32, #tpu.memory_space<vmem>>[vector<16xi32>], vector<16xi32>,
        %gather3A_350 = tpu.vector_load_idx %arg11[%and3A_315] : memref<16384xi32, #tpu.memory_space<vmem>>[vector<16xi32>], vector<16xi32>,
        %bitcast3A_351 = vector.bitcast %gather3A_349 : vector<16xi32> to vector<32xbf16>
        %bitcast3A_352 = vector.bitcast %gather3A_350 : vector<16xi32> to vector<32xbf16>
        %mul3A_353 = arith.mulf %bitcast3A_351, %bitcast3A_352 : vector<32xbf16>
        %unpack3A_354 = tpu.unpack_subelements %mul3A_353, 0 {pack_format = #tpu.pack_format<interleaved>} : vector<32xbf16> -> vector<16xf32>
        %unpack3A_355 = tpu.unpack_subelements %mul3A_353, 1 {pack_format = #tpu.pack_format<interleaved>} : vector<32xbf16> -> vector<16xf32>
        %mul3A_356 = arith.mulf %get3A_309, %unpack3A_354 : vector<16xf32>
        %add3A_357 = arith.addf %add3A_297, %mul3A_356 : vector<16xf32>
        %mul3A_358 = arith.mulf %get3A_309, %unpack3A_355 : vector<16xf32>
        %add3A_359 = arith.addf %add3A_299, %mul3A_358 : vector<16xf32>
        scf.yield %add3A_324, %add3A_326, %add3A_335, %add3A_337, %add3A_346, %add3A_348, %add3A_357, %add3A_359 : vector<16xf32>, vector<16xf32>, vector<16xf32>, vector<16xf32>, vector<16xf32>, vector<16xf32>, vector<16xf32>, vector<16xf32>
      }
      %scan3A_109 = arith.constant 64 : i32
      "tpu.region"() ({
        %run_scoped3A = tpu.sem_alloc : memref<!tpu.dma_semaphore, #tpu.memory_space<semaphore_mem>>
        tpu.enqueue_dma source(%arg5 : memref<4096xi32, #tpu.memory_space<hbm>>) target(%arg13 : memref<4096xi32, #tpu.memory_space<vmem>>) target_semaphore(%run_scoped3A : memref<!tpu.dma_semaphore, #tpu.memory_space<semaphore_mem>>)
        tpu.wait_dma2 semaphore(%run_scoped3A : memref<!tpu.dma_semaphore, #tpu.memory_space<semaphore_mem>>) src(%arg5 : memref<4096xi32, #tpu.memory_space<hbm>>) dst(%arg13 : memref<4096xi32, #tpu.memory_space<vmem>>)
        tpu.yield
      }) : () -> ()
      "tpu.region"() ({
        %run_scoped3A = tpu.sem_alloc : memref<!tpu.dma_semaphore, #tpu.memory_space<semaphore_mem>>
        tpu.enqueue_dma source(%arg6 : memref<4096xf32, #tpu.memory_space<hbm>>) target(%arg15 : memref<4096xf32, #tpu.memory_space<vmem>>) target_semaphore(%run_scoped3A : memref<!tpu.dma_semaphore, #tpu.memory_space<semaphore_mem>>)
        tpu.wait_dma2 semaphore(%run_scoped3A : memref<!tpu.dma_semaphore, #tpu.memory_space<semaphore_mem>>) src(%arg6 : memref<4096xf32, #tpu.memory_space<hbm>>) dst(%arg15 : memref<4096xf32, #tpu.memory_space<vmem>>)
        tpu.yield
      }) : () -> ()
      %scan3A_110 = arith.constant 0 : i32
      %scan3A_111 = arith.constant 64 : i32
      %scan3A_112 = arith.addi %scan3A_110, %scan3A_111 : i32
      %scan3A_113 = arith.constant 1 : i32
      %scan3A_114:8 = scf.for %scan3A_116 = %scan3A_110 to %scan3A_112 step %scan3A_113 iter_args(%scan3A_117 = %scan3A_108#0, %scan3A_118 = %scan3A_108#1, %scan3A_119 = %scan3A_108#2, %scan3A_120 = %scan3A_108#3, %scan3A_121 = %scan3A_108#4, %scan3A_122 = %scan3A_108#5, %scan3A_123 = %scan3A_108#6, %scan3A_124 = %scan3A_108#7) -> (vector<16xf32>, vector<16xf32>, vector<16xf32>, vector<16xf32>, vector<16xf32>, vector<16xf32>, vector<16xf32>, vector<16xf32>)  : i32 {
        %mul3A_125 = arith.constant 4 : i32
        %mul3A_126 = arith.muli %scan3A_116, %mul3A_125 : i32
        %add3A_127 = arith.constant 0 : i32
        %add3A_128 = arith.addi %mul3A_126, %add3A_127 : i32
        %mul3A_129 = arith.constant 16 : i32
        %mul3A_130 = arith.muli %add3A_128, %mul3A_129 : i32
        %get3A = arith.index_cast %mul3A_130 : i32 to index
        %get3A_131 = tpu.vector_load %arg13[%get3A] {strides = array<i32>} : memref<4096xi32, #tpu.memory_space<vmem>>, vector<16xi32>,
        %get3A_132 = arith.index_cast %mul3A_130 : i32 to index
        %get3A_133 = tpu.vector_load %arg15[%get3A_132] {strides = array<i32>} : memref<4096xf32, #tpu.memory_space<vmem>>, vector<16xf32>,
        %shift_right_logical3A = arith.constant 14 : i32
        %shift_right_logical3A_134 = vector.broadcast %shift_right_logical3A : i32 to vector<16xi32>
        %shift_right_logical3A_135 = arith.shrui %get3A_131, %shift_right_logical3A_134 : vector<16xi32>
        %and3A_136 = arith.constant 16383 : i32
        %and3A_137 = vector.broadcast %and3A_136 : i32 to vector<16xi32>
        %and3A_138 = arith.andi %get3A_131, %and3A_137 : vector<16xi32>
        %gather3A = tpu.vector_load_idx %arg8[%shift_right_logical3A_135] : memref<16384xi32, #tpu.memory_space<vmem>>[vector<16xi32>], vector<16xi32>,
        %gather3A_139 = tpu.vector_load_idx %arg8[%and3A_138] : memref<16384xi32, #tpu.memory_space<vmem>>[vector<16xi32>], vector<16xi32>,
        %bitcast3A = vector.bitcast %gather3A : vector<16xi32> to vector<32xbf16>
        %bitcast3A_140 = vector.bitcast %gather3A_139 : vector<16xi32> to vector<32xbf16>
        %mul3A_141 = arith.mulf %bitcast3A, %bitcast3A_140 : vector<32xbf16>
        %unpack3A = tpu.unpack_subelements %mul3A_141, 0 {pack_format = #tpu.pack_format<interleaved>} : vector<32xbf16> -> vector<16xf32>
        %unpack3A_142 = tpu.unpack_subelements %mul3A_141, 1 {pack_format = #tpu.pack_format<interleaved>} : vector<32xbf16> -> vector<16xf32>
        %mul3A_143 = arith.mulf %get3A_133, %unpack3A : vector<16xf32>
        %add3A_144 = arith.addf %scan3A_117, %mul3A_143 : vector<16xf32>
        %mul3A_145 = arith.mulf %get3A_133, %unpack3A_142 : vector<16xf32>
        %add3A_146 = arith.addf %scan3A_118, %mul3A_145 : vector<16xf32>
        %gather3A_147 = tpu.vector_load_idx %arg9[%shift_right_logical3A_135] : memref<16384xi32, #tpu.memory_space<vmem>>[vector<16xi32>], vector<16xi32>,
        %gather3A_148 = tpu.vector_load_idx %arg9[%and3A_138] : memref<16384xi32, #tpu.memory_space<vmem>>[vector<16xi32>], vector<16xi32>,
        %bitcast3A_149 = vector.bitcast %gather3A_147 : vector<16xi32> to vector<32xbf16>
        %bitcast3A_150 = vector.bitcast %gather3A_148 : vector<16xi32> to vector<32xbf16>
        %mul3A_151 = arith.mulf %bitcast3A_149, %bitcast3A_150 : vector<32xbf16>
        %unpack3A_152 = tpu.unpack_subelements %mul3A_151, 0 {pack_format = #tpu.pack_format<interleaved>} : vector<32xbf16> -> vector<16xf32>
        %unpack3A_153 = tpu.unpack_subelements %mul3A_151, 1 {pack_format = #tpu.pack_format<interleaved>} : vector<32xbf16> -> vector<16xf32>
        %mul3A_154 = arith.mulf %get3A_133, %unpack3A_152 : vector<16xf32>
        %add3A_155 = arith.addf %scan3A_119, %mul3A_154 : vector<16xf32>
        %mul3A_156 = arith.mulf %get3A_133, %unpack3A_153 : vector<16xf32>
        %add3A_157 = arith.addf %scan3A_120, %mul3A_156 : vector<16xf32>
        %gather3A_158 = tpu.vector_load_idx %arg10[%shift_right_logical3A_135] : memref<16384xi32, #tpu.memory_space<vmem>>[vector<16xi32>], vector<16xi32>,
        %gather3A_159 = tpu.vector_load_idx %arg10[%and3A_138] : memref<16384xi32, #tpu.memory_space<vmem>>[vector<16xi32>], vector<16xi32>,
        %bitcast3A_160 = vector.bitcast %gather3A_158 : vector<16xi32> to vector<32xbf16>
        %bitcast3A_161 = vector.bitcast %gather3A_159 : vector<16xi32> to vector<32xbf16>
        %mul3A_162 = arith.mulf %bitcast3A_160, %bitcast3A_161 : vector<32xbf16>
        %unpack3A_163 = tpu.unpack_subelements %mul3A_162, 0 {pack_format = #tpu.pack_format<interleaved>} : vector<32xbf16> -> vector<16xf32>
        %unpack3A_164 = tpu.unpack_subelements %mul3A_162, 1 {pack_format = #tpu.pack_format<interleaved>} : vector<32xbf16> -> vector<16xf32>
        %mul3A_165 = arith.mulf %get3A_133, %unpack3A_163 : vector<16xf32>
        %add3A_166 = arith.addf %scan3A_121, %mul3A_165 : vector<16xf32>
        %mul3A_167 = arith.mulf %get3A_133, %unpack3A_164 : vector<16xf32>
        %add3A_168 = arith.addf %scan3A_122, %mul3A_167 : vector<16xf32>
        %gather3A_169 = tpu.vector_load_idx %arg11[%shift_right_logical3A_135] : memref<16384xi32, #tpu.memory_space<vmem>>[vector<16xi32>], vector<16xi32>,
        %gather3A_170 = tpu.vector_load_idx %arg11[%and3A_138] : memref<16384xi32, #tpu.memory_space<vmem>>[vector<16xi32>], vector<16xi32>,
        %bitcast3A_171 = vector.bitcast %gather3A_169 : vector<16xi32> to vector<32xbf16>
        %bitcast3A_172 = vector.bitcast %gather3A_170 : vector<16xi32> to vector<32xbf16>
        %mul3A_173 = arith.mulf %bitcast3A_171, %bitcast3A_172 : vector<32xbf16>
        %unpack3A_174 = tpu.unpack_subelements %mul3A_173, 0 {pack_format = #tpu.pack_format<interleaved>} : vector<32xbf16> -> vector<16xf32>
        %unpack3A_175 = tpu.unpack_subelements %mul3A_173, 1 {pack_format = #tpu.pack_format<interleaved>} : vector<32xbf16> -> vector<16xf32>
        %mul3A_176 = arith.mulf %get3A_133, %unpack3A_174 : vector<16xf32>
        %add3A_177 = arith.addf %scan3A_123, %mul3A_176 : vector<16xf32>
        %mul3A_178 = arith.mulf %get3A_133, %unpack3A_175 : vector<16xf32>
        %add3A_179 = arith.addf %scan3A_124, %mul3A_178 : vector<16xf32>
        %mul3A_180 = arith.constant 4 : i32
        %mul3A_181 = arith.muli %scan3A_116, %mul3A_180 : i32
        %add3A_182 = arith.constant 1 : i32
        %add3A_183 = arith.addi %mul3A_181, %add3A_182 : i32
        %mul3A_184 = arith.constant 16 : i32
        %mul3A_185 = arith.muli %add3A_183, %mul3A_184 : i32
        %get3A_186 = arith.index_cast %mul3A_185 : i32 to index
        %get3A_187 = tpu.vector_load %arg13[%get3A_186] {strides = array<i32>} : memref<4096xi32, #tpu.memory_space<vmem>>, vector<16xi32>,
        %get3A_188 = arith.index_cast %mul3A_185 : i32 to index
        %get3A_189 = tpu.vector_load %arg15[%get3A_188] {strides = array<i32>} : memref<4096xf32, #tpu.memory_space<vmem>>, vector<16xf32>,
        %shift_right_logical3A_190 = arith.constant 14 : i32
        %shift_right_logical3A_191 = vector.broadcast %shift_right_logical3A_190 : i32 to vector<16xi32>
        %shift_right_logical3A_192 = arith.shrui %get3A_187, %shift_right_logical3A_191 : vector<16xi32>
        %and3A_193 = arith.constant 16383 : i32
        %and3A_194 = vector.broadcast %and3A_193 : i32 to vector<16xi32>
        %and3A_195 = arith.andi %get3A_187, %and3A_194 : vector<16xi32>
        %gather3A_196 = tpu.vector_load_idx %arg8[%shift_right_logical3A_192] : memref<16384xi32, #tpu.memory_space<vmem>>[vector<16xi32>], vector<16xi32>,
        %gather3A_197 = tpu.vector_load_idx %arg8[%and3A_195] : memref<16384xi32, #tpu.memory_space<vmem>>[vector<16xi32>], vector<16xi32>,
        %bitcast3A_198 = vector.bitcast %gather3A_196 : vector<16xi32> to vector<32xbf16>
        %bitcast3A_199 = vector.bitcast %gather3A_197 : vector<16xi32> to vector<32xbf16>
        %mul3A_200 = arith.mulf %bitcast3A_198, %bitcast3A_199 : vector<32xbf16>
        %unpack3A_201 = tpu.unpack_subelements %mul3A_200, 0 {pack_format = #tpu.pack_format<interleaved>} : vector<32xbf16> -> vector<16xf32>
        %unpack3A_202 = tpu.unpack_subelements %mul3A_200, 1 {pack_format = #tpu.pack_format<interleaved>} : vector<32xbf16> -> vector<16xf32>
        %mul3A_203 = arith.mulf %get3A_189, %unpack3A_201 : vector<16xf32>
        %add3A_204 = arith.addf %add3A_144, %mul3A_203 : vector<16xf32>
        %mul3A_205 = arith.mulf %get3A_189, %unpack3A_202 : vector<16xf32>
        %add3A_206 = arith.addf %add3A_146, %mul3A_205 : vector<16xf32>
        %gather3A_207 = tpu.vector_load_idx %arg9[%shift_right_logical3A_192] : memref<16384xi32, #tpu.memory_space<vmem>>[vector<16xi32>], vector<16xi32>,
        %gather3A_208 = tpu.vector_load_idx %arg9[%and3A_195] : memref<16384xi32, #tpu.memory_space<vmem>>[vector<16xi32>], vector<16xi32>,
        %bitcast3A_209 = vector.bitcast %gather3A_207 : vector<16xi32> to vector<32xbf16>
        %bitcast3A_210 = vector.bitcast %gather3A_208 : vector<16xi32> to vector<32xbf16>
        %mul3A_211 = arith.mulf %bitcast3A_209, %bitcast3A_210 : vector<32xbf16>
        %unpack3A_212 = tpu.unpack_subelements %mul3A_211, 0 {pack_format = #tpu.pack_format<interleaved>} : vector<32xbf16> -> vector<16xf32>
        %unpack3A_213 = tpu.unpack_subelements %mul3A_211, 1 {pack_format = #tpu.pack_format<interleaved>} : vector<32xbf16> -> vector<16xf32>
        %mul3A_214 = arith.mulf %get3A_189, %unpack3A_212 : vector<16xf32>
        %add3A_215 = arith.addf %add3A_155, %mul3A_214 : vector<16xf32>
        %mul3A_216 = arith.mulf %get3A_189, %unpack3A_213 : vector<16xf32>
        %add3A_217 = arith.addf %add3A_157, %mul3A_216 : vector<16xf32>
        %gather3A_218 = tpu.vector_load_idx %arg10[%shift_right_logical3A_192] : memref<16384xi32, #tpu.memory_space<vmem>>[vector<16xi32>], vector<16xi32>,
        %gather3A_219 = tpu.vector_load_idx %arg10[%and3A_195] : memref<16384xi32, #tpu.memory_space<vmem>>[vector<16xi32>], vector<16xi32>,
        %bitcast3A_220 = vector.bitcast %gather3A_218 : vector<16xi32> to vector<32xbf16>
        %bitcast3A_221 = vector.bitcast %gather3A_219 : vector<16xi32> to vector<32xbf16>
        %mul3A_222 = arith.mulf %bitcast3A_220, %bitcast3A_221 : vector<32xbf16>
        %unpack3A_223 = tpu.unpack_subelements %mul3A_222, 0 {pack_format = #tpu.pack_format<interleaved>} : vector<32xbf16> -> vector<16xf32>
        %unpack3A_224 = tpu.unpack_subelements %mul3A_222, 1 {pack_format = #tpu.pack_format<interleaved>} : vector<32xbf16> -> vector<16xf32>
        %mul3A_225 = arith.mulf %get3A_189, %unpack3A_223 : vector<16xf32>
        %add3A_226 = arith.addf %add3A_166, %mul3A_225 : vector<16xf32>
        %mul3A_227 = arith.mulf %get3A_189, %unpack3A_224 : vector<16xf32>
        %add3A_228 = arith.addf %add3A_168, %mul3A_227 : vector<16xf32>
        %gather3A_229 = tpu.vector_load_idx %arg11[%shift_right_logical3A_192] : memref<16384xi32, #tpu.memory_space<vmem>>[vector<16xi32>], vector<16xi32>,
        %gather3A_230 = tpu.vector_load_idx %arg11[%and3A_195] : memref<16384xi32, #tpu.memory_space<vmem>>[vector<16xi32>], vector<16xi32>,
        %bitcast3A_231 = vector.bitcast %gather3A_229 : vector<16xi32> to vector<32xbf16>
        %bitcast3A_232 = vector.bitcast %gather3A_230 : vector<16xi32> to vector<32xbf16>
        %mul3A_233 = arith.mulf %bitcast3A_231, %bitcast3A_232 : vector<32xbf16>
        %unpack3A_234 = tpu.unpack_subelements %mul3A_233, 0 {pack_format = #tpu.pack_format<interleaved>} : vector<32xbf16> -> vector<16xf32>
        %unpack3A_235 = tpu.unpack_subelements %mul3A_233, 1 {pack_format = #tpu.pack_format<interleaved>} : vector<32xbf16> -> vector<16xf32>
        %mul3A_236 = arith.mulf %get3A_189, %unpack3A_234 : vector<16xf32>
        %add3A_237 = arith.addf %add3A_177, %mul3A_236 : vector<16xf32>
        %mul3A_238 = arith.mulf %get3A_189, %unpack3A_235 : vector<16xf32>
        %add3A_239 = arith.addf %add3A_179, %mul3A_238 : vector<16xf32>
        %mul3A_240 = arith.constant 4 : i32
        %mul3A_241 = arith.muli %scan3A_116, %mul3A_240 : i32
        %add3A_242 = arith.constant 2 : i32
        %add3A_243 = arith.addi %mul3A_241, %add3A_242 : i32
        %mul3A_244 = arith.constant 16 : i32
        %mul3A_245 = arith.muli %add3A_243, %mul3A_244 : i32
        %get3A_246 = arith.index_cast %mul3A_245 : i32 to index
        %get3A_247 = tpu.vector_load %arg13[%get3A_246] {strides = array<i32>} : memref<4096xi32, #tpu.memory_space<vmem>>, vector<16xi32>,
        %get3A_248 = arith.index_cast %mul3A_245 : i32 to index
        %get3A_249 = tpu.vector_load %arg15[%get3A_248] {strides = array<i32>} : memref<4096xf32, #tpu.memory_space<vmem>>, vector<16xf32>,
        %shift_right_logical3A_250 = arith.constant 14 : i32
        %shift_right_logical3A_251 = vector.broadcast %shift_right_logical3A_250 : i32 to vector<16xi32>
        %shift_right_logical3A_252 = arith.shrui %get3A_247, %shift_right_logical3A_251 : vector<16xi32>
        %and3A_253 = arith.constant 16383 : i32
        %and3A_254 = vector.broadcast %and3A_253 : i32 to vector<16xi32>
        %and3A_255 = arith.andi %get3A_247, %and3A_254 : vector<16xi32>
        %gather3A_256 = tpu.vector_load_idx %arg8[%shift_right_logical3A_252] : memref<16384xi32, #tpu.memory_space<vmem>>[vector<16xi32>], vector<16xi32>,
        %gather3A_257 = tpu.vector_load_idx %arg8[%and3A_255] : memref<16384xi32, #tpu.memory_space<vmem>>[vector<16xi32>], vector<16xi32>,
        %bitcast3A_258 = vector.bitcast %gather3A_256 : vector<16xi32> to vector<32xbf16>
        %bitcast3A_259 = vector.bitcast %gather3A_257 : vector<16xi32> to vector<32xbf16>
        %mul3A_260 = arith.mulf %bitcast3A_258, %bitcast3A_259 : vector<32xbf16>
        %unpack3A_261 = tpu.unpack_subelements %mul3A_260, 0 {pack_format = #tpu.pack_format<interleaved>} : vector<32xbf16> -> vector<16xf32>
        %unpack3A_262 = tpu.unpack_subelements %mul3A_260, 1 {pack_format = #tpu.pack_format<interleaved>} : vector<32xbf16> -> vector<16xf32>
        %mul3A_263 = arith.mulf %get3A_249, %unpack3A_261 : vector<16xf32>
        %add3A_264 = arith.addf %add3A_204, %mul3A_263 : vector<16xf32>
        %mul3A_265 = arith.mulf %get3A_249, %unpack3A_262 : vector<16xf32>
        %add3A_266 = arith.addf %add3A_206, %mul3A_265 : vector<16xf32>
        %gather3A_267 = tpu.vector_load_idx %arg9[%shift_right_logical3A_252] : memref<16384xi32, #tpu.memory_space<vmem>>[vector<16xi32>], vector<16xi32>,
        %gather3A_268 = tpu.vector_load_idx %arg9[%and3A_255] : memref<16384xi32, #tpu.memory_space<vmem>>[vector<16xi32>], vector<16xi32>,
        %bitcast3A_269 = vector.bitcast %gather3A_267 : vector<16xi32> to vector<32xbf16>
        %bitcast3A_270 = vector.bitcast %gather3A_268 : vector<16xi32> to vector<32xbf16>
        %mul3A_271 = arith.mulf %bitcast3A_269, %bitcast3A_270 : vector<32xbf16>
        %unpack3A_272 = tpu.unpack_subelements %mul3A_271, 0 {pack_format = #tpu.pack_format<interleaved>} : vector<32xbf16> -> vector<16xf32>
        %unpack3A_273 = tpu.unpack_subelements %mul3A_271, 1 {pack_format = #tpu.pack_format<interleaved>} : vector<32xbf16> -> vector<16xf32>
        %mul3A_274 = arith.mulf %get3A_249, %unpack3A_272 : vector<16xf32>
        %add3A_275 = arith.addf %add3A_215, %mul3A_274 : vector<16xf32>
        %mul3A_276 = arith.mulf %get3A_249, %unpack3A_273 : vector<16xf32>
        %add3A_277 = arith.addf %add3A_217, %mul3A_276 : vector<16xf32>
        %gather3A_278 = tpu.vector_load_idx %arg10[%shift_right_logical3A_252] : memref<16384xi32, #tpu.memory_space<vmem>>[vector<16xi32>], vector<16xi32>,
        %gather3A_279 = tpu.vector_load_idx %arg10[%and3A_255] : memref<16384xi32, #tpu.memory_space<vmem>>[vector<16xi32>], vector<16xi32>,
        %bitcast3A_280 = vector.bitcast %gather3A_278 : vector<16xi32> to vector<32xbf16>
        %bitcast3A_281 = vector.bitcast %gather3A_279 : vector<16xi32> to vector<32xbf16>
        %mul3A_282 = arith.mulf %bitcast3A_280, %bitcast3A_281 : vector<32xbf16>
        %unpack3A_283 = tpu.unpack_subelements %mul3A_282, 0 {pack_format = #tpu.pack_format<interleaved>} : vector<32xbf16> -> vector<16xf32>
        %unpack3A_284 = tpu.unpack_subelements %mul3A_282, 1 {pack_format = #tpu.pack_format<interleaved>} : vector<32xbf16> -> vector<16xf32>
        %mul3A_285 = arith.mulf %get3A_249, %unpack3A_283 : vector<16xf32>
        %add3A_286 = arith.addf %add3A_226, %mul3A_285 : vector<16xf32>
        %mul3A_287 = arith.mulf %get3A_249, %unpack3A_284 : vector<16xf32>
        %add3A_288 = arith.addf %add3A_228, %mul3A_287 : vector<16xf32>
        %gather3A_289 = tpu.vector_load_idx %arg11[%shift_right_logical3A_252] : memref<16384xi32, #tpu.memory_space<vmem>>[vector<16xi32>], vector<16xi32>,
        %gather3A_290 = tpu.vector_load_idx %arg11[%and3A_255] : memref<16384xi32, #tpu.memory_space<vmem>>[vector<16xi32>], vector<16xi32>,
        %bitcast3A_291 = vector.bitcast %gather3A_289 : vector<16xi32> to vector<32xbf16>
        %bitcast3A_292 = vector.bitcast %gather3A_290 : vector<16xi32> to vector<32xbf16>
        %mul3A_293 = arith.mulf %bitcast3A_291, %bitcast3A_292 : vector<32xbf16>
        %unpack3A_294 = tpu.unpack_subelements %mul3A_293, 0 {pack_format = #tpu.pack_format<interleaved>} : vector<32xbf16> -> vector<16xf32>
        %unpack3A_295 = tpu.unpack_subelements %mul3A_293, 1 {pack_format = #tpu.pack_format<interleaved>} : vector<32xbf16> -> vector<16xf32>
        %mul3A_296 = arith.mulf %get3A_249, %unpack3A_294 : vector<16xf32>
        %add3A_297 = arith.addf %add3A_237, %mul3A_296 : vector<16xf32>
        %mul3A_298 = arith.mulf %get3A_249, %unpack3A_295 : vector<16xf32>
        %add3A_299 = arith.addf %add3A_239, %mul3A_298 : vector<16xf32>
        %mul3A_300 = arith.constant 4 : i32
        %mul3A_301 = arith.muli %scan3A_116, %mul3A_300 : i32
        %add3A_302 = arith.constant 3 : i32
        %add3A_303 = arith.addi %mul3A_301, %add3A_302 : i32
        %mul3A_304 = arith.constant 16 : i32
        %mul3A_305 = arith.muli %add3A_303, %mul3A_304 : i32
        %get3A_306 = arith.index_cast %mul3A_305 : i32 to index
        %get3A_307 = tpu.vector_load %arg13[%get3A_306] {strides = array<i32>} : memref<4096xi32, #tpu.memory_space<vmem>>, vector<16xi32>,
        %get3A_308 = arith.index_cast %mul3A_305 : i32 to index
        %get3A_309 = tpu.vector_load %arg15[%get3A_308] {strides = array<i32>} : memref<4096xf32, #tpu.memory_space<vmem>>, vector<16xf32>,
        %shift_right_logical3A_310 = arith.constant 14 : i32
        %shift_right_logical3A_311 = vector.broadcast %shift_right_logical3A_310 : i32 to vector<16xi32>
        %shift_right_logical3A_312 = arith.shrui %get3A_307, %shift_right_logical3A_311 : vector<16xi32>
        %and3A_313 = arith.constant 16383 : i32
        %and3A_314 = vector.broadcast %and3A_313 : i32 to vector<16xi32>
        %and3A_315 = arith.andi %get3A_307, %and3A_314 : vector<16xi32>
        %gather3A_316 = tpu.vector_load_idx %arg8[%shift_right_logical3A_312] : memref<16384xi32, #tpu.memory_space<vmem>>[vector<16xi32>], vector<16xi32>,
        %gather3A_317 = tpu.vector_load_idx %arg8[%and3A_315] : memref<16384xi32, #tpu.memory_space<vmem>>[vector<16xi32>], vector<16xi32>,
        %bitcast3A_318 = vector.bitcast %gather3A_316 : vector<16xi32> to vector<32xbf16>
        %bitcast3A_319 = vector.bitcast %gather3A_317 : vector<16xi32> to vector<32xbf16>
        %mul3A_320 = arith.mulf %bitcast3A_318, %bitcast3A_319 : vector<32xbf16>
        %unpack3A_321 = tpu.unpack_subelements %mul3A_320, 0 {pack_format = #tpu.pack_format<interleaved>} : vector<32xbf16> -> vector<16xf32>
        %unpack3A_322 = tpu.unpack_subelements %mul3A_320, 1 {pack_format = #tpu.pack_format<interleaved>} : vector<32xbf16> -> vector<16xf32>
        %mul3A_323 = arith.mulf %get3A_309, %unpack3A_321 : vector<16xf32>
        %add3A_324 = arith.addf %add3A_264, %mul3A_323 : vector<16xf32>
        %mul3A_325 = arith.mulf %get3A_309, %unpack3A_322 : vector<16xf32>
        %add3A_326 = arith.addf %add3A_266, %mul3A_325 : vector<16xf32>
        %gather3A_327 = tpu.vector_load_idx %arg9[%shift_right_logical3A_312] : memref<16384xi32, #tpu.memory_space<vmem>>[vector<16xi32>], vector<16xi32>,
        %gather3A_328 = tpu.vector_load_idx %arg9[%and3A_315] : memref<16384xi32, #tpu.memory_space<vmem>>[vector<16xi32>], vector<16xi32>,
        %bitcast3A_329 = vector.bitcast %gather3A_327 : vector<16xi32> to vector<32xbf16>
        %bitcast3A_330 = vector.bitcast %gather3A_328 : vector<16xi32> to vector<32xbf16>
        %mul3A_331 = arith.mulf %bitcast3A_329, %bitcast3A_330 : vector<32xbf16>
        %unpack3A_332 = tpu.unpack_subelements %mul3A_331, 0 {pack_format = #tpu.pack_format<interleaved>} : vector<32xbf16> -> vector<16xf32>
        %unpack3A_333 = tpu.unpack_subelements %mul3A_331, 1 {pack_format = #tpu.pack_format<interleaved>} : vector<32xbf16> -> vector<16xf32>
        %mul3A_334 = arith.mulf %get3A_309, %unpack3A_332 : vector<16xf32>
        %add3A_335 = arith.addf %add3A_275, %mul3A_334 : vector<16xf32>
        %mul3A_336 = arith.mulf %get3A_309, %unpack3A_333 : vector<16xf32>
        %add3A_337 = arith.addf %add3A_277, %mul3A_336 : vector<16xf32>
        %gather3A_338 = tpu.vector_load_idx %arg10[%shift_right_logical3A_312] : memref<16384xi32, #tpu.memory_space<vmem>>[vector<16xi32>], vector<16xi32>,
        %gather3A_339 = tpu.vector_load_idx %arg10[%and3A_315] : memref<16384xi32, #tpu.memory_space<vmem>>[vector<16xi32>], vector<16xi32>,
        %bitcast3A_340 = vector.bitcast %gather3A_338 : vector<16xi32> to vector<32xbf16>
        %bitcast3A_341 = vector.bitcast %gather3A_339 : vector<16xi32> to vector<32xbf16>
        %mul3A_342 = arith.mulf %bitcast3A_340, %bitcast3A_341 : vector<32xbf16>
        %unpack3A_343 = tpu.unpack_subelements %mul3A_342, 0 {pack_format = #tpu.pack_format<interleaved>} : vector<32xbf16> -> vector<16xf32>
        %unpack3A_344 = tpu.unpack_subelements %mul3A_342, 1 {pack_format = #tpu.pack_format<interleaved>} : vector<32xbf16> -> vector<16xf32>
        %mul3A_345 = arith.mulf %get3A_309, %unpack3A_343 : vector<16xf32>
        %add3A_346 = arith.addf %add3A_286, %mul3A_345 : vector<16xf32>
        %mul3A_347 = arith.mulf %get3A_309, %unpack3A_344 : vector<16xf32>
        %add3A_348 = arith.addf %add3A_288, %mul3A_347 : vector<16xf32>
        %gather3A_349 = tpu.vector_load_idx %arg11[%shift_right_logical3A_312] : memref<16384xi32, #tpu.memory_space<vmem>>[vector<16xi32>], vector<16xi32>,
        %gather3A_350 = tpu.vector_load_idx %arg11[%and3A_315] : memref<16384xi32, #tpu.memory_space<vmem>>[vector<16xi32>], vector<16xi32>,
        %bitcast3A_351 = vector.bitcast %gather3A_349 : vector<16xi32> to vector<32xbf16>
        %bitcast3A_352 = vector.bitcast %gather3A_350 : vector<16xi32> to vector<32xbf16>
        %mul3A_353 = arith.mulf %bitcast3A_351, %bitcast3A_352 : vector<32xbf16>
        %unpack3A_354 = tpu.unpack_subelements %mul3A_353, 0 {pack_format = #tpu.pack_format<interleaved>} : vector<32xbf16> -> vector<16xf32>
        %unpack3A_355 = tpu.unpack_subelements %mul3A_353, 1 {pack_format = #tpu.pack_format<interleaved>} : vector<32xbf16> -> vector<16xf32>
        %mul3A_356 = arith.mulf %get3A_309, %unpack3A_354 : vector<16xf32>
        %add3A_357 = arith.addf %add3A_297, %mul3A_356 : vector<16xf32>
        %mul3A_358 = arith.mulf %get3A_309, %unpack3A_355 : vector<16xf32>
        %add3A_359 = arith.addf %add3A_299, %mul3A_358 : vector<16xf32>
        scf.yield %add3A_324, %add3A_326, %add3A_335, %add3A_337, %add3A_346, %add3A_348, %add3A_357, %add3A_359 : vector<16xf32>, vector<16xf32>, vector<16xf32>, vector<16xf32>, vector<16xf32>, vector<16xf32>, vector<16xf32>, vector<16xf32>
      }
      %scan3A_115 = arith.constant 64 : i32
      scf.yield %scan3A_114#0, %scan3A_114#1, %scan3A_114#2, %scan3A_114#3, %scan3A_114#4, %scan3A_114#5, %scan3A_114#6, %scan3A_114#7 : vector<16xf32>, vector<16xf32>, vector<16xf32>, vector<16xf32>, vector<16xf32>, vector<16xf32>, vector<16xf32>, vector<16xf32>
    } else {
      scf.yield %while3A_69#0, %while3A_69#1, %while3A_69#2, %while3A_69#3, %while3A_69#4, %while3A_69#5, %while3A_69#6, %while3A_69#7 : vector<16xf32>, vector<16xf32>, vector<16xf32>, vector<16xf32>, vector<16xf32>, vector<16xf32>, vector<16xf32>, vector<16xf32>
    }
    %swap3A = arith.constant 0 : i32
    %swap3A_72 = arith.index_cast %swap3A : i32 to index
    %swap3A_73 = arith.constant 0 : index
    %swap3A_74 = tpu.vector_load %arg16[%swap3A_72, %swap3A_73] {strides = array<i32>} : memref<8x16xf32, #tpu.memory_space<vmem>>, vector<16xf32>,
    tpu.vector_store %arg16[%swap3A_72, %swap3A_73], %cond3A_71#0 {strides = array<i32>} : memref<8x16xf32, #tpu.memory_space<vmem>>, vector<16xf32>,
    %swap3A_75 = arith.constant 1 : i32
    %swap3A_76 = arith.index_cast %swap3A_75 : i32 to index
    %swap3A_77 = arith.constant 0 : index
    %swap3A_78 = tpu.vector_load %arg16[%swap3A_76, %swap3A_77] {strides = array<i32>} : memref<8x16xf32, #tpu.memory_space<vmem>>, vector<16xf32>,
    tpu.vector_store %arg16[%swap3A_76, %swap3A_77], %cond3A_71#1 {strides = array<i32>} : memref<8x16xf32, #tpu.memory_space<vmem>>, vector<16xf32>,
    %swap3A_79 = arith.constant 2 : i32
    %swap3A_80 = arith.index_cast %swap3A_79 : i32 to index
    %swap3A_81 = arith.constant 0 : index
    %swap3A_82 = tpu.vector_load %arg16[%swap3A_80, %swap3A_81] {strides = array<i32>} : memref<8x16xf32, #tpu.memory_space<vmem>>, vector<16xf32>,
    tpu.vector_store %arg16[%swap3A_80, %swap3A_81], %cond3A_71#2 {strides = array<i32>} : memref<8x16xf32, #tpu.memory_space<vmem>>, vector<16xf32>,
    %swap3A_83 = arith.constant 3 : i32
    %swap3A_84 = arith.index_cast %swap3A_83 : i32 to index
    %swap3A_85 = arith.constant 0 : index
    %swap3A_86 = tpu.vector_load %arg16[%swap3A_84, %swap3A_85] {strides = array<i32>} : memref<8x16xf32, #tpu.memory_space<vmem>>, vector<16xf32>,
    tpu.vector_store %arg16[%swap3A_84, %swap3A_85], %cond3A_71#3 {strides = array<i32>} : memref<8x16xf32, #tpu.memory_space<vmem>>, vector<16xf32>,
    %swap3A_87 = arith.constant 4 : i32
    %swap3A_88 = arith.index_cast %swap3A_87 : i32 to index
    %swap3A_89 = arith.constant 0 : index
    %swap3A_90 = tpu.vector_load %arg16[%swap3A_88, %swap3A_89] {strides = array<i32>} : memref<8x16xf32, #tpu.memory_space<vmem>>, vector<16xf32>,
    tpu.vector_store %arg16[%swap3A_88, %swap3A_89], %cond3A_71#4 {strides = array<i32>} : memref<8x16xf32, #tpu.memory_space<vmem>>, vector<16xf32>,
    %swap3A_91 = arith.constant 5 : i32
    %swap3A_92 = arith.index_cast %swap3A_91 : i32 to index
    %swap3A_93 = arith.constant 0 : index
    %swap3A_94 = tpu.vector_load %arg16[%swap3A_92, %swap3A_93] {strides = array<i32>} : memref<8x16xf32, #tpu.memory_space<vmem>>, vector<16xf32>,
    tpu.vector_store %arg16[%swap3A_92, %swap3A_93], %cond3A_71#5 {strides = array<i32>} : memref<8x16xf32, #tpu.memory_space<vmem>>, vector<16xf32>,
    %swap3A_95 = arith.constant 6 : i32
    %swap3A_96 = arith.index_cast %swap3A_95 : i32 to index
    %swap3A_97 = arith.constant 0 : index
    %swap3A_98 = tpu.vector_load %arg16[%swap3A_96, %swap3A_97] {strides = array<i32>} : memref<8x16xf32, #tpu.memory_space<vmem>>, vector<16xf32>,
    tpu.vector_store %arg16[%swap3A_96, %swap3A_97], %cond3A_71#6 {strides = array<i32>} : memref<8x16xf32, #tpu.memory_space<vmem>>, vector<16xf32>,
    %swap3A_99 = arith.constant 7 : i32
    %swap3A_100 = arith.index_cast %swap3A_99 : i32 to index
    %swap3A_101 = arith.constant 0 : index
    %swap3A_102 = tpu.vector_load %arg16[%swap3A_100, %swap3A_101] {strides = array<i32>} : memref<8x16xf32, #tpu.memory_space<vmem>>, vector<16xf32>,
    tpu.vector_store %arg16[%swap3A_100, %swap3A_101], %cond3A_71#7 {strides = array<i32>} : memref<8x16xf32, #tpu.memory_space<vmem>>, vector<16xf32>,
    "tpu.region"() ({
      %run_scoped3A = tpu.sem_alloc : memref<!tpu.dma_semaphore, #tpu.memory_space<semaphore_mem>>
      %dma_start3A_103 = arith.constant 0 : i32
      %dma_start3A_104 = arith.constant 0 : i32
      %dma_start3A_105 = tpu.memref_slice %arg7[%add3A, %dma_start3A_103, %dma_start3A_104] : memref<32x8x16xf32, #tpu.memory_space<hbm>> -> memref<1x8x16xf32, #tpu.memory_space<hbm>>
      %dma_start3A_106 = tpu.memref_squeeze %dma_start3A_105 : memref<1x8x16xf32, #tpu.memory_space<hbm>> -> memref<8x16xf32, #tpu.memory_space<hbm>>
      %dma_start3A_107 = arith.constant 0 : i32
      %dma_start3A_108 = arith.constant 0 : i32
      %dma_start3A_109 = tpu.memref_slice %arg7[%add3A, %dma_start3A_107, %dma_start3A_108] : memref<32x8x16xf32, #tpu.memory_space<hbm>> -> memref<1x8x16xf32, #tpu.memory_space<hbm>>
      %dma_start3A_110 = tpu.memref_squeeze %dma_start3A_109 : memref<1x8x16xf32, #tpu.memory_space<hbm>> -> memref<8x16xf32, #tpu.memory_space<hbm>>
      tpu.enqueue_dma source(%arg16 : memref<8x16xf32, #tpu.memory_space<vmem>>) target(%dma_start3A_110 : memref<8x16xf32, #tpu.memory_space<hbm>>) target_semaphore(%run_scoped3A : memref<!tpu.dma_semaphore, #tpu.memory_space<semaphore_mem>>)
      %dma_wait3A = arith.constant 0 : i32
      %dma_wait3A_111 = arith.constant 0 : i32
      %dma_wait3A_112 = tpu.memref_slice %arg7[%add3A, %dma_wait3A, %dma_wait3A_111] : memref<32x8x16xf32, #tpu.memory_space<hbm>> -> memref<1x8x16xf32, #tpu.memory_space<hbm>>
      %dma_wait3A_113 = tpu.memref_squeeze %dma_wait3A_112 : memref<1x8x16xf32, #tpu.memory_space<hbm>> -> memref<8x16xf32, #tpu.memory_space<hbm>>
      %dma_wait3A_114 = arith.constant 0 : i32
      %dma_wait3A_115 = arith.constant 0 : i32
      %dma_wait3A_116 = tpu.memref_slice %arg7[%add3A, %dma_wait3A_114, %dma_wait3A_115] : memref<32x8x16xf32, #tpu.memory_space<hbm>> -> memref<1x8x16xf32, #tpu.memory_space<hbm>>
      %dma_wait3A_117 = tpu.memref_squeeze %dma_wait3A_116 : memref<1x8x16xf32, #tpu.memory_space<hbm>> -> memref<8x16xf32, #tpu.memory_space<hbm>>
      tpu.wait_dma2 semaphore(%run_scoped3A : memref<!tpu.dma_semaphore, #tpu.memory_space<semaphore_mem>>) src(%arg16 : memref<8x16xf32, #tpu.memory_space<vmem>>) dst(%dma_wait3A_117 : memref<8x16xf32, #tpu.memory_space<hbm>>)
      tpu.yield
    }) : () -> ()
    return
  }
}

</mosaic_0001>

<sc_bundles>
// kernel: _sc_partials.3.cloned.1.call-start
scs
__scs_entry_jumppad:
0x0: {  	(pc) =	sbr.rel $0x88, $3  }
0x1: {  	(tag) =	ssettag $0x0;
	lr =	simm.s32 $0x1  }
0x2: {  	[smem:$0x3F9C] =	sst lr;
	_ =	strace $0xD0000000  }
0x3: {  	_ = 	snop  }
0x4: {  	_ = 	snop  }
0x5: {  	_ = 	snop  }
0x6: {  	_ = 	snop  }
0x7: {  	_ = 	snop  }
__scs_overlays_trampoline_lowered:
0x8: {  	[smem:$0x3FAB] =	sst s0  }
0x9: {  	[smem:$0x3FAC] =	sst s1  }
0xa: {  	[smem:$0x3FAD] =	sst s2  }
0xb: {  	[smem:$0x3FAE] =	sst s3  }
0xc: {  	[smem:$0x3FAF] =	sst s4  }
0xd: {  	[smem:$0x3FB0] =	sst s5  }
0xe: {  	[smem:$0x3FB1] =	sst s6  }
0xf: {  	[smem:$0x3FB2] =	sst s7  }
0x10: {  	[smem:$0x3FB3] =	sst s8  }
0x11: {  	[smem:$0x3FB4] =	sst s9;
	s0 =	simm.s32 @!p0 $0x0  }
0x12: {  	s1 =	sld [smem:$0x3F9A];
	s0 =	simm.s32 @p0 $0x1  }
0x13: {  	[smem:$0x3FB5] =	sst s0;
	s0 =	simm.s32 @!p1 $0x0  }
0x14: {  	s2 =	sld [smem:$0x3F99];
	s0 =	simm.s32 @p1 $0x1  }
0x15: {  	[smem:$0x3FB6] =	sst s0;
	s0 =	simm.s32 @!p2 $0x0  }
0x16: {  	s3 =	sld [smem:$0x3FDB];
	s0 =	simm.s32 @p2 $0x1  }
0x17: {  	s4 =	simm.s32 $0x1BF5;
	[smem:$0x3FB8] =	sst s0  }
0x18: {  	s0 =	sld [smem:$0x3F9B];
	_ =	swait.ge [sflag:s4], $0x0  }
0x19: {  	s7 =	sld [smem:$0x3F9C]  }
0x1a: {  	s8 =	sadd.s32 $0xFFFFE003, lr  }
0x1b: {  	s9 =	sadd.s32 $0xFFFFFEF7, lr;
	s5 =	simm.s32 $0xFFFFFFFF;
	p2 =	slt.u32 s8, $0xFFFFF086  }
0x1c: {  	p1 =	slt.u32 s9, $0xF7A;
	s5 =	simm.s32 @!p2 $0x0  }
0x1d: {  	s5 =	simm.s32 @p1 $0x1;
	p0 =	seq.s32 s7, s2  }
0x1e: {  	s7 =	smul.u32 @!p0 $0xF7A, s2;
	p2 =	seq.s32 @!p0 s5, $0x0  }
0x1f: {  	s9 =	smul.u32 $0xF7A, s1;
	s8 =	simm.s32 @!p0 $0x1BF5;
	p2 =	por !p2, p0  }
0x20: {  	[sflag:s8] =	ssyncset.s32 @!p0 $0xFFFFF086;
	s6 =	sadd.s32 @!p0 s3, s7;
	s7 =	simm.s32 @!p0 $0x108  }
0x21: {  	s3 =	sadd.s32 s3, s9;
	s6 =	sadd.s32 @!p0 $0x88, s6;
	s7 =	simm.s32 @p2 $0x1082  }
0x22: {  	[simem:s7], [sflag:s8] =	dma.local @!p0 [hbm:s6], $0xF7A  }
0x23: {  	s9 =	sor.u32 $0xD0000000, s2;
	s6 =	simm.s32 $0x108;
	_ =	swait.ge @!p0 [sflag:s8], $0x0  }
0x24: {  	s3 =	sadd.s32 $0x88, s3;
	s6 =	simm.s32 @!p1 $0x1082;
	[sflag:s4] =	ssyncset.s32 $0xFFFFF086  }
0x25: {  	[simem:s6], [sflag:s4] =	dma.local [hbm:s3], $0xF7A  }
0x26: {  	[smem:$0x3F9C] =	sst s1;
	(tag) =	ssettag s2;
	_ =	strace s9  }
0x27: {  	s1 =	sld [smem:$0x3FAC]  }
0x28: {  	s2 =	sld [smem:$0x3FAD]  }
0x29: {  	s4 =	sld [smem:$0x3FAF]  }
0x2a: {  	p0 =	seq.s32 s5, $0x0;
	s5 =	sld [smem:$0x3FB0]  }
0x2b: {  	s6 =	sld [smem:$0x3FB1]  }
0x2c: {  	s7 =	sld [smem:$0x3FB2]  }
0x2d: {  	s3 =	simm.s32 $0x108;
	s8 =	sld [smem:$0x3FB3]  }
0x2e: {  	s3 =	simm.s32 @!p0 $0x1082;
	s9 =	sld [smem:$0x3FB4]  }
0x2f: {  	lr =	sadd.s32 s0, s3;
	s0 =	sld [smem:$0x3FAB]  }
0x30: {  	s3 =	sld [smem:$0x3FAE]  }
0x31: {  	[smem:$0x3FB7] =	sst s10  }
0x32: {  	s10 =	sld [smem:$0x3FB5];
	_ =	sdelay $0x3  }
0x33: {  	p0 =	seq.s32 s10, $0x1;
	s10 =	sld [smem:$0x3FB7];
	_ =	sdelay $0x3  }
0x34: {  	[smem:$0x3FB7] =	sst s10  }
0x35: {  	s10 =	sld [smem:$0x3FB6];
	_ =	sdelay $0x3  }
0x36: {  	p1 =	seq.s32 s10, $0x1;
	s10 =	sld [smem:$0x3FB7];
	_ =	sdelay $0x3  }
0x37: {  	[smem:$0x3FB7] =	sst s10  }
0x38: {  	s10 =	sld [smem:$0x3FB8]  }
0x39: {  	_ = 	snop;
	(pc) =	sbr.ind lr, $3  }
0x3a: {  	_ = 	snop  }
0x3b: {  	_ = 	snop  }
0x3c: {  	p2 =	seq.s32 s10, $0x1;
	s10 =	sld [smem:$0x3FB7]  }
0x3d: {  	_ =	shalt  }
0x3e: {  	_ =	shalt  }
0x3f: {  	_ =	shalt  }
0x40: {  	_ =	shalt  }
0x41: {  	_ =	shalt  }
0x42: {  	_ =	shalt  }
0x43: {  	_ =	shalt  }
0x44: {  	_ =	shalt  }
0x45: {  	_ =	shalt  }
0x46: {  	_ =	shalt  }
0x47: {  	_ =	shalt  }
0x48: {  	_ =	shalt  }
0x49: {  	_ =	shalt  }
0x4a: {  	_ =	shalt  }
0x4b: {  	_ =	shalt  }
0x4c: {  	_ =	shalt  }
0x4d: {  	_ =	shalt  }
0x4e: {  	_ =	shalt  }
0x4f: {  	_ =	shalt  }
0x50: {  	_ =	shalt  }
0x51: {  	_ =	shalt  }
0x52: {  	_ =	shalt  }
0x53: {  	_ =	shalt  }
0x54: {  	_ =	shalt  }
0x55: {  	_ =	shalt  }
0x56: {  	_ =	shalt  }
0x57: {  	_ =	shalt  }
0x58: {  	_ =	shalt  }
0x59: {  	_ =	shalt  }
0x5a: {  	_ =	shalt  }
0x5b: {  	_ =	shalt  }
0x5c: {  	_ =	shalt  }
0x5d: {  	_ =	shalt  }
0x5e: {  	_ =	shalt  }
0x5f: {  	_ =	shalt  }
0x60: {  	_ =	shalt  }
0x61: {  	_ =	shalt  }
0x62: {  	_ =	shalt  }
0x63: {  	_ =	shalt  }
0x64: {  	_ =	shalt  }
0x65: {  	_ =	shalt  }
0x66: {  	_ =	shalt  }
0x67: {  	_ =	shalt  }
0x68: {  	_ =	shalt  }
0x69: {  	_ =	shalt  }
0x6a: {  	_ =	shalt  }
0x6b: {  	_ =	shalt  }
0x6c: {  	_ =	shalt  }
0x6d: {  	_ =	shalt  }
0x6e: {  	_ =	shalt  }
0x6f: {  	_ =	shalt  }
0x70: {  	_ =	shalt  }
0x71: {  	_ =	shalt  }
0x72: {  	_ =	shalt  }
0x73: {  	_ =	shalt  }
0x74: {  	_ =	shalt  }
0x75: {  	_ =	shalt  }
0x76: {  	_ =	shalt  }
0x77: {  	_ =	shalt  }
0x78: {  	_ =	shalt  }
0x79: {  	_ =	shalt  }
0x7a: {  	_ =	shalt  }
0x7b: {  	_ =	shalt  }
0x7c: {  	_ =	shalt  }
0x7d: {  	_ =	shalt  }
0x7e: {  	_ =	shalt  }
0x7f: {  	_ =	shalt  }
0x80: {  	_ =	shalt  }
0x81: {  	_ =	shalt  }
0x82: {  	_ =	shalt  }
0x83: {  	_ =	shalt  }
0x84: {  	_ =	shalt  }
0x85: {  	_ =	shalt  }
0x86: {  	_ =	shalt  }
0x87: {  	_ =	shalt  }
.Lfunc_end0:
.L_simem_size_0:
called_computation_lowered:
.L_overlay_start_0:
0x88: {  	s2 =	sld [smem:$0x3FD9]  }
0x89: {  	s3 =	sld [smem:$0x3FFE];
	_ =	sdelay $0x1  }
0x8a: {  	s1 =	srdreg.scid  }
0x8b: {  	s0 =	sand.u32 $0x1, s1  }
0x8c: {  	s17 =	sshll.u32 s0, $0xA;
	s2 =	sadd.s32 s3, s2  }
0x8d: {  	s2 =	sadd.s32 s2, s17  }
0x8e: {  	[smem:$0x3FC3] =	sst s2  }
0x8f: {  	_ = 	snop  }
0x90: {  	s2 =	sld [smem:$0x3FC9]  }
0x91: {  	s18 =	sld [smem:$0x3FC8]  }
0x92: {  	s4 =	sld [smem:$0x3FC7]  }
0x93: {  	s5 =	sld [smem:$0x3FC6]  }
0x94: {  	s6 =	sld [smem:$0x3FC5];
	(tm) =	ssettm $0x1  }
0x95: {  	s7 =	sld [smem:$0x3FFB];
	_ =	sdelay $0x3  }
0x96: {  	_ =	strace s7  }
0x97: {  	s7 =	sld [smem:$0x3FFC];
	_ =	sdelay $0x3  }
0x98: {  	_ =	strace s7  }
0x99: {  	s7 =	sld [smem:$0x3FFD];
	_ =	sdelay $0x3  }
0x9a: {  	_ =	strace s7  }
0x9b: {  	_ =	strace $0x8FFFFFFF  }
0x9c: {  	s19 =	sld [smem:$0x3FDB];
	_ =	sdelay $0x1  }
0x9d: {  	s8 =	simm.s32 $_scs_section_size  }
0x9e: {  	s9 =	simm.s32 $_size__tile_overlayer_lowered;
	s10 =	simm.s32 $_tile_overlayer_lowered  }
0x9f: {  	s22 =	simm.s32 $0x1BFF;
	s21 =	sshll.u32 s10, $0x1;
	s7 =	sadd.s32 s8, s19  }
0xa0: {  	s11 =	simm.s32 $0x0;
	s20 =	sshll.u32 s9, $0x1;
	s9 =	sadd.s32 s21, s7  }
0xa1: {  	[timem:s11], [sflag:s22] =	dma.local [hbm:s9], s20  }
0xa2: {  	_ =	swait.ge [sflag:s22], s20  }
0xa3: {  	s8 =	ssub.s32 $0x0, s20;
	[sflag:s22] =	ssyncset.done $0x0  }
0xa4: {  	[sflag:s22] =	ssyncadd.s32 s8;
	_ =	sdelay $0x1  }
0xa5: {  	s23 =	simm.s32 $0x1B8B  }
0xa6: {  	_ =	swait.ge [sflag:s23], $0x1  }
0xa7: {  	[sflag:s23] =	ssyncset.done $0x0  }
0xa8: {  	s25 =	simm.s32 $0x1B8E;
	s24 =	sld [smem:$0x3FFE];
	[sflag:s23] =	ssyncadd.s32 $0xFFFFFFFF  }
0xa9: {  	s26 =	simm.s32 $execute0_lowered;
	[smem:$0x3FD2] =	sst s25  }
0xaa: {  	s9 =	sshll.u32 s26, $0x1;
	_ =	strace $0x80000046;
	[dreg:$0x1] =	wrdreg $0xFFFFFFFF  }
0xab: {  	s28 =	simm.s32 $_size_execute0_lowered;
	s7 =	sadd.s32 s7, s9;
	[dreg:$0x0] =	wrdreg $0x0  }
0xac: {  	s9 =	sshll.u32 s28, $0x1;
	[dreg:$0x2] =	wrdreg s7  }
0xad: {  	[dreg:$0x3] =	wrdreg s9  }
0xae: {  	[dreg:$0x4] =	wrdreg $0xC0  }
0xaf: {  	_ =	task [dreg:s11], $0x5FFFF  }
0xb0: {  	[dreg:$0x1] =	wrdreg $0xFFFFFFFF  }
0xb1: {  	[dreg:$0x0] =	wrdreg $0x60  }
0xb2: {  	[dreg:$0x2] =	wrdreg s2  }
0xb3: {  	[dreg:$0x3] =	wrdreg s18  }
0xb4: {  	[dreg:$0x4] =	wrdreg s4  }
0xb5: {  	[dreg:$0x5] =	wrdreg s5  }
0xb6: {  	[dreg:$0x6] =	wrdreg s6  }
0xb7: {  	[dreg:$0x7] =	wrdreg s24  }
0xb8: {  	[dreg:$0x8] =	wrdreg $0x9  }
0xb9: {  	_ =	task.clear_ibuf [dreg:s11], $0x9FFFF;
	_ =	strace $0x90000046  }
0xba: {  	s29 =	simm.s32 $0x9;
	_ =	strace $0x80000048  }
0xbb: {  	_ =	swait.ge [sflag:s29], $0x1  }
0xbc: {  	[sflag:s29] =	ssyncadd.s32 $0xFFFFFFFF  }
0xbd: {  	_ =	strace $0x90000048  }
0xbe: {  	_ =	sfence  }
0xbf: {  	s30 =	sld [smem:$0x0];
	_ =	sdelay $0x2  }
0xc0: {  	s31 =	sshll.u32 s1, $0xD;
	s1 =	sshrl.u32 s1, $0x2  }
0xc1: {  	s3 =	sand.u32 $0x4000, s31;
	s1 =	sadd.s32 s1, s30  }
0xc2: {  	s0 =	sor.u32 s3, s0;
	s1 =	sshll.u32 s1, $0x11  }
0xc3: {  	s0 =	sor.u32 s1, s0  }
0xc4: {  	s0 =	sadd.s32 $0x8F2B, s0  }
0xc5: {  	[sflag:s0] =	ssyncadd.remote.s32 $0x1  }
0xc6: {  	_ =	sfence.sel $0xFFFF  }
0xc7: {  	[dreg:$0x0] =	wrdreg $0xFFFFFFFF;
	(pc) =	sbr.abs _section_cstart, $3  }
0xc8: {  	[dreg:$0x1] =	wrdreg $0xFFFFFFFF  }
0xc9: {  	_ =	task.clear_ibuf [dreg:s11], $0x2FFFF;
	_ =	strace $0x9FFFFFFF  }
0xca: {  	(tm) =	ssettm $0x7FFFFFFF  }
0xcb: {  	_ =	shalt  }
tec
execute0_lowered:
.L_overlay_start_1:
0x0: {  	(tag) =	ssettag $0x1  }
0x1: {  	s0 =	rddreg [dreg:$0x0]  }
0x2: {  	s1 =	rddreg [dreg:$0x1]  }
0x3: {  	s2 =	rddreg [dreg:$0x2]  }
0x4: {  	s3 =	rddreg [dreg:$0x5];
	s6 =	simm.s32 $0x0  }
0x5: {  	s4 =	srdreg.scid;
	s16 =	stileid.u32;
	s10 =	simm.s32 $0xE  }
0x6: {  	s20 =	simm.s32 $0x80;
	s21 =	simm.s32 $0x400;
	s29 =	simm.s32 $0x11000  }
0x7: {  	s30 =	simm.s32 $0x13000;
	s31 =	simm.s32 $0x1;
	[smem:$0x7FF] =	sst s6  }
0x8: {  	s4 =	sand.u32 $0x1, s4;
	s7 =	sshll.u32 s16, $0x7;
	s24 =	smul.u32 $0x5400, s16  }
0x9: {  	p0 =	seq.s32 s16, $0xF;
	s25 =	smul.u32 $0x2A000, s16;
	s26 =	sadd.s32 $0x52400, s1  }
0xa: {  	s28 =	sadd.s32 $0x52400, s2;
	_ =	strace $0x80000047;
	s5 =	sshll.u32 s4, $0xB  }
0xb: {  	s8 =	ssub.s32 $0x2, s4;
	s4 =	sshll.u32 s4, $0x6;
	[dreg:$0x8] =	wrdreg s26  }
0xc: {  	s10 =	simm.s32 @!p0 $0x15;
	[dreg:$0x9] =	wrdreg s28;
	p0 =	sne.s32 s16, $0xF  }
0xd: {  	s5 =	sor.u32 s7, s5;
	s22 =	sshrl.u32 s8, $0x1;
	s7 =	sadd.s32 s0, s4  }
0xe: {  	s12 =	sadd.s32 s1, s24;
	s13 =	sadd.s32 s2, s24;
	s14 =	sor.u32 $0x1000, s25  }
0xf: {  	s15 =	sadd.s32 $0x2000, s25;
	s24 =	simm.s32 $0x8000;
	s25 =	simm.s32 $0xC000  }
.Ltmp0:
0x10: {  	s4 =	simm.s32 $0x0;
	s3 =	sadd.s32 s5, s3;
	(pc) =	sbr.rel .LBB2_1-.Ltmp0, $4  }
0x11: {  	s23 =	ssub.s32 s8, s22;
	s0 =	sadd.s32 $0x10, s7;
	s9 =	sadd.s32 $0x20, s7  }
0x12: {  	s11 =	sadd.s32 $0x30, s7;
	s22 =	simm.s32 $0x5;
	s5 =	simm.s32 $0x3  }
0x13: {  	[dreg:$0x7] =	wrdreg s0;
	s18 =	sadd.s32 $0x400, s3;
	s19 =	smax.u32 s23, $0x1  }
0x14: {  	s23 =	simm.s32 $0x4000;
	s0 =	simm.s32 $0x2;
	s3 =	simm.s32 $0x4  }
.LBB2_14:
0x15: {  	[tilespmem:$0x14000] =	vst v5  }
0x16: {  	[tilespmem:$0x14080] =	vst v6  }
0x17: {  	[tilespmem:$0x14100] =	vst v1  }
0x18: {  	[tilespmem:$0x14180] =	vst v0  }
0x19: {  	[tilespmem:$0x14200] =	vst v4  }
0x1a: {  	[tilespmem:$0x14280] =	vst v2;
	s4 =	sadd.s32 $0x1, s4  }
0x1b: {  	[tilespmem:$0x14380] =	vst v15;
	p1 =	sne.s32 s4, s19  }
.Ltmp1:
0x1c: {  	s8 =	simm.s32 $0x14000;
	[tilespmem:$0x14300] =	vst v3;
	(pc) =	sbr.rel @!p1 .LBB2_15-.Ltmp1, $4  }
0x1d: {  	[hbm4b:s18+s6] =	stream.linear.scatter [tilespmem:s8], [sflag:$0x5], $0x400, $0x38;
	[tilespmem:$0x14400] =	vst v63  }
0x1e: {  	_ =	swait.ge [sflag:s22], $0x400  }
0x1f: {  	[sflag:s22] =	ssyncset.done $0x0  }
0x20: {  	[sflag:s22] =	ssyncadd.s32 $0xFFFFFC00  }
.LBB2_1:
0x21: {  	[tilespmem:s6], [sflag:$0x5] =	stream.strided.gather [hbm4b:s7+s20], $0x4000, s21, s20, $0x38;
	[tilespmem:$0x14400] =	vst v63  }
0x22: {  	_ =	swait.ge [sflag:s22], $0x4000  }
0x23: {  	[sflag:s22] =	ssyncset.done $0x0  }
0x24: {  	s8 =	rddreg [dreg:$0x7];
	[sflag:s22] =	ssyncadd.s32 $0xFFFFC000  }
0x25: {  	[tilespmem:s23], [sflag:$0x5] =	stream.strided.gather [hbm4b:s8+s20], $0x4000, s21, s20, $0x38;
	[tilespmem:$0x14400] =	vst v63  }
0x26: {  	_ =	swait.ge [sflag:s22], $0x4000  }
0x27: {  	[sflag:s22] =	ssyncset.done $0x0  }
0x28: {  	[sflag:s22] =	ssyncadd.s32 $0xFFFFC000  }
0x29: {  	[tilespmem:s24], [sflag:$0x5] =	stream.strided.gather [hbm4b:s9+s20], $0x4000, s21, s20, $0x38;
	[tilespmem:$0x14400] =	vst v63  }
0x2a: {  	_ =	swait.ge [sflag:s22], $0x4000  }
0x2b: {  	[sflag:s22] =	ssyncset.done $0x0  }
0x2c: {  	[sflag:s22] =	ssyncadd.s32 $0xFFFFC000  }
0x2d: {  	[tilespmem:s25], [sflag:$0x5] =	stream.strided.gather [hbm4b:s11+s20], $0x4000, s21, s20, $0x38;
	[tilespmem:$0x14400] =	vst v63  }
0x2e: {  	_ =	swait.ge [sflag:s22], $0x4000  }
0x2f: {  	[sflag:s22] =	ssyncset.done $0x0  }
0x30: {  	s26 =	simm.s32 $0x10000;
	[sflag:s22] =	ssyncadd.s32 $0xFFFFC000  }
0x31: {  	v15 =	vimm.f32 $0.0e+00;
	v3 =	vimm.f32 $0.0e+00;
	[tilespmem:s26], [sflag:$0x1] =	stream.linear.gather [hbm4b:s12+s6], $0x1000, $0x38;
	[tilespmem:$0x14400] =	vst v63  }
0x32: {  	s28 =	simm.s32 $0x12000;
	v2 =	vimm.f32 $0.0e+00;
	v4 =	vimm.f32 $0.0e+00;
	v0 =	vimm.f32 $0.0e+00;
	s16 =	simm.s32 $0x0  }
0x33: {  	v1 =	vimm.f32 $0.0e+00;
	v6 =	vimm.f32 $0.0e+00;
	v5 =	vimm.f32 $0.0e+00;
	[tilespmem:s28], [sflag:$0x2] =	stream.linear.gather [hbm4b:s13+s6], $0x1000, $0x38;
	[tilespmem:$0x14400] =	vst v63  }
.LBB2_3:
0x34: {  	s17 =	sshll.u32 s16, $0xD  }
0x35: {  	s26 =	sadd.s32 s17, s14  }
0x36: {  	s26 =	sshrl.u32 s26, $0x3  }
0x37: {  	s8 =	simm.s32 $0x0;
	s28 =	sadd.s32 s1, s26  }
0x38: {  	[tilespmem:s29], [sflag:$0x3] =	stream.linear.gather [hbm4b:s28+s8], $0x1000, $0x38;
	[tilespmem:$0x14400] =	vst v63  }
0x39: {  	s26 =	sadd.s32 s2, s26  }
0x3a: {  	[tilespmem:s30], [sflag:$0x4] =	stream.linear.gather [hbm4b:s26+s8], $0x1000, $0x38;
	[tilespmem:$0x14400] =	vst v63  }
0x3b: {  	_ =	swait.ge [sflag:s31], $0x1000  }
0x3c: {  	[sflag:s31] =	ssyncset.done $0x0  }
0x3d: {  	[sflag:s31] =	ssyncadd.s32 $0xFFFFF000  }
0x3e: {  	_ =	swait.ge [sflag:s0], $0x1000  }
0x3f: {  	[sflag:s0] =	ssyncset.done $0x0  }
0x40: {  	s28 =	simm.s32 $0x0;
	[sflag:s0] =	ssyncadd.s32 $0xFFFFF000  }
0x41: {  	v7 =	vld [tilespmem:s28+$0x10020];
	_ =	sdelay $0x2  }
0x42: {  	v13 =	vld [tilespmem:s28+$0x10000]  }
0x43: {  	v17 =	vld [tilespmem:s28+$0x10010]  }
0x44: {  	v8 =	vld [tilespmem:s28+$0x12030];
	v33 =	vand.u32 $0x3FFF, v7  }
0x45: {  	v10 =	vld [tilespmem:s28+$0x12020];
	v12 =	vshrl.u32 v7, $0xE  }
0x46: {  	v14 =	vld [tilespmem:s28+$0x12010]  }
0x47: {  	v18 =	vld [tilespmem:s28+$0x10030]  }
0x48: {  	v11 =	vld [tilespmem:s28+$0x12000]  }
0x49: {  	v7 =	vand.u32 $0x3FFF, v13;
	v9 =	vld.idx.msk [tilespmem:v33+s23+$0x0], $0xffff  }
0x4a: {  	v20 =	vand.u32 $0x3FFF, v17;
	v16 =	vld.idx.msk [tilespmem:v12+s6+$0x0], $0xffff  }
0x4b: {  	v21 =	vshrl.u32 v17, $0xE;
	v17 =	vld.idx.msk [tilespmem:v33+s6+$0x0], $0xffff  }
0x4c: {  	v22 =	vld.idx.msk [tilespmem:v33+s25+$0x0], $0xffff  }
0x4d: {  	v23 =	vshrl.u32 v13, $0xE;
	v24 =	vld.idx.msk [tilespmem:v12+s25+$0x0], $0xffff  }
0x4e: {  	v25 =	vld.idx.msk [tilespmem:v7+s25+$0x0], $0xffff  }
0x4f: {  	v26 =	vld.idx.msk [tilespmem:v20+s25+$0x0], $0xffff  }
0x50: {  	v13 =	vld.idx.msk [tilespmem:v21+s23+$0x0], $0xffff  }
0x51: {  	v27 =	vld.idx.msk [tilespmem:v21+s25+$0x0], $0xffff  }
0x52: {  	v29 =	vand.u32 $0x3FFF, v18;
	v32 =	vshrl.u32 v18, $0xE;
	v18 =	vld.idx.msk [tilespmem:v23+s25+$0x0], $0xffff  }
0x53: {  	v34 =	vld.idx.msk [tilespmem:v7+s6+$0x0], $0xffff  }
0x54: {  	v36 =	vld.idx.msk [tilespmem:v20+s24+$0x0], $0xffff  }
0x55: {  	v37 =	vld.idx.msk [tilespmem:v21+s24+$0x0], $0xffff  }
0x56: {  	v31 =	vld.idx.msk [tilespmem:v20+s6+$0x0], $0xffff  }
0x57: {  	v21 =	vld.idx.msk [tilespmem:v21+s6+$0x0], $0xffff  }
0x58: {  	v35 =	vld.idx.msk [tilespmem:v29+s25+$0x0], $0xffff  }
0x59: {  	v19 =	vld.idx.msk [tilespmem:v32+s23+$0x0], $0xffff  }
0x5a: {  	v40 =	vld.idx.msk [tilespmem:v23+s6+$0x0], $0xffff;
	v22 =	vmul.bf16 v22, v24;
	v18 =	vmul.bf16 v25, v18  }
0x5b: {  	v33 =	vld.idx.msk [tilespmem:v33+s24+$0x0], $0xffff;
	v26 =	vmul.bf16 v26, v27  }
0x5c: {  	v25 =	vld.idx.msk [tilespmem:v32+s25+$0x0], $0xffff;
	v21 =	vmul.bf16 v31, v21;
	v38 =	vunpack.i.u.bf16.f32 v22;
	v28 =	vunpack.i.u.bf16.f32 v18  }
0x5d: {  	v24 =	vld.idx.msk [tilespmem:v29+s23+$0x0], $0xffff;
	v22 =	vunpack.i.l.bf16.f32 v22;
	v18 =	vunpack.i.l.bf16.f32 v18;
	v30 =	vmul.f32 v28, v11  }
0x5e: {  	v27 =	vld.idx.msk [tilespmem:v32+s6+$0x0], $0xffff;
	v39 =	vmul.f32 v22, v10;
	v22 =	vunpack.i.u.bf16.f32 v26;
	v18 =	vmul.f32 v18, v11  }
0x5f: {  	v31 =	vld.idx.msk [tilespmem:v29+s24+$0x0], $0xffff;
	v26 =	vunpack.i.l.bf16.f32 v26;
	v22 =	vmul.f32 v22, v14;
	v15 =	vadd.f32 v30, v15  }
0x60: {  	v28 =	vld.idx.msk [tilespmem:v29+s6+$0x0], $0xffff;
	v26 =	vmul.f32 v26, v14;
	v3 =	vadd.f32 v18, v3  }
0x61: {  	v29 =	vmul.f32 v38, v10;
	v30 =	vld.idx.msk [tilespmem:v23+s23+$0x0], $0xffff;
	v63 =	vmul.bf16 v35, v25;
	v15 =	vadd.f32 v22, v15  }
0x62: {  	v36 =	vmul.bf16 v36, v37;
	v41 =	vunpack.i.l.bf16.f32 v21;
	v18 =	vld.idx.msk [tilespmem:v23+s24+$0x0], $0xffff;
	v3 =	vadd.f32 v26, v3  }
0x63: {  	v35 =	vld.idx.msk [tilespmem:v7+s23+$0x0], $0xffff;
	v22 =	vunpack.i.u.bf16.f32 v21;
	v21 =	vadd.f32 v29, v15;
	v15 =	vunpack.i.l.bf16.f32 v63  }
0x64: {  	v25 =	vld.idx.msk [tilespmem:v32+s24+$0x0], $0xffff;
	v29 =	vmul.bf16 v34, v40;
	v3 =	vadd.f32 v39, v3;
	v15 =	vmul.f32 v15, v8  }
0x65: {  	v26 =	vunpack.i.u.bf16.f32 v63;
	v23 =	vmul.f32 v22, v14;
	v22 =	vld.idx.msk [tilespmem:v20+s23+$0x0], $0xffff;
	v20 =	vmul.f32 v41, v14  }
0x66: {  	s26 =	simm.s32 $0x100;
	v32 =	vld.idx.msk [tilespmem:v12+s24+$0x0], $0xffff;
	v34 =	vunpack.i.u.bf16.f32 v29;
	v29 =	vunpack.i.l.bf16.f32 v29;
	v3 =	vadd.f32 v15, v3  }
.LBB2_4:
0x67: {  	s8 =	sshra.s32 s26, $0x2;
	p1 =	sne.s32 s26, $0x3F00;
	s26 =	sadd.s32 $0x100, s26;
	v16 =	vmul.bf16 v17, v16;
	v17 =	vld.idx.msk [tilespmem:v12+s23+$0x0], $0xffff;
	v12 =	vmul.bf16 v28, v27  }
0x68: {  	v27 =	vmul.bf16 v35, v30;
	v28 =	vunpack.i.u.bf16.f32 v36;
	v15 =	vld [tilespmem:s8+$0x10020]  }
0x69: {  	v19 =	vmul.bf16 v24, v19;
	v24 =	vmul.bf16 v31, v25;
	v30 =	vld [tilespmem:s8+$0x10000];
	v35 =	vunpack.i.l.bf16.f32 v12  }
0x6a: {  	v25 =	vunpack.i.l.bf16.f32 v36;
	v28 =	vmul.f32 v28, v14;
	v12 =	vunpack.i.u.bf16.f32 v12;
	v31 =	vld [tilespmem:s8+$0x10010]  }
0x6b: {  	v36 =	vunpack.i.u.bf16.f32 v16;
	v35 =	vmul.f32 v35, v8;
	v37 =	vunpack.i.u.bf16.f32 v24  }
0x6c: {  	v39 =	vmul.f32 v25, v14;
	v40 =	vmul.f32 v12, v8;
	v24 =	vunpack.i.l.bf16.f32 v24;
	v38 =	vld.idx.msk [tilespmem:v7+s24+$0x0], $0xffff  }
0x6d: {  	v13 =	vmul.bf16 v22, v13;
	v12 =	vshrl.u32 v15, $0xE;
	v15 =	vand.u32 $0x3FFF, v15;
	v41 =	vld [tilespmem:s8+$0x12030]  }
0x6e: {  	v34 =	vmul.f32 v34, v11;
	v25 =	vshrl.u32 v30, $0xE;
	v7 =	vand.u32 $0x3FFF, v30;
	v30 =	vld [tilespmem:s8+$0x12020]  }
0x6f: {  	v42 =	vld [tilespmem:s8+$0x12010];
	v43 =	vshrl.u32 v31, $0xE;
	v22 =	vand.u32 $0x3FFF, v31;
	v31 =	vmul.bf16 v33, v32  }
0x70: {  	v6 =	vadd.f32 v34, v6;
	v34 =	vmul.bf16 v9, v17;
	v33 =	vunpack.i.l.bf16.f32 v16;
	v32 =	vld [tilespmem:s8+$0x10030]  }
0x71: {  	v29 =	vmul.f32 v29, v11;
	v17 =	vmul.f32 v26, v8;
	v16 =	vunpack.i.u.bf16.f32 v27;
	v44 =	vld [tilespmem:s8+$0x12000]  }
0x72: {  	v6 =	vadd.f32 v23, v6;
	v23 =	vunpack.i.l.bf16.f32 v13;
	v26 =	vmul.f32 v16, v11;
	v9 =	vld.idx.msk [tilespmem:v15+s23+$0x0], $0xffff  }
0x73: {  	v46 =	vunpack.i.u.bf16.f32 v19;
	v45 =	vunpack.i.u.bf16.f32 v34;
	v21 =	vadd.f32 v17, v21;
	v16 =	vld.idx.msk [tilespmem:v12+s6+$0x0], $0xffff  }
0x74: {  	v5 =	vadd.f32 v29, v5;
	v29 =	vunpack.i.u.bf16.f32 v13;
	v47 =	vunpack.i.l.bf16.f32 v31;
	v17 =	vld.idx.msk [tilespmem:v15+s6+$0x0], $0xffff  }
0x75: {  	v13 =	vunpack.i.l.bf16.f32 v27;
	v18 =	vmul.bf16 v38, v18;
	v48 =	vld.idx.msk [tilespmem:v15+s25+$0x0], $0xffff;
	v49 =	vshrl.u32 v32, $0xE  }
0x76: {  	v5 =	vadd.f32 v20, v5;
	v20 =	vmul.f32 v36, v10;
	v32 =	vand.u32 $0x3FFF, v32;
	v27 =	vld.idx.msk [tilespmem:v12+s25+$0x0], $0xffff  }
0x77: {  	v19 =	vunpack.i.l.bf16.f32 v19;
	v33 =	vmul.f32 v33, v10;
	v38 =	vmul.f32 v13, v11;
	v36 =	vld.idx.msk [tilespmem:v7+s25+$0x0], $0xffff  }
0x78: {  	v46 =	vmul.f32 v46, v8;
	v31 =	vunpack.i.u.bf16.f32 v31;
	v51 =	vunpack.i.l.bf16.f32 v18;
	v50 =	vld.idx.msk [tilespmem:v22+s25+$0x0], $0xffff  }
0x79: {  	v31 =	vmul.f32 v31, v10;
	v18 =	vunpack.i.u.bf16.f32 v18;
	v51 =	vmul.f32 v51, v11;
	v13 =	vld.idx.msk [tilespmem:v43+s23+$0x0], $0xffff  }
0x7a: {  	v23 =	vmul.f32 v23, v14;
	v6 =	vadd.f32 v20, v6;
	v20 =	vmul.f32 v47, v10;
	v52 =	vld.idx.msk [tilespmem:v43+s25+$0x0], $0xffff  }
0x7b: {  	v1 =	vadd.f32 v38, v1;
	v38 =	vmul.f32 v45, v10;
	v18 =	vmul.f32 v18, v11;
	v47 =	vld.idx.msk [tilespmem:v25+s25+$0x0], $0xffff  }
0x7c: {  	v34 =	vunpack.i.l.bf16.f32 v34;
	v4 =	vadd.f32 v51, v4;
	v11 =	vmovc v44;
	v27 =	vmul.bf16 v48, v27;
	v45 =	vld.idx.msk [tilespmem:v7+s6+$0x0], $0xffff  }
0x7d: {  	v14 =	vmul.f32 v29, v14;
	v29 =	vmul.f32 v37, v8;
	v1 =	vadd.f32 v23, v1;
	v44 =	vld.idx.msk [tilespmem:v22+s24+$0x0], $0xffff  }
0x7e: {  	v5 =	vadd.f32 v33, v5;
	v33 =	vmul.f32 v34, v10;
	v10 =	vmovc v30;
	v23 =	vunpack.i.u.bf16.f32 v27;
	v37 =	vld.idx.msk [tilespmem:v43+s24+$0x0], $0xffff  }
0x7f: {  	v6 =	vadd.f32 v40, v6;
	v2 =	vadd.f32 v18, v2;
	v18 =	vmul.f32 v19, v8;
	v34 =	vld.idx.msk [tilespmem:v32+s25+$0x0], $0xffff  }
0x80: {  	v0 =	vadd.f32 v26, v0;
	v1 =	vadd.f32 v33, v1;
	v30 =	vmul.bf16 v50, v52;
	v19 =	vld.idx.msk [tilespmem:v49+s23+$0x0], $0xffff  }
0x81: {  	v5 =	vadd.f32 v35, v5;
	v33 =	vmul.f32 v24, v8;
	v8 =	vmovc v41;
	v27 =	vunpack.i.l.bf16.f32 v27;
	v26 =	vld.idx.msk [tilespmem:v22+s6+$0x0], $0xffff  }
0x82: {  	v4 =	vadd.f32 v39, v4;
	v1 =	vadd.f32 v18, v1;
	v35 =	vmul.bf16 v36, v47;
	v36 =	vld.idx.msk [tilespmem:v43+s6+$0x0], $0xffff  }
0x83: {  	v0 =	vadd.f32 v14, v0;
	v2 =	vadd.f32 v28, v2;
	v39 =	vmul.f32 v27, v10;
	v40 =	vld.idx.msk [tilespmem:v49+s25+$0x0], $0xffff  }
0x84: {  	v14 =	vmovc v42;
	v4 =	vadd.f32 v20, v4;
	v41 =	vmul.f32 v23, v10;
	v18 =	vunpack.i.u.bf16.f32 v35;
	v24 =	vld.idx.msk [tilespmem:v32+s23+$0x0], $0xffff  }
0x85: {  	v0 =	vadd.f32 v38, v0;
	v20 =	vunpack.i.l.bf16.f32 v35;
	v18 =	vmul.f32 v18, v11;
	v27 =	vld.idx.msk [tilespmem:v49+s6+$0x0], $0xffff  }
0x86: {  	v2 =	vadd.f32 v31, v2;
	v23 =	vunpack.i.u.bf16.f32 v30;
	v35 =	vunpack.i.l.bf16.f32 v30;
	v28 =	vld.idx.msk [tilespmem:v32+s6+$0x0], $0xffff  }
0x87: {  	v20 =	vmul.f32 v20, v11;
	v18 =	vadd.f32 v18, v21;
	v21 =	vmul.f32 v23, v14;
	v38 =	vld.idx.msk [tilespmem:v25+s6+$0x0], $0xffff  }
0x88: {  	v0 =	vadd.f32 v46, v0;
	v4 =	vadd.f32 v33, v4;
	v23 =	vmul.bf16 v26, v36;
	v30 =	vld.idx.msk [tilespmem:v25+s23+$0x0], $0xffff  }
0x89: {  	v3 =	vadd.f32 v20, v3;
	v20 =	vmul.f32 v35, v14;
	v21 =	vadd.f32 v21, v18;
	v31 =	vld.idx.msk [tilespmem:v32+s24+$0x0], $0xffff  }
0x8a: {  	v33 =	vmul.bf16 v34, v40;
	v32 =	vunpack.i.l.bf16.f32 v23;
	v18 =	vld.idx.msk [tilespmem:v25+s24+$0x0], $0xffff;
	v25 =	vunpack.i.u.bf16.f32 v23  }
.Ltmp2:
0x8b: {  	v3 =	vadd.f32 v20, v3;
	v21 =	vadd.f32 v41, v21;
	v35 =	vld.idx.msk [tilespmem:v7+s23+$0x0], $0xffff;
	v23 =	vmul.f32 v25, v14;
	(pc) =	sbr.rel @p1 .LBB2_4-.Ltmp2, $4  }
0x8c: {  	v2 =	vadd.f32 v29, v2;
	v26 =	vunpack.i.u.bf16.f32 v33;
	v20 =	vunpack.i.l.bf16.f32 v33;
	v25 =	vld.idx.msk [tilespmem:v49+s24+$0x0], $0xffff  }
0x8d: {  	v3 =	vadd.f32 v39, v3;
	v29 =	vmul.bf16 v45, v38;
	v38 =	vmul.f32 v20, v8;
	v22 =	vld.idx.msk [tilespmem:v22+s23+$0x0], $0xffff  }
0x8e: {  	v36 =	vmul.bf16 v44, v37;
	v20 =	vmul.f32 v32, v14;
	v32 =	vld.idx.msk [tilespmem:v12+s24+$0x0], $0xffff  }
0x8f: {  	v34 =	vunpack.i.u.bf16.f32 v29;
	v29 =	vunpack.i.l.bf16.f32 v29;
	v3 =	vadd.f32 v38, v3;
	v33 =	vld.idx.msk [tilespmem:v15+s24+$0x0], $0xffff  }
0x90: {  	s16 =	sadd.s32 $0x1, s16  }
0x91: {  	p1 =	sge.u32 s16, s10  }
0x92: {  	s8 =	sadd.s32 @!p1 s17, s15  }
0x93: {  	s8 =	sshrl.u32 @!p1 s8, $0x3  }
0x94: {  	v12 =	vld.idx.msk [tilespmem:v12+s23+$0x0], $0xffff;
	s26 =	simm.s32 @!p1 $0x0;
	s28 =	simm.s32 @!p1 $0x10000;
	s17 =	sadd.s32 @!p1 s1, s8  }
0x95: {  	v37 =	vld.idx.msk [tilespmem:v7+s24+$0x0], $0xffff;
	[tilespmem:s28], [sflag:$0x1] =	stream.linear.gather @!p1 [hbm4b:s17+s26], $0x1000, $0x38  }
0x96: {  	s8 =	sadd.s32 @!p1 s2, s8;
	s17 =	simm.s32 @!p1 $0x12000  }
0x97: {  	[tilespmem:s17], [sflag:$0x2] =	stream.linear.gather @!p1 [hbm4b:s8+s26], $0x1000, $0x38;
	[tilespmem:$0x14400] =	vst v63  }
0x98: {  	_ =	swait.ge [sflag:s5], $0x1000  }
0x99: {  	[sflag:s5] =	ssyncset.done $0x0  }
0x9a: {  	[sflag:s5] =	ssyncadd.s32 $0xFFFFF000  }
0x9b: {  	_ =	swait.ge [sflag:s3], $0x1000  }
0x9c: {  	[sflag:s3] =	ssyncset.done $0x0  }
0x9d: {  	v7 =	vmul.bf16 v28, v27;
	v15 =	vmul.bf16 v17, v16;
	s28 =	simm.s32 $0x0;
	[sflag:s3] =	ssyncadd.s32 $0xFFFFF000  }
0x9e: {  	v16 =	vmul.bf16 v35, v30;
	v17 =	vunpack.i.u.bf16.f32 v36;
	v19 =	vmul.bf16 v24, v19;
	v27 =	vld [tilespmem:s28+$0x11020]  }
0x9f: {  	v24 =	vunpack.i.l.bf16.f32 v36;
	v26 =	vmul.f32 v26, v8;
	v25 =	vmul.bf16 v31, v25  }
0xa0: {  	v30 =	vmul.f32 v17, v14;
	v31 =	vmul.f32 v24, v14  }
0xa1: {  	v17 =	vmul.f32 v34, v11;
	v28 =	vunpack.i.l.bf16.f32 v7;
	v7 =	vunpack.i.u.bf16.f32 v7;
	v46 =	vld [tilespmem:s28+$0x11000]  }
0xa2: {  	v47 =	vunpack.i.u.bf16.f32 v15;
	v13 =	vmul.bf16 v22, v13;
	v49 =	vunpack.i.l.bf16.f32 v15;
	v22 =	vld [tilespmem:s28+$0x11010]  }
0xa3: {  	v21 =	vadd.f32 v26, v21;
	v48 =	vmul.f32 v7, v8;
	v7 =	vld [tilespmem:s28+$0x13030];
	v24 =	vand.u32 $0x3FFF, v27  }
0xa4: {  	v57 =	vunpack.i.l.bf16.f32 v19;
	v38 =	vmul.bf16 v9, v12;
	v9 =	vld [tilespmem:s28+$0x13020];
	v15 =	vshrl.u32 v27, $0xE  }
0xa5: {  	v28 =	vmul.f32 v28, v8;
	v17 =	vadd.f32 v17, v6;
	v12 =	vmul.f32 v29, v11;
	v6 =	vld [tilespmem:s28+$0x13010]  }
0xa6: {  	v35 =	vmul.f32 v47, v10;
	v32 =	vmul.bf16 v33, v32;
	v41 =	vunpack.i.u.bf16.f32 v13;
	v39 =	vld [tilespmem:s28+$0x11030]  }
0xa7: {  	v33 =	vmul.f32 v49, v10;
	v23 =	vadd.f32 v23, v17;
	v26 =	vadd.f32 v12, v5;
	v5 =	vld [tilespmem:s28+$0x13000]  }
0xa8: {  	v29 =	vunpack.i.l.bf16.f32 v13;
	v18 =	vmul.bf16 v37, v18;
	v13 =	vand.u32 $0x3FFF, v46;
	v12 =	vld.idx.msk [tilespmem:v24+s23+$0x0], $0xffff  }
0xa9: {  	v17 =	vunpack.i.l.bf16.f32 v16;
	v27 =	vunpack.i.u.bf16.f32 v16;
	v50 =	vand.u32 $0x3FFF, v22;
	v16 =	vld.idx.msk [tilespmem:v15+s6+$0x0], $0xffff  }
0xaa: {  	v42 =	vmul.f32 v17, v11;
	v53 =	vunpack.i.l.bf16.f32 v32;
	v22 =	vshrl.u32 v22, $0xE;
	v17 =	vld.idx.msk [tilespmem:v24+s6+$0x0], $0xffff  }
0xab: {  	v29 =	vmul.f32 v29, v14;
	v43 =	vunpack.i.l.bf16.f32 v18;
	v18 =	vunpack.i.u.bf16.f32 v18;
	v51 =	vld.idx.msk [tilespmem:v24+s25+$0x0], $0xffff  }
0xac: {  	v20 =	vadd.f32 v20, v26;
	v26 =	vmul.f32 v43, v11;
	v34 =	vshrl.u32 v46, $0xE;
	v52 =	vld.idx.msk [tilespmem:v15+s25+$0x0], $0xffff  }
0xad: {  	v32 =	vunpack.i.u.bf16.f32 v32;
	v27 =	vmul.f32 v27, v11;
	v11 =	vmul.f32 v18, v11;
	v18 =	vld.idx.msk [tilespmem:v13+s25+$0x0], $0xffff  }
0xae: {  	v14 =	vmul.f32 v41, v14;
	v40 =	vunpack.i.u.bf16.f32 v38;
	v1 =	vadd.f32 v42, v1;
	v44 =	vld.idx.msk [tilespmem:v50+s25+$0x0], $0xffff  }
0xaf: {  	v23 =	vadd.f32 v35, v23;
	v38 =	vunpack.i.l.bf16.f32 v38;
	v26 =	vadd.f32 v26, v4;
	v4 =	vld.idx.msk [tilespmem:v22+s23+$0x0], $0xffff  }
0xb0: {  	v1 =	vadd.f32 v29, v1;
	v29 =	vmul.f32 v38, v10;
	v54 =	vand.u32 $0x3FFF, v39;
	v55 =	vld.idx.msk [tilespmem:v22+s25+$0x0], $0xffff  }
0xb1: {  	v56 =	vshrl.u32 v39, $0xE;
	v2 =	vadd.f32 v11, v2;
	v11 =	vadd.f32 v48, v23;
	v23 =	vld.idx.msk [tilespmem:v34+s25+$0x0], $0xffff  }
0xb2: {  	v32 =	vmul.f32 v32, v10;
	v42 =	vmul.f32 v53, v10;
	v20 =	vadd.f32 v33, v20;
	v58 =	vld.idx.msk [tilespmem:v13+s6+$0x0], $0xffff  }
0xb3: {  	v1 =	vadd.f32 v29, v1;
	v29 =	vmul.f32 v40, v10;
	v27 =	vadd.f32 v27, v0;
	v59 =	vld.idx.msk [tilespmem:v50+s24+$0x0], $0xffff  }
0xb4: {  	v10 =	vadd.f32 v28, v20;
	v20 =	vadd.f32 v31, v26;
	v0 =	vmul.f32 v57, v8;
	v60 =	vld.idx.msk [tilespmem:v22+s24+$0x0], $0xffff  }
0xb5: {  	v26 =	vunpack.i.u.bf16.f32 v19;
	v14 =	vadd.f32 v14, v27;
	v27 =	vld.idx.msk [tilespmem:v54+s25+$0x0], $0xffff  }
0xb6: {  	v26 =	vmul.f32 v26, v8;
	v20 =	vadd.f32 v42, v20;
	v0 =	vadd.f32 v0, v1;
	v19 =	vld.idx.msk [tilespmem:v56+s23+$0x0], $0xffff  }
0xb7: {  	v1 =	vunpack.i.u.bf16.f32 v25;
	v25 =	vunpack.i.l.bf16.f32 v25;
	v2 =	vadd.f32 v30, v2;
	v22 =	vld.idx.msk [tilespmem:v22+s6+$0x0], $0xffff  }
0xb8: {  	v62 =	vld.idx.msk [tilespmem:v34+s6+$0x0], $0xffff;
	v28 =	vmul.f32 v1, v8;
	v8 =	vmul.f32 v25, v8;
	v1 =	vadd.f32 v29, v14  }
0xb9: {  	v14 =	vld.idx.msk [tilespmem:v50+s6+$0x0], $0xffff;
	v2 =	vadd.f32 v32, v2;
	v25 =	vmul.bf16 v51, v52;
	v18 =	vmul.bf16 v18, v23  }
0xba: {  	v35 =	vld.idx.msk [tilespmem:v13+s23+$0x0], $0xffff;
	v8 =	vadd.f32 v8, v20;
	v1 =	vadd.f32 v26, v1;
	v30 =	vmul.bf16 v44, v55  }
0xbb: {  	v23 =	vld.idx.msk [tilespmem:v56+s25+$0x0], $0xffff;
	v36 =	vmul.bf16 v59, v60;
	v20 =	vunpack.i.u.bf16.f32 v25;
	v29 =	vunpack.i.u.bf16.f32 v18  }
0xbc: {  	v33 =	vld.idx.msk [tilespmem:v15+s24+$0x0], $0xffff;
	v25 =	vunpack.i.l.bf16.f32 v25;
	v18 =	vunpack.i.l.bf16.f32 v18;
	v31 =	vmul.f32 v29, v5  }
0xbd: {  	v24 =	vld.idx.msk [tilespmem:v24+s24+$0x0], $0xffff;
	v61 =	vmul.f32 v25, v9;
	v25 =	vunpack.i.u.bf16.f32 v30;
	v18 =	vmul.f32 v18, v5  }
0xbe: {  	v32 =	vld.idx.msk [tilespmem:v54+s24+$0x0], $0xffff;
	v14 =	vmul.bf16 v14, v22;
	v30 =	vunpack.i.l.bf16.f32 v30;
	v25 =	vmul.f32 v25, v6  }
0xbf: {  	v26 =	vld.idx.msk [tilespmem:v54+s23+$0x0], $0xffff;
	v22 =	vmul.f32 v30, v6;
	v21 =	vadd.f32 v31, v21;
	v3 =	vadd.f32 v18, v3  }
0xc0: {  	v2 =	vadd.f32 v28, v2;
	v28 =	vld.idx.msk [tilespmem:v56+s6+$0x0], $0xffff;
	v20 =	vmul.f32 v20, v9;
	v27 =	vmul.bf16 v27, v23  }
0xc1: {  	v29 =	vld.idx.msk [tilespmem:v54+s6+$0x0], $0xffff;
	v23 =	vunpack.i.u.bf16.f32 v14;
	v21 =	vadd.f32 v25, v21;
	v3 =	vadd.f32 v22, v3  }
0xc2: {  	v30 =	vmul.bf16 v58, v62;
	v31 =	vld.idx.msk [tilespmem:v34+s23+$0x0], $0xffff;
	v25 =	vmul.f32 v23, v6;
	v22 =	vunpack.i.l.bf16.f32 v27  }
0xc3: {  	v63 =	vmul.f32 v22, v7;
	v23 =	vadd.f32 v20, v21;
	v21 =	vld.idx.msk [tilespmem:v56+s24+$0x0], $0xffff;
	v3 =	vadd.f32 v61, v3  }
0xc4: {  	v18 =	vld.idx.msk [tilespmem:v34+s24+$0x0], $0xffff;
	v14 =	vunpack.i.l.bf16.f32 v14;
	v34 =	vunpack.i.u.bf16.f32 v30;
	v30 =	vunpack.i.l.bf16.f32 v30  }
0xc5: {  	s17 =	simm.s32 $0x100;
	v27 =	vunpack.i.u.bf16.f32 v27;
	v22 =	vmul.f32 v14, v6;
	v20 =	vld.idx.msk [tilespmem:v50+s23+$0x0], $0xffff;
	v3 =	vadd.f32 v63, v3  }
.LBB2_6:
0xc6: {  	s8 =	sshra.s32 s17, $0x2;
	p1 =	seq.s32 s17, $0x3F00;
	s17 =	sadd.s32 $0x100, s17;
	v16 =	vmul.bf16 v17, v16;
	v17 =	vld.idx.msk [tilespmem:v15+s23+$0x0], $0xffff;
	v14 =	vmul.bf16 v29, v28  }
0xc7: {  	v29 =	vmul.bf16 v35, v31;
	v15 =	vunpack.i.u.bf16.f32 v36;
	v28 =	vld [tilespmem:s8+$0x11020]  }
0xc8: {  	v19 =	vmul.bf16 v26, v19;
	v21 =	vmul.bf16 v32, v21;
	v31 =	vld [tilespmem:s8+$0x11000];
	v35 =	vunpack.i.l.bf16.f32 v14  }
0xc9: {  	v32 =	vunpack.i.l.bf16.f32 v36;
	v36 =	vmul.f32 v15, v6;
	v14 =	vunpack.i.u.bf16.f32 v14;
	v26 =	vld [tilespmem:s8+$0x11010]  }
0xca: {  	v37 =	vunpack.i.u.bf16.f32 v16;
	v35 =	vmul.f32 v35, v7;
	v38 =	vunpack.i.u.bf16.f32 v21  }
0xcb: {  	v32 =	vmul.f32 v32, v6;
	v40 =	vmul.f32 v14, v7;
	v41 =	vunpack.i.l.bf16.f32 v21;
	v39 =	vld.idx.msk [tilespmem:v13+s24+$0x0], $0xffff  }
0xcc: {  	v4 =	vmul.bf16 v20, v4;
	v15 =	vshrl.u32 v28, $0xE;
	v14 =	vand.u32 $0x3FFF, v28;
	v28 =	vld [tilespmem:s8+$0x13030]  }
0xcd: {  	v34 =	vmul.f32 v34, v5;
	v21 =	vshrl.u32 v31, $0xE;
	v13 =	vand.u32 $0x3FFF, v31;
	v31 =	vld [tilespmem:s8+$0x13020]  }
0xce: {  	v24 =	vmul.bf16 v24, v33;
	v42 =	vld [tilespmem:s8+$0x13010];
	v43 =	vshrl.u32 v26, $0xE;
	v20 =	vand.u32 $0x3FFF, v26  }
0xcf: {  	v11 =	vadd.f32 v34, v11;
	v33 =	vunpack.i.l.bf16.f32 v16;
	v34 =	vmul.bf16 v12, v17;
	v26 =	vld [tilespmem:s8+$0x11030]  }
0xd0: {  	v30 =	vmul.f32 v30, v5;
	v16 =	vunpack.i.u.bf16.f32 v29;
	v17 =	vmul.f32 v27, v7;
	v44 =	vld [tilespmem:s8+$0x13000]  }
0xd1: {  	v11 =	vadd.f32 v25, v11;
	v25 =	vunpack.i.l.bf16.f32 v4;
	v27 =	vmul.f32 v16, v5;
	v12 =	vld.idx.msk [tilespmem:v14+s23+$0x0], $0xffff  }
0xd2: {  	v46 =	vunpack.i.u.bf16.f32 v19;
	v45 =	vunpack.i.u.bf16.f32 v34;
	v23 =	vadd.f32 v17, v23;
	v16 =	vld.idx.msk [tilespmem:v15+s6+$0x0], $0xffff  }
0xd3: {  	v10 =	vadd.f32 v30, v10;
	v30 =	vunpack.i.u.bf16.f32 v4;
	v47 =	vunpack.i.l.bf16.f32 v24;
	v17 =	vld.idx.msk [tilespmem:v14+s6+$0x0], $0xffff  }
0xd4: {  	v4 =	vunpack.i.l.bf16.f32 v29;
	v18 =	vmul.bf16 v39, v18;
	v48 =	vld.idx.msk [tilespmem:v14+s25+$0x0], $0xffff;
	v49 =	vshrl.u32 v26, $0xE  }
0xd5: {  	v10 =	vadd.f32 v22, v10;
	v22 =	vmul.f32 v37, v9;
	v39 =	vand.u32 $0x3FFF, v26;
	v29 =	vld.idx.msk [tilespmem:v15+s25+$0x0], $0xffff  }
0xd6: {  	v19 =	vunpack.i.l.bf16.f32 v19;
	v37 =	vmul.f32 v4, v5;
	v33 =	vmul.f32 v33, v9;
	v26 =	vld.idx.msk [tilespmem:v13+s25+$0x0], $0xffff  }
0xd7: {  	v46 =	vmul.f32 v46, v7;
	v24 =	vunpack.i.u.bf16.f32 v24;
	v51 =	vunpack.i.l.bf16.f32 v18;
	v50 =	vld.idx.msk [tilespmem:v20+s25+$0x0], $0xffff  }
0xd8: {  	v24 =	vmul.f32 v24, v9;
	v18 =	vunpack.i.u.bf16.f32 v18;
	v51 =	vmul.f32 v51, v5;
	v4 =	vld.idx.msk [tilespmem:v43+s23+$0x0], $0xffff  }
0xd9: {  	v25 =	vmul.f32 v25, v6;
	v11 =	vadd.f32 v22, v11;
	v22 =	vmul.f32 v47, v9;
	v52 =	vld.idx.msk [tilespmem:v43+s25+$0x0], $0xffff  }
0xda: {  	v0 =	vadd.f32 v37, v0;
	v37 =	vmul.f32 v45, v9;
	v18 =	vmul.f32 v18, v5;
	v47 =	vld.idx.msk [tilespmem:v21+s25+$0x0], $0xffff  }
0xdb: {  	v34 =	vunpack.i.l.bf16.f32 v34;
	v8 =	vadd.f32 v51, v8;
	v5 =	vmovc v44;
	v29 =	vmul.bf16 v48, v29;
	v45 =	vld.idx.msk [tilespmem:v13+s6+$0x0], $0xffff  }
0xdc: {  	v6 =	vmul.f32 v30, v6;
	v30 =	vmul.f32 v38, v7;
	v0 =	vadd.f32 v25, v0;
	v44 =	vld.idx.msk [tilespmem:v20+s24+$0x0], $0xffff  }
0xdd: {  	v10 =	vadd.f32 v33, v10;
	v33 =	vmul.f32 v34, v9;
	v9 =	vmovc v31;
	v25 =	vunpack.i.u.bf16.f32 v29;
	v38 =	vld.idx.msk [tilespmem:v43+s24+$0x0], $0xffff  }
0xde: {  	v11 =	vadd.f32 v40, v11;
	v2 =	vadd.f32 v18, v2;
	v18 =	vmul.f32 v19, v7;
	v34 =	vld.idx.msk [tilespmem:v39+s25+$0x0], $0xffff  }
0xdf: {  	v1 =	vadd.f32 v27, v1;
	v0 =	vadd.f32 v33, v0;
	v31 =	vmul.bf16 v50, v52;
	v19 =	vld.idx.msk [tilespmem:v49+s23+$0x0], $0xffff  }
0xe0: {  	v10 =	vadd.f32 v35, v10;
	v33 =	vmul.f32 v41, v7;
	v7 =	vmovc v28;
	v29 =	vunpack.i.l.bf16.f32 v29;
	v27 =	vld.idx.msk [tilespmem:v20+s6+$0x0], $0xffff  }
0xe1: {  	v8 =	vadd.f32 v32, v8;
	v0 =	vadd.f32 v18, v0;
	v28 =	vmul.bf16 v26, v47;
	v35 =	vld.idx.msk [tilespmem:v43+s6+$0x0], $0xffff  }
0xe2: {  	v1 =	vadd.f32 v6, v1;
	v2 =	vadd.f32 v36, v2;
	v40 =	vmul.f32 v29, v9;
	v41 =	vld.idx.msk [tilespmem:v49+s25+$0x0], $0xffff  }
0xe3: {  	v6 =	vmovc v42;
	v8 =	vadd.f32 v22, v8;
	v36 =	vmul.f32 v25, v9;
	v18 =	vunpack.i.u.bf16.f32 v28;
	v26 =	vld.idx.msk [tilespmem:v39+s23+$0x0], $0xffff  }
0xe4: {  	v1 =	vadd.f32 v37, v1;
	v22 =	vunpack.i.l.bf16.f32 v28;
	v18 =	vmul.f32 v18, v5;
	v28 =	vld.idx.msk [tilespmem:v49+s6+$0x0], $0xffff  }
0xe5: {  	v2 =	vadd.f32 v24, v2;
	v25 =	vunpack.i.u.bf16.f32 v31;
	v32 =	vunpack.i.l.bf16.f32 v31;
	v29 =	vld.idx.msk [tilespmem:v39+s6+$0x0], $0xffff  }
0xe6: {  	v22 =	vmul.f32 v22, v5;
	v18 =	vadd.f32 v18, v23;
	v23 =	vmul.f32 v25, v6;
	v24 =	vld.idx.msk [tilespmem:v21+s6+$0x0], $0xffff  }
0xe7: {  	v1 =	vadd.f32 v46, v1;
	v8 =	vadd.f32 v33, v8;
	v25 =	vmul.bf16 v27, v35;
	v31 =	vld.idx.msk [tilespmem:v21+s23+$0x0], $0xffff  }
0xe8: {  	v3 =	vadd.f32 v22, v3;
	v22 =	vmul.f32 v32, v6;
	v23 =	vadd.f32 v23, v18;
	v32 =	vld.idx.msk [tilespmem:v39+s24+$0x0], $0xffff  }
0xe9: {  	v34 =	vmul.bf16 v34, v41;
	v33 =	vunpack.i.l.bf16.f32 v25;
	v18 =	vld.idx.msk [tilespmem:v21+s24+$0x0], $0xffff;
	v21 =	vunpack.i.u.bf16.f32 v25  }
.Ltmp3:
0xea: {  	v3 =	vadd.f32 v22, v3;
	v23 =	vadd.f32 v36, v23;
	v35 =	vld.idx.msk [tilespmem:v13+s23+$0x0], $0xffff;
	v25 =	vmul.f32 v21, v6;
	(pc) =	sbr.rel @!p1 .LBB2_6-.Ltmp3, $4  }
0xeb: {  	v2 =	vadd.f32 v30, v2;
	v27 =	vunpack.i.u.bf16.f32 v34;
	v22 =	vunpack.i.l.bf16.f32 v34;
	v21 =	vld.idx.msk [tilespmem:v49+s24+$0x0], $0xffff  }
0xec: {  	v3 =	vadd.f32 v40, v3;
	v37 =	vmul.f32 v22, v7;
	v24 =	vmul.bf16 v45, v24;
	v20 =	vld.idx.msk [tilespmem:v20+s23+$0x0], $0xffff  }
0xed: {  	v36 =	vmul.bf16 v44, v38;
	v22 =	vmul.f32 v33, v6;
	v33 =	vld.idx.msk [tilespmem:v15+s24+$0x0], $0xffff  }
0xee: {  	v3 =	vadd.f32 v37, v3;
	v34 =	vunpack.i.u.bf16.f32 v24;
	v30 =	vunpack.i.l.bf16.f32 v24;
	v24 =	vld.idx.msk [tilespmem:v14+s24+$0x0], $0xffff  }
0xef: {  	v14 =	vmul.bf16 v29, v28;
	v16 =	vmul.bf16 v17, v16  }
0xf0: {  	v17 =	vmul.bf16 v35, v31;
	v19 =	vmul.bf16 v26, v19  }
0xf1: {  	v49 =	vunpack.i.u.bf16.f32 v36;
	v34 =	vmul.f32 v34, v5;
	v53 =	vmul.f32 v30, v5  }
0xf2: {  	v50 =	vunpack.i.l.bf16.f32 v36;
	v27 =	vmul.f32 v27, v7;
	v21 =	vmul.bf16 v32, v21  }
0xf3: {  	v28 =	vmul.f32 v49, v6;
	v26 =	vmul.f32 v50, v6;
	v29 =	vunpack.i.l.bf16.f32 v14  }
0xf4: {  	v14 =	vunpack.i.u.bf16.f32 v14;
	v51 =	vunpack.i.u.bf16.f32 v16;
	v4 =	vmul.bf16 v20, v4  }
0xf5: {  	v15 =	vld.idx.msk [tilespmem:v15+s23+$0x0], $0xffff;
	v11 =	vadd.f32 v34, v11;
	v16 =	vunpack.i.l.bf16.f32 v16;
	v57 =	vunpack.i.u.bf16.f32 v19  }
0xf6: {  	v13 =	vld.idx.msk [tilespmem:v13+s24+$0x0], $0xffff;
	v10 =	vadd.f32 v53, v10;
	v19 =	vunpack.i.l.bf16.f32 v19;
	v29 =	vmul.f32 v29, v7  }
0xf7: {  	v32 =	vunpack.i.u.bf16.f32 v21;
	v14 =	vmul.f32 v14, v7;
	v59 =	vmul.f32 v51, v9  }
0xf8: {  	v21 =	vunpack.i.l.bf16.f32 v21;
	v16 =	vmul.f32 v16, v9;
	v61 =	vmul.f32 v57, v7  }
0xf9: {  	v52 =	vmul.bf16 v24, v33;
	v11 =	vadd.f32 v25, v11;
	v55 =	vunpack.i.l.bf16.f32 v4  }
0xfa: {  	v4 =	vunpack.i.u.bf16.f32 v4;
	v10 =	vadd.f32 v22, v10;
	v63 =	vmul.f32 v32, v7  }
0xfb: {  	v12 =	vmul.bf16 v12, v15;
	v15 =	vunpack.i.u.bf16.f32 v17;
	v13 =	vmul.bf16 v13, v18  }
0xfc: {  	v17 =	vunpack.i.l.bf16.f32 v17;
	v25 =	vmul.f32 v55, v6;
	v4 =	vmul.f32 v4, v6  }
0xfd: {  	v54 =	vmul.f32 v15, v5;
	v15 =	vadd.f32 v27, v23;
	v58 =	vunpack.i.l.bf16.f32 v52  }
0xfe: {  	v17 =	vmul.f32 v17, v5;
	v20 =	vunpack.i.u.bf16.f32 v52;
	v11 =	vadd.f32 v59, v11  }
0xff: {  	v10 =	vadd.f32 v16, v10;
	v56 =	vunpack.i.u.bf16.f32 v12;
	v60 =	vunpack.i.l.bf16.f32 v13  }
0x100: {  	v13 =	vunpack.i.u.bf16.f32 v13;
	v20 =	vmul.f32 v20, v9;
	v22 =	vmul.f32 v60, v5  }
0x101: {  	v0 =	vadd.f32 v17, v0;
	v5 =	vmul.f32 v13, v5;
	v1 =	vadd.f32 v54, v1  }
0x102: {  	v12 =	vunpack.i.l.bf16.f32 v12;
	v6 =	vadd.f32 v14, v11;
	v8 =	vadd.f32 v22, v8  }
0x103: {  	v12 =	vmul.f32 v12, v9;
	v0 =	vadd.f32 v25, v0;
	v2 =	vadd.f32 v5, v2  }
0x104: {  	v62 =	vmul.f32 v56, v9;
	v1 =	vadd.f32 v4, v1;
	v5 =	vadd.f32 v29, v10  }
0x105: {  	v13 =	vmul.f32 v58, v9;
	v4 =	vadd.f32 v26, v8;
	v2 =	vadd.f32 v28, v2  }
0x106: {  	v0 =	vadd.f32 v12, v0;
	v8 =	vmul.f32 v19, v7;
	v9 =	vadd.f32 v62, v1  }
0x107: {  	v7 =	vmul.f32 v21, v7;
	v4 =	vadd.f32 v13, v4;
	v2 =	vadd.f32 v20, v2  }
0x108: {  	v1 =	vadd.f32 v8, v0;
	v0 =	vadd.f32 v61, v9  }
0x109: {  	v4 =	vadd.f32 v7, v4;
	v2 =	vadd.f32 v63, v2  }
0x10a: {  	p1 =	seq.s32 s16, s10  }
.Ltmp4:
0x10b: {  	_ = 	snop;
	(pc) =	sbr.rel @!p1 .LBB2_3-.Ltmp4, $1  }
0x10c: {  	_ =	sdelay $0x3  }
.Ltmp5:
0x10d: {  	(pc) =	sbr.rel @p0 .LBB2_14-.Ltmp5, $1  }
0x10e: {  	_ =	sdelay $0x3  }
0x10f: {  	s8 =	simm.s32 $0x0;
	s16 =	rddreg [dreg:$0x8];
	s17 =	simm.s32 $0x10000  }
0x110: {  	[tilespmem:s17], [sflag:$0x5] =	stream.linear.gather [hbm4b:s16+s8], $0x1000, $0x38;
	[tilespmem:$0x14400] =	vst v63  }
0x111: {  	_ =	swait.ge [sflag:s22], $0x1000  }
0x112: {  	[sflag:s22] =	ssyncset.done $0x0  }
0x113: {  	s26 =	simm.s32 $0x12000;
	s17 =	rddreg [dreg:$0x9];
	[sflag:s22] =	ssyncadd.s32 $0xFFFFF000  }
0x114: {  	[tilespmem:s26], [sflag:$0x5] =	stream.linear.gather [hbm4b:s17+s8], $0x1000, $0x38;
	[tilespmem:$0x14400] =	vst v63  }
0x115: {  	_ =	swait.ge [sflag:s22], $0x1000  }
0x116: {  	[sflag:s22] =	ssyncset.done $0x0  }
0x117: {  	s28 =	simm.s32 $0x0;
	[sflag:s22] =	ssyncadd.s32 $0xFFFFF000  }
0x118: {  	v7 =	vld [tilespmem:s28+$0x10020];
	_ =	sdelay $0x2  }
0x119: {  	v13 =	vld [tilespmem:s28+$0x10000]  }
0x11a: {  	v17 =	vld [tilespmem:s28+$0x10010]  }
0x11b: {  	v9 =	vld [tilespmem:s28+$0x12030];
	v33 =	vand.u32 $0x3FFF, v7  }
0x11c: {  	v10 =	vld [tilespmem:s28+$0x12020];
	v12 =	vshrl.u32 v7, $0xE  }
0x11d: {  	v14 =	vld [tilespmem:s28+$0x12010]  }
0x11e: {  	v18 =	vld [tilespmem:s28+$0x10030]  }
0x11f: {  	v11 =	vld [tilespmem:s28+$0x12000]  }
0x120: {  	v7 =	vand.u32 $0x3FFF, v13;
	v8 =	vld.idx.msk [tilespmem:v33+s23+$0x0], $0xffff  }
0x121: {  	v20 =	vand.u32 $0x3FFF, v17;
	v16 =	vld.idx.msk [tilespmem:v12+s6+$0x0], $0xffff  }
0x122: {  	v21 =	vshrl.u32 v17, $0xE;
	v17 =	vld.idx.msk [tilespmem:v33+s6+$0x0], $0xffff  }
0x123: {  	v22 =	vld.idx.msk [tilespmem:v33+s25+$0x0], $0xffff  }
0x124: {  	v23 =	vshrl.u32 v13, $0xE;
	v24 =	vld.idx.msk [tilespmem:v12+s25+$0x0], $0xffff  }
0x125: {  	v25 =	vld.idx.msk [tilespmem:v7+s25+$0x0], $0xffff  }
0x126: {  	v26 =	vld.idx.msk [tilespmem:v20+s25+$0x0], $0xffff  }
0x127: {  	v13 =	vld.idx.msk [tilespmem:v21+s23+$0x0], $0xffff  }
0x128: {  	v27 =	vld.idx.msk [tilespmem:v21+s25+$0x0], $0xffff  }
0x129: {  	v29 =	vand.u32 $0x3FFF, v18;
	v32 =	vshrl.u32 v18, $0xE;
	v18 =	vld.idx.msk [tilespmem:v23+s25+$0x0], $0xffff  }
0x12a: {  	v34 =	vld.idx.msk [tilespmem:v7+s6+$0x0], $0xffff  }
0x12b: {  	v36 =	vld.idx.msk [tilespmem:v20+s24+$0x0], $0xffff  }
0x12c: {  	v37 =	vld.idx.msk [tilespmem:v21+s24+$0x0], $0xffff  }
0x12d: {  	v31 =	vld.idx.msk [tilespmem:v20+s6+$0x0], $0xffff  }
0x12e: {  	v21 =	vld.idx.msk [tilespmem:v21+s6+$0x0], $0xffff  }
0x12f: {  	v35 =	vld.idx.msk [tilespmem:v29+s25+$0x0], $0xffff  }
0x130: {  	v19 =	vld.idx.msk [tilespmem:v32+s23+$0x0], $0xffff  }
0x131: {  	v40 =	vld.idx.msk [tilespmem:v23+s6+$0x0], $0xffff;
	v22 =	vmul.bf16 v22, v24;
	v18 =	vmul.bf16 v25, v18  }
0x132: {  	v33 =	vld.idx.msk [tilespmem:v33+s24+$0x0], $0xffff;
	v26 =	vmul.bf16 v26, v27  }
0x133: {  	v24 =	vld.idx.msk [tilespmem:v32+s25+$0x0], $0xffff;
	v21 =	vmul.bf16 v31, v21;
	v38 =	vunpack.i.u.bf16.f32 v22;
	v28 =	vunpack.i.u.bf16.f32 v18  }
0x134: {  	v25 =	vld.idx.msk [tilespmem:v29+s23+$0x0], $0xffff;
	v22 =	vunpack.i.l.bf16.f32 v22;
	v18 =	vunpack.i.l.bf16.f32 v18;
	v30 =	vmul.f32 v28, v11  }
0x135: {  	v27 =	vld.idx.msk [tilespmem:v32+s6+$0x0], $0xffff;
	v39 =	vmul.f32 v22, v10;
	v22 =	vunpack.i.u.bf16.f32 v26;
	v18 =	vmul.f32 v18, v11  }
0x136: {  	v31 =	vld.idx.msk [tilespmem:v29+s24+$0x0], $0xffff;
	v26 =	vunpack.i.l.bf16.f32 v26;
	v22 =	vmul.f32 v22, v14;
	v15 =	vadd.f32 v30, v15  }
0x137: {  	v28 =	vld.idx.msk [tilespmem:v29+s6+$0x0], $0xffff;
	v26 =	vmul.f32 v26, v14;
	v3 =	vadd.f32 v18, v3  }
0x138: {  	v29 =	vmul.f32 v38, v10;
	v30 =	vld.idx.msk [tilespmem:v23+s23+$0x0], $0xffff;
	v63 =	vmul.bf16 v35, v24;
	v15 =	vadd.f32 v22, v15  }
0x139: {  	v41 =	vunpack.i.l.bf16.f32 v21;
	v18 =	vld.idx.msk [tilespmem:v23+s24+$0x0], $0xffff;
	v22 =	vunpack.i.u.bf16.f32 v21;
	v3 =	vadd.f32 v26, v3  }
0x13a: {  	v35 =	vld.idx.msk [tilespmem:v7+s23+$0x0], $0xffff;
	v23 =	vmul.f32 v22, v14;
	v22 =	vadd.f32 v29, v15;
	v15 =	vunpack.i.l.bf16.f32 v63  }
0x13b: {  	v24 =	vld.idx.msk [tilespmem:v32+s24+$0x0], $0xffff;
	v29 =	vmul.bf16 v34, v40;
	v3 =	vadd.f32 v39, v3;
	v15 =	vmul.f32 v15, v9  }
0x13c: {  	v36 =	vmul.bf16 v36, v37;
	v21 =	vld.idx.msk [tilespmem:v20+s23+$0x0], $0xffff;
	v26 =	vunpack.i.u.bf16.f32 v63;
	v20 =	vmul.f32 v41, v14  }
0x13d: {  	s16 =	simm.s32 $0x100;
	v32 =	vld.idx.msk [tilespmem:v12+s24+$0x0], $0xffff;
	v34 =	vunpack.i.u.bf16.f32 v29;
	v29 =	vunpack.i.l.bf16.f32 v29;
	v3 =	vadd.f32 v15, v3  }
.LBB2_10:
0x13e: {  	s8 =	sshra.s32 s16, $0x2;
	p1 =	sne.s32 s16, $0x3F00;
	s16 =	sadd.s32 $0x100, s16;
	v16 =	vmul.bf16 v17, v16;
	v17 =	vld.idx.msk [tilespmem:v12+s23+$0x0], $0xffff;
	v12 =	vmul.bf16 v28, v27  }
0x13f: {  	v27 =	vmul.bf16 v35, v30;
	v28 =	vunpack.i.u.bf16.f32 v36;
	v15 =	vld [tilespmem:s8+$0x10020]  }
0x140: {  	v19 =	vmul.bf16 v25, v19;
	v24 =	vmul.bf16 v31, v24;
	v30 =	vld [tilespmem:s8+$0x10000];
	v35 =	vunpack.i.l.bf16.f32 v12  }
0x141: {  	v31 =	vunpack.i.l.bf16.f32 v36;
	v28 =	vmul.f32 v28, v14;
	v12 =	vunpack.i.u.bf16.f32 v12;
	v25 =	vld [tilespmem:s8+$0x10010]  }
0x142: {  	v36 =	vunpack.i.u.bf16.f32 v16;
	v35 =	vmul.f32 v35, v9;
	v37 =	vunpack.i.u.bf16.f32 v24  }
0x143: {  	v31 =	vmul.f32 v31, v14;
	v39 =	vmul.f32 v12, v9;
	v40 =	vunpack.i.l.bf16.f32 v24;
	v38 =	vld.idx.msk [tilespmem:v7+s24+$0x0], $0xffff  }
0x144: {  	v13 =	vmul.bf16 v21, v13;
	v12 =	vshrl.u32 v15, $0xE;
	v15 =	vand.u32 $0x3FFF, v15;
	v41 =	vld [tilespmem:s8+$0x12030]  }
0x145: {  	v34 =	vmul.f32 v34, v11;
	v24 =	vshrl.u32 v30, $0xE;
	v7 =	vand.u32 $0x3FFF, v30;
	v30 =	vld [tilespmem:s8+$0x12020]  }
0x146: {  	v42 =	vld [tilespmem:s8+$0x12010];
	v43 =	vshrl.u32 v25, $0xE;
	v21 =	vand.u32 $0x3FFF, v25;
	v25 =	vmul.bf16 v33, v32  }
0x147: {  	v6 =	vadd.f32 v34, v6;
	v34 =	vmul.bf16 v8, v17;
	v33 =	vunpack.i.l.bf16.f32 v16;
	v32 =	vld [tilespmem:s8+$0x10030]  }
0x148: {  	v29 =	vmul.f32 v29, v11;
	v17 =	vmul.f32 v26, v9;
	v16 =	vunpack.i.u.bf16.f32 v27;
	v44 =	vld [tilespmem:s8+$0x12000]  }
0x149: {  	v6 =	vadd.f32 v23, v6;
	v23 =	vunpack.i.l.bf16.f32 v13;
	v26 =	vmul.f32 v16, v11;
	v8 =	vld.idx.msk [tilespmem:v15+s23+$0x0], $0xffff  }
0x14a: {  	v46 =	vunpack.i.u.bf16.f32 v19;
	v45 =	vunpack.i.u.bf16.f32 v34;
	v22 =	vadd.f32 v17, v22;
	v16 =	vld.idx.msk [tilespmem:v12+s6+$0x0], $0xffff  }
0x14b: {  	v5 =	vadd.f32 v29, v5;
	v29 =	vunpack.i.u.bf16.f32 v13;
	v47 =	vunpack.i.l.bf16.f32 v25;
	v17 =	vld.idx.msk [tilespmem:v15+s6+$0x0], $0xffff  }
0x14c: {  	v13 =	vunpack.i.l.bf16.f32 v27;
	v18 =	vmul.bf16 v38, v18;
	v48 =	vld.idx.msk [tilespmem:v15+s25+$0x0], $0xffff;
	v49 =	vshrl.u32 v32, $0xE  }
0x14d: {  	v5 =	vadd.f32 v20, v5;
	v20 =	vmul.f32 v36, v10;
	v32 =	vand.u32 $0x3FFF, v32;
	v27 =	vld.idx.msk [tilespmem:v12+s25+$0x0], $0xffff  }
0x14e: {  	v19 =	vunpack.i.l.bf16.f32 v19;
	v33 =	vmul.f32 v33, v10;
	v38 =	vmul.f32 v13, v11;
	v36 =	vld.idx.msk [tilespmem:v7+s25+$0x0], $0xffff  }
0x14f: {  	v46 =	vmul.f32 v46, v9;
	v25 =	vunpack.i.u.bf16.f32 v25;
	v51 =	vunpack.i.l.bf16.f32 v18;
	v50 =	vld.idx.msk [tilespmem:v21+s25+$0x0], $0xffff  }
0x150: {  	v52 =	vmul.f32 v25, v10;
	v18 =	vunpack.i.u.bf16.f32 v18;
	v51 =	vmul.f32 v51, v11;
	v13 =	vld.idx.msk [tilespmem:v43+s23+$0x0], $0xffff  }
0x151: {  	v23 =	vmul.f32 v23, v14;
	v6 =	vadd.f32 v20, v6;
	v20 =	vmul.f32 v47, v10;
	v25 =	vld.idx.msk [tilespmem:v43+s25+$0x0], $0xffff  }
0x152: {  	v1 =	vadd.f32 v38, v1;
	v38 =	vmul.f32 v45, v10;
	v18 =	vmul.f32 v18, v11;
	v47 =	vld.idx.msk [tilespmem:v24+s25+$0x0], $0xffff  }
0x153: {  	v34 =	vunpack.i.l.bf16.f32 v34;
	v4 =	vadd.f32 v51, v4;
	v11 =	vmovc v44;
	v27 =	vmul.bf16 v48, v27;
	v45 =	vld.idx.msk [tilespmem:v7+s6+$0x0], $0xffff  }
0x154: {  	v14 =	vmul.f32 v29, v14;
	v29 =	vmul.f32 v37, v9;
	v1 =	vadd.f32 v23, v1;
	v44 =	vld.idx.msk [tilespmem:v21+s24+$0x0], $0xffff  }
0x155: {  	v5 =	vadd.f32 v33, v5;
	v33 =	vmul.f32 v34, v10;
	v10 =	vmovc v30;
	v23 =	vunpack.i.u.bf16.f32 v27;
	v37 =	vld.idx.msk [tilespmem:v43+s24+$0x0], $0xffff  }
0x156: {  	v6 =	vadd.f32 v39, v6;
	v2 =	vadd.f32 v18, v2;
	v18 =	vmul.f32 v19, v9;
	v34 =	vld.idx.msk [tilespmem:v32+s25+$0x0], $0xffff  }
0x157: {  	v0 =	vadd.f32 v26, v0;
	v1 =	vadd.f32 v33, v1;
	v30 =	vmul.bf16 v50, v25;
	v19 =	vld.idx.msk [tilespmem:v49+s23+$0x0], $0xffff  }
0x158: {  	v5 =	vadd.f32 v35, v5;
	v33 =	vmul.f32 v40, v9;
	v9 =	vmovc v41;
	v25 =	vunpack.i.l.bf16.f32 v27;
	v26 =	vld.idx.msk [tilespmem:v21+s6+$0x0], $0xffff  }
0x159: {  	v4 =	vadd.f32 v31, v4;
	v1 =	vadd.f32 v18, v1;
	v27 =	vmul.bf16 v36, v47;
	v35 =	vld.idx.msk [tilespmem:v43+s6+$0x0], $0xffff  }
0x15a: {  	v0 =	vadd.f32 v14, v0;
	v2 =	vadd.f32 v28, v2;
	v36 =	vmul.f32 v25, v10;
	v39 =	vld.idx.msk [tilespmem:v49+s25+$0x0], $0xffff  }
0x15b: {  	v14 =	vmovc v42;
	v4 =	vadd.f32 v20, v4;
	v40 =	vmul.f32 v23, v10;
	v18 =	vunpack.i.u.bf16.f32 v27;
	v25 =	vld.idx.msk [tilespmem:v32+s23+$0x0], $0xffff  }
0x15c: {  	v0 =	vadd.f32 v38, v0;
	v20 =	vunpack.i.l.bf16.f32 v27;
	v18 =	vmul.f32 v18, v11;
	v27 =	vld.idx.msk [tilespmem:v49+s6+$0x0], $0xffff  }
0x15d: {  	v2 =	vadd.f32 v52, v2;
	v23 =	vunpack.i.u.bf16.f32 v30;
	v31 =	vunpack.i.l.bf16.f32 v30;
	v28 =	vld.idx.msk [tilespmem:v32+s6+$0x0], $0xffff  }
0x15e: {  	v20 =	vmul.f32 v20, v11;
	v18 =	vadd.f32 v18, v22;
	v22 =	vmul.f32 v23, v14;
	v38 =	vld.idx.msk [tilespmem:v24+s6+$0x0], $0xffff  }
0x15f: {  	v0 =	vadd.f32 v46, v0;
	v4 =	vadd.f32 v33, v4;
	v23 =	vmul.bf16 v26, v35;
	v30 =	vld.idx.msk [tilespmem:v24+s23+$0x0], $0xffff  }
0x160: {  	v3 =	vadd.f32 v20, v3;
	v20 =	vmul.f32 v31, v14;
	v22 =	vadd.f32 v22, v18;
	v31 =	vld.idx.msk [tilespmem:v32+s24+$0x0], $0xffff  }
0x161: {  	v33 =	vmul.bf16 v34, v39;
	v32 =	vunpack.i.l.bf16.f32 v23;
	v18 =	vld.idx.msk [tilespmem:v24+s24+$0x0], $0xffff;
	v24 =	vunpack.i.u.bf16.f32 v23  }
.Ltmp6:
0x162: {  	v3 =	vadd.f32 v20, v3;
	v22 =	vadd.f32 v40, v22;
	v35 =	vld.idx.msk [tilespmem:v7+s23+$0x0], $0xffff;
	v23 =	vmul.f32 v24, v14;
	(pc) =	sbr.rel @p1 .LBB2_10-.Ltmp6, $4  }
0x163: {  	v2 =	vadd.f32 v29, v2;
	v26 =	vunpack.i.u.bf16.f32 v33;
	v20 =	vunpack.i.l.bf16.f32 v33;
	v24 =	vld.idx.msk [tilespmem:v49+s24+$0x0], $0xffff  }
0x164: {  	v3 =	vadd.f32 v36, v3;
	v29 =	vmul.bf16 v45, v38;
	v38 =	vmul.f32 v20, v9;
	v21 =	vld.idx.msk [tilespmem:v21+s23+$0x0], $0xffff  }
0x165: {  	v36 =	vmul.bf16 v44, v37;
	v20 =	vmul.f32 v32, v14;
	v32 =	vld.idx.msk [tilespmem:v12+s24+$0x0], $0xffff  }
0x166: {  	v34 =	vunpack.i.u.bf16.f32 v29;
	v29 =	vunpack.i.l.bf16.f32 v29;
	v3 =	vadd.f32 v38, v3;
	v33 =	vld.idx.msk [tilespmem:v15+s24+$0x0], $0xffff  }
0x167: {  	_ =	sdelay $0x3  }
0x168: {  	v12 =	vld.idx.msk [tilespmem:v12+s23+$0x0], $0xffff;
	s8 =	simm.s32 $0x0;
	s16 =	rddreg [dreg:$0x3]  }
0x169: {  	v37 =	vld.idx.msk [tilespmem:v7+s24+$0x0], $0xffff;
	[tilespmem:s29], [sflag:$0x5] =	stream.linear.gather [hbm4b:s16+s8], $0x1000, $0x38  }
0x16a: {  	_ =	swait.ge [sflag:s22], $0x1000  }
0x16b: {  	[sflag:s22] =	ssyncset.done $0x0  }
0x16c: {  	[sflag:s22] =	ssyncadd.s32 $0xFFFFF000  }
0x16d: {  	s26 =	rddreg [dreg:$0x4]  }
0x16e: {  	[tilespmem:s30], [sflag:$0x5] =	stream.linear.gather [hbm4b:s26+s8], $0x1000, $0x38;
	[tilespmem:$0x14400] =	vst v63  }
0x16f: {  	_ =	swait.ge [sflag:s22], $0x1000  }
0x170: {  	v7 =	vmul.bf16 v28, v27;
	[sflag:s22] =	ssyncset.done $0x0  }
0x171: {  	s28 =	simm.s32 $0x0;
	v15 =	vmul.bf16 v17, v16;
	v16 =	vmul.bf16 v35, v30;
	[sflag:s22] =	ssyncadd.s32 $0xFFFFF000  }
0x172: {  	v17 =	vunpack.i.u.bf16.f32 v36;
	v19 =	vmul.bf16 v25, v19;
	v26 =	vmul.f32 v26, v9;
	v27 =	vld [tilespmem:s28+$0x11020]  }
0x173: {  	v25 =	vunpack.i.l.bf16.f32 v36;
	v24 =	vmul.bf16 v31, v24;
	v30 =	vmul.f32 v17, v14  }
0x174: {  	v25 =	vmul.f32 v25, v14;
	v17 =	vmul.f32 v34, v11  }
0x175: {  	v28 =	vunpack.i.l.bf16.f32 v7;
	v7 =	vunpack.i.u.bf16.f32 v7;
	v59 =	vunpack.i.u.bf16.f32 v15;
	v31 =	vld [tilespmem:s28+$0x11000]  }
0x176: {  	v13 =	vmul.bf16 v21, v13;
	v62 =	vunpack.i.l.bf16.f32 v15;
	v22 =	vadd.f32 v26, v22;
	v61 =	vld [tilespmem:s28+$0x11010]  }
0x177: {  	v54 =	vunpack.i.l.bf16.f32 v19;
	v60 =	vmul.f32 v7, v9;
	v7 =	vld [tilespmem:s28+$0x13030];
	v21 =	vand.u32 $0x3FFF, v27  }
0x178: {  	v28 =	vmul.f32 v28, v9;
	v38 =	vmul.bf16 v8, v12;
	v8 =	vld [tilespmem:s28+$0x13020];
	v15 =	vshrl.u32 v27, $0xE  }
0x179: {  	v17 =	vadd.f32 v17, v6;
	v34 =	vmul.f32 v59, v10;
	v12 =	vmul.f32 v29, v11;
	v6 =	vld [tilespmem:s28+$0x13010]  }
0x17a: {  	v32 =	vmul.bf16 v33, v32;
	v41 =	vunpack.i.u.bf16.f32 v13;
	v33 =	vmul.f32 v62, v10;
	v39 =	vld [tilespmem:s28+$0x11030]  }
0x17b: {  	v23 =	vadd.f32 v23, v17;
	v29 =	vunpack.i.l.bf16.f32 v13;
	v26 =	vadd.f32 v12, v5;
	v5 =	vld [tilespmem:s28+$0x13000]  }
0x17c: {  	v18 =	vmul.bf16 v37, v18;
	v17 =	vunpack.i.l.bf16.f32 v16;
	v13 =	vand.u32 $0x3FFF, v31;
	v12 =	vld.idx.msk [tilespmem:v21+s23+$0x0], $0xffff  }
0x17d: {  	v42 =	vmul.f32 v17, v11;
	v27 =	vunpack.i.u.bf16.f32 v16;
	v63 =	vand.u32 $0x3FFF, v61;
	v16 =	vld.idx.msk [tilespmem:v15+s6+$0x0], $0xffff  }
0x17e: {  	v50 =	vunpack.i.l.bf16.f32 v32;
	v29 =	vmul.f32 v29, v14;
	v36 =	vshrl.u32 v61, $0xE;
	v17 =	vld.idx.msk [tilespmem:v21+s6+$0x0], $0xffff  }
0x17f: {  	v14 =	vmul.f32 v41, v14;
	v43 =	vunpack.i.l.bf16.f32 v18;
	v18 =	vunpack.i.u.bf16.f32 v18;
	v48 =	vld.idx.msk [tilespmem:v21+s25+$0x0], $0xffff  }
0x180: {  	v20 =	vadd.f32 v20, v26;
	v26 =	vmul.f32 v43, v11;
	v49 =	vshrl.u32 v31, $0xE;
	v31 =	vld.idx.msk [tilespmem:v15+s25+$0x0], $0xffff  }
0x181: {  	v32 =	vunpack.i.u.bf16.f32 v32;
	v27 =	vmul.f32 v27, v11;
	v11 =	vmul.f32 v18, v11;
	v18 =	vld.idx.msk [tilespmem:v13+s25+$0x0], $0xffff  }
0x182: {  	v40 =	vunpack.i.u.bf16.f32 v38;
	v23 =	vadd.f32 v34, v23;
	v1 =	vadd.f32 v42, v1;
	v44 =	vld.idx.msk [tilespmem:v63+s25+$0x0], $0xffff  }
0x183: {  	v38 =	vunpack.i.l.bf16.f32 v38;
	v32 =	vmul.f32 v32, v10;
	v26 =	vadd.f32 v26, v4;
	v4 =	vld.idx.msk [tilespmem:v36+s23+$0x0], $0xffff  }
0x184: {  	v42 =	vmul.f32 v50, v10;
	v1 =	vadd.f32 v29, v1;
	v51 =	vand.u32 $0x3FFF, v39;
	v52 =	vld.idx.msk [tilespmem:v36+s25+$0x0], $0xffff  }
0x185: {  	v29 =	vmul.f32 v38, v10;
	v2 =	vadd.f32 v11, v2;
	v11 =	vadd.f32 v60, v23;
	v23 =	vld.idx.msk [tilespmem:v49+s25+$0x0], $0xffff  }
0x186: {  	v56 =	vmul.f32 v40, v10;
	v20 =	vadd.f32 v33, v20;
	v53 =	vshrl.u32 v39, $0xE;
	v55 =	vld.idx.msk [tilespmem:v13+s6+$0x0], $0xffff  }
0x187: {  	v1 =	vadd.f32 v29, v1;
	v27 =	vadd.f32 v27, v0;
	v0 =	vmul.f32 v54, v9;
	v29 =	vld.idx.msk [tilespmem:v63+s24+$0x0], $0xffff  }
0x188: {  	v10 =	vadd.f32 v28, v20;
	v20 =	vadd.f32 v25, v26;
	v25 =	vunpack.i.u.bf16.f32 v19;
	v57 =	vld.idx.msk [tilespmem:v36+s24+$0x0], $0xffff  }
0x189: {  	v25 =	vmul.f32 v25, v9;
	v0 =	vadd.f32 v0, v1;
	v1 =	vunpack.i.u.bf16.f32 v24;
	v26 =	vld.idx.msk [tilespmem:v51+s25+$0x0], $0xffff  }
0x18a: {  	v14 =	vadd.f32 v14, v27;
	v24 =	vunpack.i.l.bf16.f32 v24;
	v2 =	vadd.f32 v30, v2;
	v60 =	vld.idx.msk [tilespmem:v49+s6+$0x0], $0xffff  }
0x18b: {  	v20 =	vadd.f32 v42, v20;
	v19 =	vld.idx.msk [tilespmem:v53+s23+$0x0], $0xffff;
	v27 =	vmul.f32 v1, v9;
	v9 =	vmul.f32 v24, v9  }
0x18c: {  	v35 =	vld.idx.msk [tilespmem:v53+s24+$0x0], $0xffff;
	v1 =	vadd.f32 v56, v14;
	v2 =	vadd.f32 v32, v2  }
0x18d: {  	v24 =	vld.idx.msk [tilespmem:v36+s6+$0x0], $0xffff;
	v9 =	vadd.f32 v9, v20;
	v18 =	vmul.bf16 v18, v23  }
0x18e: {  	v14 =	vld.idx.msk [tilespmem:v63+s6+$0x0], $0xffff;
	v1 =	vadd.f32 v25, v1;
	v2 =	vadd.f32 v27, v2;
	v28 =	vmul.bf16 v48, v31  }
0x18f: {  	v23 =	vld.idx.msk [tilespmem:v53+s25+$0x0], $0xffff;
	v30 =	vmul.bf16 v44, v52;
	v62 =	vmul.bf16 v55, v60;
	v31 =	vunpack.i.u.bf16.f32 v18  }
0x190: {  	v33 =	vld.idx.msk [tilespmem:v21+s24+$0x0], $0xffff;
	v20 =	vunpack.i.u.bf16.f32 v28;
	v18 =	vunpack.i.l.bf16.f32 v18;
	v31 =	vmul.f32 v31, v5  }
0x191: {  	v25 =	vld.idx.msk [tilespmem:v51+s23+$0x0], $0xffff;
	v58 =	vunpack.i.l.bf16.f32 v28;
	v59 =	vunpack.i.u.bf16.f32 v30;
	v18 =	vmul.f32 v18, v5  }
0x192: {  	v27 =	vld.idx.msk [tilespmem:v53+s6+$0x0], $0xffff;
	v61 =	vunpack.i.l.bf16.f32 v30;
	v36 =	vmul.f32 v59, v6;
	v22 =	vadd.f32 v31, v22  }
0x193: {  	v28 =	vld.idx.msk [tilespmem:v51+s6+$0x0], $0xffff;
	v14 =	vmul.bf16 v14, v24;
	v24 =	vmul.f32 v61, v6;
	v3 =	vadd.f32 v18, v3  }
0x194: {  	v30 =	vld.idx.msk [tilespmem:v49+s23+$0x0], $0xffff;
	v20 =	vmul.f32 v20, v8;
	v26 =	vmul.bf16 v26, v23;
	v22 =	vadd.f32 v36, v22  }
0x195: {  	v32 =	vmul.f32 v58, v8;
	v31 =	vld.idx.msk [tilespmem:v51+s24+$0x0], $0xffff;
	v23 =	vunpack.i.u.bf16.f32 v14;
	v3 =	vadd.f32 v24, v3  }
0x196: {  	v36 =	vld.idx.msk [tilespmem:v13+s23+$0x0], $0xffff;
	v24 =	vmul.f32 v23, v6;
	v23 =	vadd.f32 v20, v22;
	v22 =	vunpack.i.l.bf16.f32 v26  }
0x197: {  	v37 =	vmul.bf16 v29, v57;
	v20 =	vld.idx.msk [tilespmem:v63+s23+$0x0], $0xffff;
	v3 =	vadd.f32 v32, v3;
	v63 =	vmul.f32 v22, v7  }
0x198: {  	v34 =	vunpack.i.u.bf16.f32 v62;
	v29 =	vunpack.i.l.bf16.f32 v62;
	v18 =	vld.idx.msk [tilespmem:v49+s24+$0x0], $0xffff;
	v14 =	vunpack.i.l.bf16.f32 v14  }
0x199: {  	s16 =	simm.s32 $0x100;
	v26 =	vunpack.i.u.bf16.f32 v26;
	v32 =	vld.idx.msk [tilespmem:v15+s24+$0x0], $0xffff;
	v22 =	vmul.f32 v14, v6;
	v3 =	vadd.f32 v63, v3  }
.LBB2_12:
0x19a: {  	s8 =	sshra.s32 s16, $0x2;
	p1 =	sne.s32 s16, $0x3F00;
	s16 =	sadd.s32 $0x100, s16;
	v16 =	vmul.bf16 v17, v16;
	v17 =	vld.idx.msk [tilespmem:v15+s23+$0x0], $0xffff;
	v14 =	vmul.bf16 v28, v27  }
0x19b: {  	v27 =	vmul.bf16 v36, v30;
	v15 =	vunpack.i.u.bf16.f32 v37;
	v21 =	vld [tilespmem:s8+$0x11020]  }
0x19c: {  	v19 =	vmul.bf16 v25, v19;
	v25 =	vmul.bf16 v31, v35;
	v28 =	vld [tilespmem:s8+$0x11000];
	v30 =	vunpack.i.l.bf16.f32 v14  }
0x19d: {  	v35 =	vunpack.i.l.bf16.f32 v37;
	v36 =	vmul.f32 v15, v6;
	v14 =	vunpack.i.u.bf16.f32 v14;
	v31 =	vld [tilespmem:s8+$0x11010]  }
0x19e: {  	v37 =	vunpack.i.u.bf16.f32 v16;
	v30 =	vmul.f32 v30, v7;
	v38 =	vunpack.i.u.bf16.f32 v25  }
0x19f: {  	v35 =	vmul.f32 v35, v6;
	v40 =	vmul.f32 v14, v7;
	v25 =	vunpack.i.l.bf16.f32 v25;
	v39 =	vld.idx.msk [tilespmem:v13+s24+$0x0], $0xffff  }
0x1a0: {  	v4 =	vmul.bf16 v20, v4;
	v15 =	vshrl.u32 v21, $0xE;
	v14 =	vand.u32 $0x3FFF, v21;
	v41 =	vld [tilespmem:s8+$0x13030]  }
0x1a1: {  	v34 =	vmul.f32 v34, v5;
	v21 =	vshrl.u32 v28, $0xE;
	v13 =	vand.u32 $0x3FFF, v28;
	v28 =	vld [tilespmem:s8+$0x13020]  }
0x1a2: {  	v42 =	vld [tilespmem:s8+$0x13010];
	v43 =	vshrl.u32 v31, $0xE;
	v20 =	vand.u32 $0x3FFF, v31;
	v31 =	vmul.bf16 v33, v32  }
0x1a3: {  	v11 =	vadd.f32 v34, v11;
	v34 =	vmul.bf16 v12, v17;
	v33 =	vunpack.i.l.bf16.f32 v16;
	v32 =	vld [tilespmem:s8+$0x11030]  }
0x1a4: {  	v29 =	vmul.f32 v29, v5;
	v17 =	vmul.f32 v26, v7;
	v16 =	vunpack.i.u.bf16.f32 v27;
	v44 =	vld [tilespmem:s8+$0x13000]  }
0x1a5: {  	v11 =	vadd.f32 v24, v11;
	v24 =	vunpack.i.l.bf16.f32 v4;
	v26 =	vmul.f32 v16, v5;
	v12 =	vld.idx.msk [tilespmem:v14+s23+$0x0], $0xffff  }
0x1a6: {  	v46 =	vunpack.i.u.bf16.f32 v19;
	v45 =	vunpack.i.u.bf16.f32 v34;
	v23 =	vadd.f32 v17, v23;
	v16 =	vld.idx.msk [tilespmem:v15+s6+$0x0], $0xffff  }
0x1a7: {  	v10 =	vadd.f32 v29, v10;
	v29 =	vunpack.i.u.bf16.f32 v4;
	v47 =	vunpack.i.l.bf16.f32 v31;
	v17 =	vld.idx.msk [tilespmem:v14+s6+$0x0], $0xffff  }
0x1a8: {  	v4 =	vunpack.i.l.bf16.f32 v27;
	v18 =	vmul.bf16 v39, v18;
	v48 =	vld.idx.msk [tilespmem:v14+s25+$0x0], $0xffff;
	v49 =	vshrl.u32 v32, $0xE  }
0x1a9: {  	v10 =	vadd.f32 v22, v10;
	v22 =	vmul.f32 v37, v8;
	v32 =	vand.u32 $0x3FFF, v32;
	v27 =	vld.idx.msk [tilespmem:v15+s25+$0x0], $0xffff  }
0x1aa: {  	v19 =	vunpack.i.l.bf16.f32 v19;
	v33 =	vmul.f32 v33, v8;
	v39 =	vmul.f32 v4, v5;
	v37 =	vld.idx.msk [tilespmem:v13+s25+$0x0], $0xffff  }
0x1ab: {  	v46 =	vmul.f32 v46, v7;
	v31 =	vunpack.i.u.bf16.f32 v31;
	v51 =	vunpack.i.l.bf16.f32 v18;
	v50 =	vld.idx.msk [tilespmem:v20+s25+$0x0], $0xffff  }
0x1ac: {  	v31 =	vmul.f32 v31, v8;
	v18 =	vunpack.i.u.bf16.f32 v18;
	v51 =	vmul.f32 v51, v5;
	v4 =	vld.idx.msk [tilespmem:v43+s23+$0x0], $0xffff  }
0x1ad: {  	v24 =	vmul.f32 v24, v6;
	v11 =	vadd.f32 v22, v11;
	v22 =	vmul.f32 v47, v8;
	v52 =	vld.idx.msk [tilespmem:v43+s25+$0x0], $0xffff  }
0x1ae: {  	v0 =	vadd.f32 v39, v0;
	v39 =	vmul.f32 v45, v8;
	v18 =	vmul.f32 v18, v5;
	v47 =	vld.idx.msk [tilespmem:v21+s25+$0x0], $0xffff  }
0x1af: {  	v34 =	vunpack.i.l.bf16.f32 v34;
	v9 =	vadd.f32 v51, v9;
	v5 =	vmovc v44;
	v27 =	vmul.bf16 v48, v27;
	v45 =	vld.idx.msk [tilespmem:v13+s6+$0x0], $0xffff  }
0x1b0: {  	v6 =	vmul.f32 v29, v6;
	v29 =	vmul.f32 v38, v7;
	v0 =	vadd.f32 v24, v0;
	v44 =	vld.idx.msk [tilespmem:v20+s24+$0x0], $0xffff  }
0x1b1: {  	v10 =	vadd.f32 v33, v10;
	v33 =	vmul.f32 v34, v8;
	v8 =	vmovc v28;
	v24 =	vunpack.i.u.bf16.f32 v27;
	v38 =	vld.idx.msk [tilespmem:v43+s24+$0x0], $0xffff  }
0x1b2: {  	v11 =	vadd.f32 v40, v11;
	v2 =	vadd.f32 v18, v2;
	v18 =	vmul.f32 v19, v7;
	v34 =	vld.idx.msk [tilespmem:v32+s25+$0x0], $0xffff  }
0x1b3: {  	v1 =	vadd.f32 v26, v1;
	v0 =	vadd.f32 v33, v0;
	v28 =	vmul.bf16 v50, v52;
	v19 =	vld.idx.msk [tilespmem:v49+s23+$0x0], $0xffff  }
0x1b4: {  	v10 =	vadd.f32 v30, v10;
	v33 =	vmul.f32 v25, v7;
	v7 =	vmovc v41;
	v27 =	vunpack.i.l.bf16.f32 v27;
	v26 =	vld.idx.msk [tilespmem:v20+s6+$0x0], $0xffff  }
0x1b5: {  	v9 =	vadd.f32 v35, v9;
	v0 =	vadd.f32 v18, v0;
	v30 =	vmul.bf16 v37, v47;
	v37 =	vld.idx.msk [tilespmem:v43+s6+$0x0], $0xffff  }
0x1b6: {  	v1 =	vadd.f32 v6, v1;
	v2 =	vadd.f32 v36, v2;
	v40 =	vmul.f32 v27, v8;
	v35 =	vld.idx.msk [tilespmem:v49+s25+$0x0], $0xffff  }
0x1b7: {  	v6 =	vmovc v42;
	v9 =	vadd.f32 v22, v9;
	v41 =	vmul.f32 v24, v8;
	v18 =	vunpack.i.u.bf16.f32 v30;
	v25 =	vld.idx.msk [tilespmem:v32+s23+$0x0], $0xffff  }
0x1b8: {  	v1 =	vadd.f32 v39, v1;
	v22 =	vunpack.i.l.bf16.f32 v30;
	v18 =	vmul.f32 v18, v5;
	v27 =	vld.idx.msk [tilespmem:v49+s6+$0x0], $0xffff  }
0x1b9: {  	v2 =	vadd.f32 v31, v2;
	v24 =	vunpack.i.u.bf16.f32 v28;
	v36 =	vunpack.i.l.bf16.f32 v28;
	v28 =	vld.idx.msk [tilespmem:v32+s6+$0x0], $0xffff  }
0x1ba: {  	v22 =	vmul.f32 v22, v5;
	v18 =	vadd.f32 v18, v23;
	v23 =	vmul.f32 v24, v6;
	v39 =	vld.idx.msk [tilespmem:v21+s6+$0x0], $0xffff  }
0x1bb: {  	v1 =	vadd.f32 v46, v1;
	v9 =	vadd.f32 v33, v9;
	v24 =	vmul.bf16 v26, v37;
	v30 =	vld.idx.msk [tilespmem:v21+s23+$0x0], $0xffff  }
0x1bc: {  	v3 =	vadd.f32 v22, v3;
	v22 =	vmul.f32 v36, v6;
	v23 =	vadd.f32 v23, v18;
	v31 =	vld.idx.msk [tilespmem:v32+s24+$0x0], $0xffff  }
0x1bd: {  	v33 =	vmul.bf16 v34, v35;
	v32 =	vunpack.i.l.bf16.f32 v24;
	v18 =	vld.idx.msk [tilespmem:v21+s24+$0x0], $0xffff;
	v21 =	vunpack.i.u.bf16.f32 v24  }
.Ltmp7:
0x1be: {  	v3 =	vadd.f32 v22, v3;
	v23 =	vadd.f32 v41, v23;
	v36 =	vld.idx.msk [tilespmem:v13+s23+$0x0], $0xffff;
	v24 =	vmul.f32 v21, v6;
	(pc) =	sbr.rel @p1 .LBB2_12-.Ltmp7, $4  }
0x1bf: {  	v2 =	vadd.f32 v29, v2;
	v26 =	vunpack.i.u.bf16.f32 v33;
	v21 =	vunpack.i.l.bf16.f32 v33;
	v35 =	vld.idx.msk [tilespmem:v49+s24+$0x0], $0xffff  }
0x1c0: {  	v3 =	vadd.f32 v40, v3;
	v29 =	vmul.bf16 v45, v39;
	v21 =	vmul.f32 v21, v7;
	v20 =	vld.idx.msk [tilespmem:v20+s23+$0x0], $0xffff  }
0x1c1: {  	v37 =	vmul.bf16 v44, v38;
	v22 =	vmul.f32 v32, v6;
	v32 =	vld.idx.msk [tilespmem:v15+s24+$0x0], $0xffff  }
0x1c2: {  	v34 =	vunpack.i.u.bf16.f32 v29;
	v29 =	vunpack.i.l.bf16.f32 v29;
	v3 =	vadd.f32 v21, v3;
	v33 =	vld.idx.msk [tilespmem:v14+s24+$0x0], $0xffff  }
0x1c3: {  	v14 =	vmul.bf16 v28, v27;
	v16 =	vmul.bf16 v17, v16  }
0x1c4: {  	v17 =	vmul.bf16 v36, v30;
	v19 =	vmul.bf16 v25, v19  }
0x1c5: {  	v21 =	vunpack.i.u.bf16.f32 v37;
	v34 =	vmul.f32 v34, v5;
	v29 =	vmul.f32 v29, v5  }
0x1c6: {  	v51 =	vunpack.i.l.bf16.f32 v37;
	v26 =	vmul.f32 v26, v7;
	v50 =	vmul.bf16 v31, v35  }
0x1c7: {  	v21 =	vmul.f32 v21, v6;
	v28 =	vmul.f32 v51, v6;
	v27 =	vunpack.i.l.bf16.f32 v14  }
0x1c8: {  	v14 =	vunpack.i.u.bf16.f32 v14;
	v52 =	vunpack.i.u.bf16.f32 v16;
	v4 =	vmul.bf16 v20, v4  }
0x1c9: {  	v15 =	vld.idx.msk [tilespmem:v15+s23+$0x0], $0xffff;
	v11 =	vadd.f32 v34, v11;
	v16 =	vunpack.i.l.bf16.f32 v16;
	v57 =	vunpack.i.u.bf16.f32 v19  }
0x1ca: {  	v13 =	vld.idx.msk [tilespmem:v13+s24+$0x0], $0xffff;
	v10 =	vadd.f32 v29, v10;
	v19 =	vunpack.i.l.bf16.f32 v19;
	v27 =	vmul.f32 v27, v7  }
0x1cb: {  	v31 =	vunpack.i.u.bf16.f32 v50;
	v14 =	vmul.f32 v14, v7;
	v59 =	vmul.f32 v52, v8  }
0x1cc: {  	v25 =	vunpack.i.l.bf16.f32 v50;
	v16 =	vmul.f32 v16, v8;
	v61 =	vmul.f32 v57, v7  }
0x1cd: {  	v53 =	vmul.bf16 v33, v32;
	v11 =	vadd.f32 v24, v11;
	v55 =	vunpack.i.l.bf16.f32 v4  }
0x1ce: {  	v4 =	vunpack.i.u.bf16.f32 v4;
	v10 =	vadd.f32 v22, v10;
	v12 =	vmul.bf16 v12, v15  }
0x1cf: {  	v15 =	vunpack.i.u.bf16.f32 v17;
	v13 =	vmul.bf16 v13, v18;
	v24 =	vmul.f32 v55, v6  }
0x1d0: {  	v17 =	vunpack.i.l.bf16.f32 v17;
	v4 =	vmul.f32 v4, v6;
	v54 =	vmul.f32 v15, v5  }
0x1d1: {  	v15 =	vadd.f32 v26, v23;
	v58 =	vunpack.i.l.bf16.f32 v53;
	v17 =	vmul.f32 v17, v5  }
0x1d2: {  	v20 =	vunpack.i.u.bf16.f32 v53;
	v11 =	vadd.f32 v59, v11;
	v10 =	vadd.f32 v16, v10  }
0x1d3: {  	v56 =	vunpack.i.u.bf16.f32 v12;
	v60 =	vunpack.i.l.bf16.f32 v13;
	v13 =	vunpack.i.u.bf16.f32 v13  }
0x1d4: {  	v20 =	vmul.f32 v20, v8;
	v12 =	vunpack.i.l.bf16.f32 v12;
	v22 =	vmul.f32 v60, v5  }
0x1d5: {  	v0 =	vadd.f32 v17, v0;
	v5 =	vmul.f32 v13, v5;
	v1 =	vadd.f32 v54, v1  }
0x1d6: {  	v12 =	vmul.f32 v12, v8;
	v6 =	vadd.f32 v14, v11;
	v9 =	vadd.f32 v22, v9  }
0x1d7: {  	v13 =	vmul.f32 v58, v8;
	v0 =	vadd.f32 v24, v0;
	v2 =	vadd.f32 v5, v2  }
0x1d8: {  	v8 =	vmul.f32 v56, v8;
	v1 =	vadd.f32 v4, v1;
	v5 =	vadd.f32 v27, v10  }
.Ltmp8:
0x1d9: {  	v63 =	vmul.f32 v19, v7;
	v4 =	vadd.f32 v28, v9;
	v2 =	vadd.f32 v21, v2;
	(pc) =	sbr.rel .LBB2_14-.Ltmp8, $4  }
0x1da: {  	v62 =	vmul.f32 v31, v7;
	v0 =	vadd.f32 v12, v0;
	v8 =	vadd.f32 v8, v1  }
0x1db: {  	v7 =	vmul.f32 v25, v7;
	v4 =	vadd.f32 v13, v4;
	v2 =	vadd.f32 v20, v2  }
0x1dc: {  	v1 =	vadd.f32 v63, v0;
	v0 =	vadd.f32 v61, v8  }
0x1dd: {  	v4 =	vadd.f32 v7, v4;
	v2 =	vadd.f32 v62, v2  }
.LBB2_15:
0x1de: {  	_ =	sfence.sel $0x180000  }
0x1df: {  	[bflag:$0x0] =	sbarrier.arrive $0xFFFF  }
0x1e0: {  	_ =	strace $0x90000047  }
0x1e1: {  	s0 =	stileid.u32;
	[bflag:$0x2] =	sbarrier.arrive $0xFFFF  }
0x1e2: {  	p0 =	sne.s32 s0, $0x0;
	s0 =	rddreg [dreg:$0x6]  }
0x1e3: {  	s0 =	sadd.s32 @!p0 $0x100000, s0  }
0x1e4: {  	[sflag:s0] =	ssyncadd.tile.s32 @!p0 $0x1;
	_ =	shalt  }
.Lfunc_end2:
_tile_overlayer_lowered:
.L_overlay_start_2:
0x1e5: {  	(tag) =	ssettag $0x2  }
0x1e6: {  	s0 =	rddreg [dreg:$0x0];
	s2 =	stileid.u32  }
0x1e7: {  	s1 =	rddreg [dreg:$0x1];
	p0 =	sne.s32 s2, $0x0  }
0x1e8: {  	s3 =	rddreg [dreg:$0x2];
	[bflag:$0x3] =	sbarrier.arrive $0xFFFF;
	s2 =	simm.s32 @!p0 $0x1C05  }
0x1e9: {  	[timem:s3], [sflag:s2] =	dma.local @!p0 [hbm:s0], s1  }
0x1ea: {  	s0 =	simm.s32 @!p0 $0x5  }
0x1eb: {  	_ =	swait.ge @!p0 [sflag:s0], s1  }
0x1ec: {  	s1 =	ssub.s32 @!p0 $0x0, s1;
	[sflag:s0] =	ssyncset.done @!p0 $0x0  }
0x1ed: {  	[sflag:s0] =	ssyncadd.s32 @!p0 s1  }
0x1ee: {  	[bflag:$0x3] =	sbarrier.arrive $0xFFFF  }
0x1ef: {  	_ =	shalt  }

</sc_bundles>
